<compile_context>
chip_gen: v7x
topology: tpu7x:2x2x1
jax: 0.10.2.dev20260603
libtpu: 0.0.44.dev20260713+nightly
codegen_flags: <defaults>
</compile_context>

<pallas_src>
import functools

import jax
import jax.numpy as jnp
from jax import lax
from jax.experimental import pallas as pl
from jax.experimental.pallas import tpu as pltpu
from jax.experimental.pallas import tpu_sc as plsc

_N = 10000
_E = 320000
_D = 128
_NEG = 0.2

_NC = 2
_NS = 16
_NW = _NC * _NS

_C = 128
_NCH = 81
_EW = _C * _NCH
_EP = _EW * _NW

_NA = 10240
_RPT = _NA // _NS


def _tc_pre(x_ref, w_ref, wi_ref, wj_ref, xl_ref, ai_ref, aj_ref):
    xl = jnp.dot(x_ref[...], w_ref[...], preferred_element_type=jnp.float32)
    xl_ref[...] = xl
    ai_ref[...] = jnp.dot(xl, wi_ref[...], preferred_element_type=jnp.float32)
    aj_ref[...] = jnp.dot(xl, wj_ref[...], preferred_element_type=jnp.float32)


def _sc_edges(xl_hbm, ai_hbm, aj_hbm, src_hbm, dstg_hbm, dste_hbm,
              acc_out, den_out,
              acc_sh, den_sh, ai_v, aj_v, src_c, dstg_c, dste_c,
              rows_v, p_c, sem):
    c = lax.axis_index("c")
    s = lax.axis_index("s")
    wid = c * _NS + s

    pltpu.sync_copy(ai_hbm, ai_v)
    pltpu.sync_copy(aj_hbm, aj_v)

    def _zrow(e, carry):
        for j in range(8):
            rows_v[e, pl.ds(j * 16, 16)] = jnp.zeros((16,), jnp.float32)
        return carry

    lax.fori_loop(0, _C, _zrow, 0)
    for j in range(_C // 16):
        p_c[pl.ds(j * 16, 16)] = jnp.zeros((16,), jnp.float32)

    r0 = s * _RPT
    for kk in range(_RPT // _C):
        pltpu.sync_copy(rows_v, acc_sh.at[pl.ds(r0 + kk * _C, _C)])
        pltpu.sync_copy(p_c, den_sh.at[pl.ds(r0 + kk * _C, _C)])

    plsc.subcore_barrier()

    def _chunk(k, carry):
        pltpu.sync_copy(src_hbm.at[wid].at[k], src_c)
        pltpu.sync_copy(dstg_hbm.at[wid].at[k], dstg_c)
        pltpu.sync_copy(dste_hbm.at[wid].at[k], dste_c)
        rows_dma = pltpu.async_copy(xl_hbm.at[src_c], rows_v, sem)

        def _pg(j, carry2):
            sidx = src_c[pl.ds(j * 16, 16)]
            didx = dstg_c[pl.ds(j * 16, 16)]
            a = plsc.load_gather(ai_v, [didx]) + plsc.load_gather(aj_v, [sidx])
            a = jnp.maximum(a, a * _NEG)
            p_c[pl.ds(j * 16, 16)] = jnp.exp(a)
            return carry2

        lax.fori_loop(0, _C // 16, _pg, 0)
        rows_dma.wait()

        def _scale(g, carry2):
            pv = p_c[pl.ds(g * 16, 16)]
            for e in range(16):
                pe = pv[e]
                row = g * 16 + e
                for j in range(8):
                    rows_v[row, pl.ds(j * 16, 16)] = (
                        rows_v[row, pl.ds(j * 16, 16)] * pe)
            return carry2

        lax.fori_loop(0, _C // 16, _scale, 0)
        pltpu.sync_copy(rows_v, acc_sh.at[dste_c], add=True)
        pltpu.sync_copy(p_c, den_sh.at[dste_c], add=True)
        return carry

    lax.fori_loop(0, _NCH, _chunk, 0)

    plsc.subcore_barrier()

    pltpu.sync_copy(acc_sh.at[pl.ds(r0, _RPT)], acc_out.at[c].at[pl.ds(r0, _RPT)])
    pltpu.sync_copy(den_sh.at[pl.ds(r0, _RPT)], den_out.at[c].at[pl.ds(r0, _RPT)])


_sc_edges_kernel = functools.partial(
    pl.kernel,
    out_type=[
        jax.ShapeDtypeStruct((_NC, _NA, _D), jnp.float32),
        jax.ShapeDtypeStruct((_NC, _NA), jnp.float32),
    ],
    mesh=plsc.VectorSubcoreMesh(core_axis_name="c", subcore_axis_name="s"),
    compiler_params=pltpu.CompilerParams(needs_layout_passes=False),
    scratch_types=[
        pltpu.VMEM_SHARED((_NA, _D), jnp.float32),
        pltpu.VMEM_SHARED((_NA,), jnp.float32),
        pltpu.VMEM((_N,), jnp.float32),
        pltpu.VMEM((_N,), jnp.float32),
        pltpu.VMEM((_C,), jnp.int32),
        pltpu.VMEM((_C,), jnp.int32),
        pltpu.VMEM((_C,), jnp.int32),
        pltpu.VMEM((_C, _D), jnp.float32),
        pltpu.VMEM((_C,), jnp.float32),
        pltpu.SemaphoreType.DMA,
    ],
)(_sc_edges)


def _tc_post(acc_ref, d0_ref, d1_ref, sw_ref, sb_ref, b_ref, g_ref, be_ref,
             y_ref):
    agg = acc_ref[0, :_N, :] + acc_ref[1, :_N, :]
    out = agg / (d0_ref[...] + d1_ref[...] + 1e-16)
    out2 = (jnp.dot(out, sw_ref[...], preferred_element_type=jnp.float32)
            + sb_ref[...] + b_ref[...])
    mu = jnp.mean(out2, axis=0, keepdims=True)
    var = jnp.mean((out2 - mu) ** 2, axis=0, keepdims=True)
    obn = (out2 - mu) * lax.rsqrt(var + 1e-5) * g_ref[...] + be_ref[...]
    y_ref[...] = out2 + jnp.maximum(obn, 0.0)


def kernel(x, edge_index, lin_w, att_i, att_j, struct_w, struct_b, bias,
           bn_gamma, bn_beta):
    src0 = edge_index[0].astype(jnp.int32)
    dst0 = edge_index[1].astype(jnp.int32)
    loops = jnp.arange(_N, dtype=jnp.int32)
    dste0 = jnp.where(src0 == dst0, _N, dst0)

    npad = _EP - (_E + _N)
    padi = jnp.arange(npad, dtype=jnp.int32)
    pad_src = (padi * 37) % _N
    pad_dste = _N + padi % (_NA - _N)

    src_all = jnp.concatenate([src0, loops, pad_src]).reshape(_NW, _NCH, _C)
    dstg_all = jnp.concatenate([dst0, loops, pad_src]).reshape(_NW, _NCH, _C)
    dste_all = jnp.concatenate([dste0, loops, pad_dste]).reshape(_NW, _NCH, _C)

    xl, ai, aj = pl.pallas_call(
        _tc_pre,
        out_shape=[
            jax.ShapeDtypeStruct((_N, _D), jnp.float32),
            jax.ShapeDtypeStruct((_N, 1), jnp.float32),
            jax.ShapeDtypeStruct((_N, 1), jnp.float32),
        ],
    )(x, lin_w, att_i.reshape(_D, 1), att_j.reshape(_D, 1))

    acc, den = _sc_edges_kernel(xl, ai.reshape(_N), aj.reshape(_N),
                                src_all, dstg_all, dste_all)

    d0 = den[0, :_N].reshape(_N, 1)
    d1 = den[1, :_N].reshape(_N, 1)
    y = pl.pallas_call(
        _tc_post,
        out_shape=jax.ShapeDtypeStruct((_N, _D), jnp.float32),
    )(acc, d0, d1, struct_w, struct_b.reshape(1, _D), bias.reshape(1, _D),
      bn_gamma.reshape(1, _D), bn_beta.reshape(1, _D))
    return y

# --- scband reference (transcript-rebuilt; emitter-appended) ---
"""Pipeline reference for scband-dynamic-graph-embedding-17660905521895 (READ-ONLY COPY).

The authoritative reference and input builder live on the scoring server;
editing this copy changes nothing except your own understanding.
"""

import jax, jax.numpy as jnp
import numpy as np

N = 10000
E = 320000
D_IN = 128
HEADS = 1
D_OUT = 128
NEG_SLOPE = 0.2


def setup_inputs(seed: int = 0) -> dict:
    key = jax.random.key(seed)
    ks = jax.random.split(key, 12)
    x = jax.random.normal(ks[0], (N, D_IN), dtype=jnp.float32)
    src = jax.random.randint(ks[1], (E,), 0, N)
    dst = jax.random.randint(ks[2], (E,), 0, N)
    edge_index = jnp.stack([src, dst], axis=0).astype(jnp.int64)
    HC = HEADS * D_OUT
    # glorot-style init
    lin_w = jax.random.normal(ks[3], (D_IN, HC), dtype=jnp.float32) * np.sqrt(2.0 / (D_IN + HC))
    att_i = jax.random.normal(ks[4], (1, HEADS, D_OUT), dtype=jnp.float32) * np.sqrt(2.0 / (HEADS * D_OUT))
    att_j = jax.random.normal(ks[5], (1, HEADS, D_OUT), dtype=jnp.float32) * np.sqrt(2.0 / (HEADS * D_OUT))
    struct_w = jax.random.normal(ks[6], (HC, HC), dtype=jnp.float32) * np.sqrt(2.0 / (HC + HC))
    struct_b = jnp.zeros((HC,), dtype=jnp.float32)
    bias = jnp.zeros((HC,), dtype=jnp.float32)
    bn_gamma = jnp.ones((D_OUT,), dtype=jnp.float32)
    bn_beta = jnp.zeros((D_OUT,), dtype=jnp.float32)
    return {
        "x": x,
        "edge_index": edge_index,
        "lin_w": lin_w,
        "att_i": att_i,
        "att_j": att_j,
        "struct_w": struct_w,
        "struct_b": struct_b,
        "bias": bias,
        "bn_gamma": bn_gamma,
        "bn_beta": bn_beta,
    }


def reference(x, edge_index, lin_w, att_i, att_j, struct_w, struct_b, bias, bn_gamma, bn_beta):
    HC = HEADS * D_OUT
    # lin (no bias)
    xl = x @ lin_w  # [N, H*C]
    # remove self loops (fixed-shape masked equivalent of torch_geometric remove_self_loops:
    # self-loop edges are redirected to trash segment N instead of being dropped)
    src0 = edge_index[0]
    dst0 = edge_index[1]
    keep = src0 != dst0
    dst0_eff = jnp.where(keep, dst0, N)
    # add self loops for every node
    loops = jnp.arange(N, dtype=edge_index.dtype)
    src = jnp.concatenate([src0, loops])
    dst = jnp.concatenate([dst0_eff, loops])
    dst_gather = jnp.concatenate([dst0, loops])
    # gather messages: x_j = source features, x_i = target features
    x_j = xl[src].reshape(-1, HEADS, D_OUT)
    x_i = xl[dst_gather].reshape(-1, HEADS, D_OUT)
    # no edge_weights / embedding -> x_j_struct = x_j, keys are raw features
    alpha = (x_i * att_i).sum(-1) + (x_j * att_j).sum(-1)  # [E', H]
    alpha = jax.nn.leaky_relu(alpha, NEG_SLOPE)
    # segment softmax over destination nodes (extra segment N collects masked edges)
    amax = jax.ops.segment_max(alpha, dst, num_segments=N + 1)
    amax = jnp.where(jnp.isfinite(amax), amax, 0.0)
    a_exp = jnp.exp(alpha - amax[dst])
    a_sum = jax.ops.segment_sum(a_exp, dst, num_segments=N + 1)
    alpha_n = a_exp / (a_sum[dst] + 1e-16)  # [E', H]
    msgs = x_j * alpha_n[..., None]  # [E', H, C]
    # aggregate (add) at destination, drop trash segment
    out = jax.ops.segment_sum(msgs.reshape(-1, HC), dst, num_segments=N + 1)[:N]  # [N, H*C]
    # struct transform + bias
    out = out @ struct_w + struct_b
    out = out + bias
    # concat=True branch: BN over head-mean, relu, residual broadcast back over heads
    out_for_bn = out.reshape(-1, HEADS, D_OUT).mean(axis=1)  # [N, C]
    mu = out_for_bn.mean(axis=0)
    var = out_for_bn.var(axis=0)
    out_for_bn = (out_for_bn - mu) / jnp.sqrt(var + 1e-5) * bn_gamma + bn_beta
    out_for_bn = jax.nn.relu(out_for_bn)
    out = out + jnp.tile(out_for_bn, (1, HEADS))
    return out

if __name__ == "__main__":
    import jax
    _d = setup_inputs()
    print(jax.jit(kernel)(*tuple(_d.values())))

</pallas_src>

<mosaic_0001>
#map = affine_map<(d0, d1) -> (0, 0)>
#map1 = affine_map<(d0, d1) -> (0)>
#map2 = affine_map<(d0, d1) -> (0, 0, 0)>
module attributes {stable_mosaic.version = 14 : i64} {
  func.func @_sc_edges(%arg0: i32, %arg1: i32, %arg2: memref<10000x128xf32, #tpu.memory_space<hbm>>, %arg3: memref<10000xf32, #tpu.memory_space<hbm>>, %arg4: memref<10000xf32, #tpu.memory_space<hbm>>, %arg5: memref<32x81x128xi32, #tpu.memory_space<hbm>>, %arg6: memref<32x81x128xi32, #tpu.memory_space<hbm>>, %arg7: memref<32x81x128xi32, #tpu.memory_space<hbm>>, %arg8: memref<2x10240x128xf32, #tpu.memory_space<hbm>>, %arg9: memref<2x10240xf32, #tpu.memory_space<hbm>>, %arg10: memref<10240x128xf32, #tpu.memory_space<vmem_shared>>, %arg11: memref<10240xf32, #tpu.memory_space<vmem_shared>>, %arg12: memref<10000xf32, #tpu.memory_space<vmem>>, %arg13: memref<10000xf32, #tpu.memory_space<vmem>>, %arg14: memref<128xi32, #tpu.memory_space<vmem>>, %arg15: memref<128xi32, #tpu.memory_space<vmem>>, %arg16: memref<128xi32, #tpu.memory_space<vmem>>, %arg17: memref<128x128xf32, #tpu.memory_space<vmem>>, %arg18: memref<128xf32, #tpu.memory_space<vmem>>, %arg19: memref<!tpu.dma_semaphore, #tpu.memory_space<semaphore_mem>>) attributes {dimension_semantics = [#tpu.dimension_semantics<core_parallel>, #tpu.dimension_semantics<subcore_parallel>], iteration_bounds = array<i64: 2, 16>, scalar_prefetch = 0 : i64, scratch_operands = 10 : i64, tpu.core_type = #tpu.core_type<sc_vector_subcore>, window_params = [{transform_indices = #map}, {transform_indices = #map1}, {transform_indices = #map1}, {transform_indices = #map2}, {transform_indices = #map2}, {transform_indices = #map2}, {transform_indices = #map2}, {transform_indices = #map}]} {
    %mul3A = arith.constant 16 : i32
    %mul3A_0 = arith.muli %arg0, %mul3A : i32
    %add3A = arith.addi %mul3A_0, %arg1 : i32
    "tpu.region"() ({
      %run_scoped3A = tpu.sem_alloc : memref<!tpu.dma_semaphore, #tpu.memory_space<semaphore_mem>>
      tpu.enqueue_dma source(%arg3 : memref<10000xf32, #tpu.memory_space<hbm>>) target(%arg12 : memref<10000xf32, #tpu.memory_space<vmem>>) target_semaphore(%run_scoped3A : memref<!tpu.dma_semaphore, #tpu.memory_space<semaphore_mem>>)
      tpu.wait_dma2 semaphore(%run_scoped3A : memref<!tpu.dma_semaphore, #tpu.memory_space<semaphore_mem>>) src(%arg3 : memref<10000xf32, #tpu.memory_space<hbm>>) dst(%arg12 : memref<10000xf32, #tpu.memory_space<vmem>>)
      tpu.yield
    }) : () -> ()
    "tpu.region"() ({
      %run_scoped3A = tpu.sem_alloc : memref<!tpu.dma_semaphore, #tpu.memory_space<semaphore_mem>>
      tpu.enqueue_dma source(%arg4 : memref<10000xf32, #tpu.memory_space<hbm>>) target(%arg13 : memref<10000xf32, #tpu.memory_space<vmem>>) target_semaphore(%run_scoped3A : memref<!tpu.dma_semaphore, #tpu.memory_space<semaphore_mem>>)
      tpu.wait_dma2 semaphore(%run_scoped3A : memref<!tpu.dma_semaphore, #tpu.memory_space<semaphore_mem>>) src(%arg4 : memref<10000xf32, #tpu.memory_space<hbm>>) dst(%arg13 : memref<10000xf32, #tpu.memory_space<vmem>>)
      tpu.yield
    }) : () -> ()
    %scan3A = arith.constant 0 : i32
    %scan3A_1 = arith.constant 0 : i32
    %scan3A_2 = arith.constant 128 : i32
    %scan3A_3 = arith.addi %scan3A_1, %scan3A_2 : i32
    %scan3A_4 = arith.constant 1 : i32
    scf.for %scan3A_65 = %scan3A_1 to %scan3A_3 step %scan3A_4  : i32 {
      %broadcast_in_dim3A_66 = arith.constant 0.000000e+00 : f32
      %broadcast_in_dim3A_67 = vector.broadcast %broadcast_in_dim3A_66 : f32 to vector<16xf32>
      %swap3A_68 = arith.index_cast %scan3A_65 : i32 to index
      %swap3A_69 = arith.constant 0 : index
      %swap3A_70 = tpu.vector_load %arg17[%swap3A_68, %swap3A_69] {strides = array<i32>} : memref<128x128xf32, #tpu.memory_space<vmem>>, vector<16xf32>,
      tpu.vector_store %arg17[%swap3A_68, %swap3A_69], %broadcast_in_dim3A_67 {strides = array<i32>} : memref<128x128xf32, #tpu.memory_space<vmem>>, vector<16xf32>,
      %broadcast_in_dim3A_71 = arith.constant 0.000000e+00 : f32
      %broadcast_in_dim3A_72 = vector.broadcast %broadcast_in_dim3A_71 : f32 to vector<16xf32>
      %swap3A_73 = arith.index_cast %scan3A_65 : i32 to index
      %swap3A_74 = arith.constant 16 : index
      %swap3A_75 = tpu.vector_load %arg17[%swap3A_73, %swap3A_74] {strides = array<i32>} : memref<128x128xf32, #tpu.memory_space<vmem>>, vector<16xf32>,
      tpu.vector_store %arg17[%swap3A_73, %swap3A_74], %broadcast_in_dim3A_72 {strides = array<i32>} : memref<128x128xf32, #tpu.memory_space<vmem>>, vector<16xf32>,
      %broadcast_in_dim3A_76 = arith.constant 0.000000e+00 : f32
      %broadcast_in_dim3A_77 = vector.broadcast %broadcast_in_dim3A_76 : f32 to vector<16xf32>
      %swap3A_78 = arith.index_cast %scan3A_65 : i32 to index
      %swap3A_79 = arith.constant 32 : index
      %swap3A_80 = tpu.vector_load %arg17[%swap3A_78, %swap3A_79] {strides = array<i32>} : memref<128x128xf32, #tpu.memory_space<vmem>>, vector<16xf32>,
      tpu.vector_store %arg17[%swap3A_78, %swap3A_79], %broadcast_in_dim3A_77 {strides = array<i32>} : memref<128x128xf32, #tpu.memory_space<vmem>>, vector<16xf32>,
      %broadcast_in_dim3A_81 = arith.constant 0.000000e+00 : f32
      %broadcast_in_dim3A_82 = vector.broadcast %broadcast_in_dim3A_81 : f32 to vector<16xf32>
      %swap3A_83 = arith.index_cast %scan3A_65 : i32 to index
      %swap3A_84 = arith.constant 48 : index
      %swap3A_85 = tpu.vector_load %arg17[%swap3A_83, %swap3A_84] {strides = array<i32>} : memref<128x128xf32, #tpu.memory_space<vmem>>, vector<16xf32>,
      tpu.vector_store %arg17[%swap3A_83, %swap3A_84], %broadcast_in_dim3A_82 {strides = array<i32>} : memref<128x128xf32, #tpu.memory_space<vmem>>, vector<16xf32>,
      %broadcast_in_dim3A_86 = arith.constant 0.000000e+00 : f32
      %broadcast_in_dim3A_87 = vector.broadcast %broadcast_in_dim3A_86 : f32 to vector<16xf32>
      %swap3A_88 = arith.index_cast %scan3A_65 : i32 to index
      %swap3A_89 = arith.constant 64 : index
      %swap3A_90 = tpu.vector_load %arg17[%swap3A_88, %swap3A_89] {strides = array<i32>} : memref<128x128xf32, #tpu.memory_space<vmem>>, vector<16xf32>,
      tpu.vector_store %arg17[%swap3A_88, %swap3A_89], %broadcast_in_dim3A_87 {strides = array<i32>} : memref<128x128xf32, #tpu.memory_space<vmem>>, vector<16xf32>,
      %broadcast_in_dim3A_91 = arith.constant 0.000000e+00 : f32
      %broadcast_in_dim3A_92 = vector.broadcast %broadcast_in_dim3A_91 : f32 to vector<16xf32>
      %swap3A_93 = arith.index_cast %scan3A_65 : i32 to index
      %swap3A_94 = arith.constant 80 : index
      %swap3A_95 = tpu.vector_load %arg17[%swap3A_93, %swap3A_94] {strides = array<i32>} : memref<128x128xf32, #tpu.memory_space<vmem>>, vector<16xf32>,
      tpu.vector_store %arg17[%swap3A_93, %swap3A_94], %broadcast_in_dim3A_92 {strides = array<i32>} : memref<128x128xf32, #tpu.memory_space<vmem>>, vector<16xf32>,
      %broadcast_in_dim3A_96 = arith.constant 0.000000e+00 : f32
      %broadcast_in_dim3A_97 = vector.broadcast %broadcast_in_dim3A_96 : f32 to vector<16xf32>
      %swap3A_98 = arith.index_cast %scan3A_65 : i32 to index
      %swap3A_99 = arith.constant 96 : index
      %swap3A_100 = tpu.vector_load %arg17[%swap3A_98, %swap3A_99] {strides = array<i32>} : memref<128x128xf32, #tpu.memory_space<vmem>>, vector<16xf32>,
      tpu.vector_store %arg17[%swap3A_98, %swap3A_99], %broadcast_in_dim3A_97 {strides = array<i32>} : memref<128x128xf32, #tpu.memory_space<vmem>>, vector<16xf32>,
      %broadcast_in_dim3A_101 = arith.constant 0.000000e+00 : f32
      %broadcast_in_dim3A_102 = vector.broadcast %broadcast_in_dim3A_101 : f32 to vector<16xf32>
      %swap3A_103 = arith.index_cast %scan3A_65 : i32 to index
      %swap3A_104 = arith.constant 112 : index
      %swap3A_105 = tpu.vector_load %arg17[%swap3A_103, %swap3A_104] {strides = array<i32>} : memref<128x128xf32, #tpu.memory_space<vmem>>, vector<16xf32>,
      tpu.vector_store %arg17[%swap3A_103, %swap3A_104], %broadcast_in_dim3A_102 {strides = array<i32>} : memref<128x128xf32, #tpu.memory_space<vmem>>, vector<16xf32>,
    }
    %scan3A_5 = arith.constant 128 : i32
    %broadcast_in_dim3A = arith.constant 0.000000e+00 : f32
    %broadcast_in_dim3A_6 = vector.broadcast %broadcast_in_dim3A : f32 to vector<16xf32>
    %swap3A = arith.constant 0 : index
    %swap3A_7 = tpu.vector_load %arg18[%swap3A] {strides = array<i32>} : memref<128xf32, #tpu.memory_space<vmem>>, vector<16xf32>,
    tpu.vector_store %arg18[%swap3A], %broadcast_in_dim3A_6 {strides = array<i32>} : memref<128xf32, #tpu.memory_space<vmem>>, vector<16xf32>,
    %broadcast_in_dim3A_8 = arith.constant 0.000000e+00 : f32
    %broadcast_in_dim3A_9 = vector.broadcast %broadcast_in_dim3A_8 : f32 to vector<16xf32>
    %swap3A_10 = arith.constant 16 : index
    %swap3A_11 = tpu.vector_load %arg18[%swap3A_10] {strides = array<i32>} : memref<128xf32, #tpu.memory_space<vmem>>, vector<16xf32>,
    tpu.vector_store %arg18[%swap3A_10], %broadcast_in_dim3A_9 {strides = array<i32>} : memref<128xf32, #tpu.memory_space<vmem>>, vector<16xf32>,
    %broadcast_in_dim3A_12 = arith.constant 0.000000e+00 : f32
    %broadcast_in_dim3A_13 = vector.broadcast %broadcast_in_dim3A_12 : f32 to vector<16xf32>
    %swap3A_14 = arith.constant 32 : index
    %swap3A_15 = tpu.vector_load %arg18[%swap3A_14] {strides = array<i32>} : memref<128xf32, #tpu.memory_space<vmem>>, vector<16xf32>,
    tpu.vector_store %arg18[%swap3A_14], %broadcast_in_dim3A_13 {strides = array<i32>} : memref<128xf32, #tpu.memory_space<vmem>>, vector<16xf32>,
    %broadcast_in_dim3A_16 = arith.constant 0.000000e+00 : f32
    %broadcast_in_dim3A_17 = vector.broadcast %broadcast_in_dim3A_16 : f32 to vector<16xf32>
    %swap3A_18 = arith.constant 48 : index
    %swap3A_19 = tpu.vector_load %arg18[%swap3A_18] {strides = array<i32>} : memref<128xf32, #tpu.memory_space<vmem>>, vector<16xf32>,
    tpu.vector_store %arg18[%swap3A_18], %broadcast_in_dim3A_17 {strides = array<i32>} : memref<128xf32, #tpu.memory_space<vmem>>, vector<16xf32>,
    %broadcast_in_dim3A_20 = arith.constant 0.000000e+00 : f32
    %broadcast_in_dim3A_21 = vector.broadcast %broadcast_in_dim3A_20 : f32 to vector<16xf32>
    %swap3A_22 = arith.constant 64 : index
    %swap3A_23 = tpu.vector_load %arg18[%swap3A_22] {strides = array<i32>} : memref<128xf32, #tpu.memory_space<vmem>>, vector<16xf32>,
    tpu.vector_store %arg18[%swap3A_22], %broadcast_in_dim3A_21 {strides = array<i32>} : memref<128xf32, #tpu.memory_space<vmem>>, vector<16xf32>,
    %broadcast_in_dim3A_24 = arith.constant 0.000000e+00 : f32
    %broadcast_in_dim3A_25 = vector.broadcast %broadcast_in_dim3A_24 : f32 to vector<16xf32>
    %swap3A_26 = arith.constant 80 : index
    %swap3A_27 = tpu.vector_load %arg18[%swap3A_26] {strides = array<i32>} : memref<128xf32, #tpu.memory_space<vmem>>, vector<16xf32>,
    tpu.vector_store %arg18[%swap3A_26], %broadcast_in_dim3A_25 {strides = array<i32>} : memref<128xf32, #tpu.memory_space<vmem>>, vector<16xf32>,
    %broadcast_in_dim3A_28 = arith.constant 0.000000e+00 : f32
    %broadcast_in_dim3A_29 = vector.broadcast %broadcast_in_dim3A_28 : f32 to vector<16xf32>
    %swap3A_30 = arith.constant 96 : index
    %swap3A_31 = tpu.vector_load %arg18[%swap3A_30] {strides = array<i32>} : memref<128xf32, #tpu.memory_space<vmem>>, vector<16xf32>,
    tpu.vector_store %arg18[%swap3A_30], %broadcast_in_dim3A_29 {strides = array<i32>} : memref<128xf32, #tpu.memory_space<vmem>>, vector<16xf32>,
    %broadcast_in_dim3A_32 = arith.constant 0.000000e+00 : f32
    %broadcast_in_dim3A_33 = vector.broadcast %broadcast_in_dim3A_32 : f32 to vector<16xf32>
    %swap3A_34 = arith.constant 112 : index
    %swap3A_35 = tpu.vector_load %arg18[%swap3A_34] {strides = array<i32>} : memref<128xf32, #tpu.memory_space<vmem>>, vector<16xf32>,
    tpu.vector_store %arg18[%swap3A_34], %broadcast_in_dim3A_33 {strides = array<i32>} : memref<128xf32, #tpu.memory_space<vmem>>, vector<16xf32>,
    %mul3A_36 = arith.constant 640 : i32
    %mul3A_37 = arith.muli %arg1, %mul3A_36 : i32
    %add3A_38 = arith.constant 0 : i32
    %add3A_39 = arith.addi %mul3A_37, %add3A_38 : i32
    "tpu.region"() ({
      %run_scoped3A = tpu.sem_alloc : memref<!tpu.dma_semaphore, #tpu.memory_space<semaphore_mem>>
      %dma_start3A = arith.constant 0 : i32
      %dma_start3A_65 = tpu.memref_slice %arg10[%add3A_39, %dma_start3A] : memref<10240x128xf32, #tpu.memory_space<vmem_shared>> -> memref<128x128xf32, #tpu.memory_space<vmem_shared>>
      %dma_start3A_66 = arith.constant 0 : i32
      %dma_start3A_67 = tpu.memref_slice %arg10[%add3A_39, %dma_start3A_66] : memref<10240x128xf32, #tpu.memory_space<vmem_shared>> -> memref<128x128xf32, #tpu.memory_space<vmem_shared>>
      tpu.enqueue_dma source(%arg17 : memref<128x128xf32, #tpu.memory_space<vmem>>) target(%dma_start3A_67 : memref<128x128xf32, #tpu.memory_space<vmem_shared>>) target_semaphore(%run_scoped3A : memref<!tpu.dma_semaphore, #tpu.memory_space<semaphore_mem>>)
      %dma_wait3A = arith.constant 0 : i32
      %dma_wait3A_68 = tpu.memref_slice %arg10[%add3A_39, %dma_wait3A] : memref<10240x128xf32, #tpu.memory_space<vmem_shared>> -> memref<128x128xf32, #tpu.memory_space<vmem_shared>>
      %dma_wait3A_69 = arith.constant 0 : i32
      %dma_wait3A_70 = tpu.memref_slice %arg10[%add3A_39, %dma_wait3A_69] : memref<10240x128xf32, #tpu.memory_space<vmem_shared>> -> memref<128x128xf32, #tpu.memory_space<vmem_shared>>
      tpu.wait_dma2 semaphore(%run_scoped3A : memref<!tpu.dma_semaphore, #tpu.memory_space<semaphore_mem>>) src(%arg17 : memref<128x128xf32, #tpu.memory_space<vmem>>) dst(%dma_wait3A_70 : memref<128x128xf32, #tpu.memory_space<vmem_shared>>)
      tpu.yield
    }) : () -> ()
    %add3A_40 = arith.constant 0 : i32
    %add3A_41 = arith.addi %mul3A_37, %add3A_40 : i32
    "tpu.region"() ({
      %run_scoped3A = tpu.sem_alloc : memref<!tpu.dma_semaphore, #tpu.memory_space<semaphore_mem>>
      %dma_start3A = tpu.memref_slice %arg11[%add3A_41] : memref<10240xf32, #tpu.memory_space<vmem_shared>> -> memref<128xf32, #tpu.memory_space<vmem_shared>>
      %dma_start3A_65 = tpu.memref_slice %arg11[%add3A_41] : memref<10240xf32, #tpu.memory_space<vmem_shared>> -> memref<128xf32, #tpu.memory_space<vmem_shared>>
      tpu.enqueue_dma source(%arg18 : memref<128xf32, #tpu.memory_space<vmem>>) target(%dma_start3A_65 : memref<128xf32, #tpu.memory_space<vmem_shared>>) target_semaphore(%run_scoped3A : memref<!tpu.dma_semaphore, #tpu.memory_space<semaphore_mem>>)
      %dma_wait3A = tpu.memref_slice %arg11[%add3A_41] : memref<10240xf32, #tpu.memory_space<vmem_shared>> -> memref<128xf32, #tpu.memory_space<vmem_shared>>
      %dma_wait3A_66 = tpu.memref_slice %arg11[%add3A_41] : memref<10240xf32, #tpu.memory_space<vmem_shared>> -> memref<128xf32, #tpu.memory_space<vmem_shared>>
      tpu.wait_dma2 semaphore(%run_scoped3A : memref<!tpu.dma_semaphore, #tpu.memory_space<semaphore_mem>>) src(%arg18 : memref<128xf32, #tpu.memory_space<vmem>>) dst(%dma_wait3A_66 : memref<128xf32, #tpu.memory_space<vmem_shared>>)
      tpu.yield
    }) : () -> ()
    %add3A_42 = arith.constant 128 : i32
    %add3A_43 = arith.addi %mul3A_37, %add3A_42 : i32
    "tpu.region"() ({
      %run_scoped3A = tpu.sem_alloc : memref<!tpu.dma_semaphore, #tpu.memory_space<semaphore_mem>>
      %dma_start3A = arith.constant 0 : i32
      %dma_start3A_65 = tpu.memref_slice %arg10[%add3A_43, %dma_start3A] : memref<10240x128xf32, #tpu.memory_space<vmem_shared>> -> memref<128x128xf32, #tpu.memory_space<vmem_shared>>
      %dma_start3A_66 = arith.constant 0 : i32
      %dma_start3A_67 = tpu.memref_slice %arg10[%add3A_43, %dma_start3A_66] : memref<10240x128xf32, #tpu.memory_space<vmem_shared>> -> memref<128x128xf32, #tpu.memory_space<vmem_shared>>
      tpu.enqueue_dma source(%arg17 : memref<128x128xf32, #tpu.memory_space<vmem>>) target(%dma_start3A_67 : memref<128x128xf32, #tpu.memory_space<vmem_shared>>) target_semaphore(%run_scoped3A : memref<!tpu.dma_semaphore, #tpu.memory_space<semaphore_mem>>)
      %dma_wait3A = arith.constant 0 : i32
      %dma_wait3A_68 = tpu.memref_slice %arg10[%add3A_43, %dma_wait3A] : memref<10240x128xf32, #tpu.memory_space<vmem_shared>> -> memref<128x128xf32, #tpu.memory_space<vmem_shared>>
      %dma_wait3A_69 = arith.constant 0 : i32
      %dma_wait3A_70 = tpu.memref_slice %arg10[%add3A_43, %dma_wait3A_69] : memref<10240x128xf32, #tpu.memory_space<vmem_shared>> -> memref<128x128xf32, #tpu.memory_space<vmem_shared>>
      tpu.wait_dma2 semaphore(%run_scoped3A : memref<!tpu.dma_semaphore, #tpu.memory_space<semaphore_mem>>) src(%arg17 : memref<128x128xf32, #tpu.memory_space<vmem>>) dst(%dma_wait3A_70 : memref<128x128xf32, #tpu.memory_space<vmem_shared>>)
      tpu.yield
    }) : () -> ()
    %add3A_44 = arith.constant 128 : i32
    %add3A_45 = arith.addi %mul3A_37, %add3A_44 : i32
    "tpu.region"() ({
      %run_scoped3A = tpu.sem_alloc : memref<!tpu.dma_semaphore, #tpu.memory_space<semaphore_mem>>
      %dma_start3A = tpu.memref_slice %arg11[%add3A_45] : memref<10240xf32, #tpu.memory_space<vmem_shared>> -> memref<128xf32, #tpu.memory_space<vmem_shared>>
      %dma_start3A_65 = tpu.memref_slice %arg11[%add3A_45] : memref<10240xf32, #tpu.memory_space<vmem_shared>> -> memref<128xf32, #tpu.memory_space<vmem_shared>>
      tpu.enqueue_dma source(%arg18 : memref<128xf32, #tpu.memory_space<vmem>>) target(%dma_start3A_65 : memref<128xf32, #tpu.memory_space<vmem_shared>>) target_semaphore(%run_scoped3A : memref<!tpu.dma_semaphore, #tpu.memory_space<semaphore_mem>>)
      %dma_wait3A = tpu.memref_slice %arg11[%add3A_45] : memref<10240xf32, #tpu.memory_space<vmem_shared>> -> memref<128xf32, #tpu.memory_space<vmem_shared>>
      %dma_wait3A_66 = tpu.memref_slice %arg11[%add3A_45] : memref<10240xf32, #tpu.memory_space<vmem_shared>> -> memref<128xf32, #tpu.memory_space<vmem_shared>>
      tpu.wait_dma2 semaphore(%run_scoped3A : memref<!tpu.dma_semaphore, #tpu.memory_space<semaphore_mem>>) src(%arg18 : memref<128xf32, #tpu.memory_space<vmem>>) dst(%dma_wait3A_66 : memref<128xf32, #tpu.memory_space<vmem_shared>>)
      tpu.yield
    }) : () -> ()
    %add3A_46 = arith.constant 256 : i32
    %add3A_47 = arith.addi %mul3A_37, %add3A_46 : i32
    "tpu.region"() ({
      %run_scoped3A = tpu.sem_alloc : memref<!tpu.dma_semaphore, #tpu.memory_space<semaphore_mem>>
      %dma_start3A = arith.constant 0 : i32
      %dma_start3A_65 = tpu.memref_slice %arg10[%add3A_47, %dma_start3A] : memref<10240x128xf32, #tpu.memory_space<vmem_shared>> -> memref<128x128xf32, #tpu.memory_space<vmem_shared>>
      %dma_start3A_66 = arith.constant 0 : i32
      %dma_start3A_67 = tpu.memref_slice %arg10[%add3A_47, %dma_start3A_66] : memref<10240x128xf32, #tpu.memory_space<vmem_shared>> -> memref<128x128xf32, #tpu.memory_space<vmem_shared>>
      tpu.enqueue_dma source(%arg17 : memref<128x128xf32, #tpu.memory_space<vmem>>) target(%dma_start3A_67 : memref<128x128xf32, #tpu.memory_space<vmem_shared>>) target_semaphore(%run_scoped3A : memref<!tpu.dma_semaphore, #tpu.memory_space<semaphore_mem>>)
      %dma_wait3A = arith.constant 0 : i32
      %dma_wait3A_68 = tpu.memref_slice %arg10[%add3A_47, %dma_wait3A] : memref<10240x128xf32, #tpu.memory_space<vmem_shared>> -> memref<128x128xf32, #tpu.memory_space<vmem_shared>>
      %dma_wait3A_69 = arith.constant 0 : i32
      %dma_wait3A_70 = tpu.memref_slice %arg10[%add3A_47, %dma_wait3A_69] : memref<10240x128xf32, #tpu.memory_space<vmem_shared>> -> memref<128x128xf32, #tpu.memory_space<vmem_shared>>
      tpu.wait_dma2 semaphore(%run_scoped3A : memref<!tpu.dma_semaphore, #tpu.memory_space<semaphore_mem>>) src(%arg17 : memref<128x128xf32, #tpu.memory_space<vmem>>) dst(%dma_wait3A_70 : memref<128x128xf32, #tpu.memory_space<vmem_shared>>)
      tpu.yield
    }) : () -> ()
    %add3A_48 = arith.constant 256 : i32
    %add3A_49 = arith.addi %mul3A_37, %add3A_48 : i32
    "tpu.region"() ({
      %run_scoped3A = tpu.sem_alloc : memref<!tpu.dma_semaphore, #tpu.memory_space<semaphore_mem>>
      %dma_start3A = tpu.memref_slice %arg11[%add3A_49] : memref<10240xf32, #tpu.memory_space<vmem_shared>> -> memref<128xf32, #tpu.memory_space<vmem_shared>>
      %dma_start3A_65 = tpu.memref_slice %arg11[%add3A_49] : memref<10240xf32, #tpu.memory_space<vmem_shared>> -> memref<128xf32, #tpu.memory_space<vmem_shared>>
      tpu.enqueue_dma source(%arg18 : memref<128xf32, #tpu.memory_space<vmem>>) target(%dma_start3A_65 : memref<128xf32, #tpu.memory_space<vmem_shared>>) target_semaphore(%run_scoped3A : memref<!tpu.dma_semaphore, #tpu.memory_space<semaphore_mem>>)
      %dma_wait3A = tpu.memref_slice %arg11[%add3A_49] : memref<10240xf32, #tpu.memory_space<vmem_shared>> -> memref<128xf32, #tpu.memory_space<vmem_shared>>
      %dma_wait3A_66 = tpu.memref_slice %arg11[%add3A_49] : memref<10240xf32, #tpu.memory_space<vmem_shared>> -> memref<128xf32, #tpu.memory_space<vmem_shared>>
      tpu.wait_dma2 semaphore(%run_scoped3A : memref<!tpu.dma_semaphore, #tpu.memory_space<semaphore_mem>>) src(%arg18 : memref<128xf32, #tpu.memory_space<vmem>>) dst(%dma_wait3A_66 : memref<128xf32, #tpu.memory_space<vmem_shared>>)
      tpu.yield
    }) : () -> ()
    %add3A_50 = arith.constant 384 : i32
    %add3A_51 = arith.addi %mul3A_37, %add3A_50 : i32
    "tpu.region"() ({
      %run_scoped3A = tpu.sem_alloc : memref<!tpu.dma_semaphore, #tpu.memory_space<semaphore_mem>>
      %dma_start3A = arith.constant 0 : i32
      %dma_start3A_65 = tpu.memref_slice %arg10[%add3A_51, %dma_start3A] : memref<10240x128xf32, #tpu.memory_space<vmem_shared>> -> memref<128x128xf32, #tpu.memory_space<vmem_shared>>
      %dma_start3A_66 = arith.constant 0 : i32
      %dma_start3A_67 = tpu.memref_slice %arg10[%add3A_51, %dma_start3A_66] : memref<10240x128xf32, #tpu.memory_space<vmem_shared>> -> memref<128x128xf32, #tpu.memory_space<vmem_shared>>
      tpu.enqueue_dma source(%arg17 : memref<128x128xf32, #tpu.memory_space<vmem>>) target(%dma_start3A_67 : memref<128x128xf32, #tpu.memory_space<vmem_shared>>) target_semaphore(%run_scoped3A : memref<!tpu.dma_semaphore, #tpu.memory_space<semaphore_mem>>)
      %dma_wait3A = arith.constant 0 : i32
      %dma_wait3A_68 = tpu.memref_slice %arg10[%add3A_51, %dma_wait3A] : memref<10240x128xf32, #tpu.memory_space<vmem_shared>> -> memref<128x128xf32, #tpu.memory_space<vmem_shared>>
      %dma_wait3A_69 = arith.constant 0 : i32
      %dma_wait3A_70 = tpu.memref_slice %arg10[%add3A_51, %dma_wait3A_69] : memref<10240x128xf32, #tpu.memory_space<vmem_shared>> -> memref<128x128xf32, #tpu.memory_space<vmem_shared>>
      tpu.wait_dma2 semaphore(%run_scoped3A : memref<!tpu.dma_semaphore, #tpu.memory_space<semaphore_mem>>) src(%arg17 : memref<128x128xf32, #tpu.memory_space<vmem>>) dst(%dma_wait3A_70 : memref<128x128xf32, #tpu.memory_space<vmem_shared>>)
      tpu.yield
    }) : () -> ()
    %add3A_52 = arith.constant 384 : i32
    %add3A_53 = arith.addi %mul3A_37, %add3A_52 : i32
    "tpu.region"() ({
      %run_scoped3A = tpu.sem_alloc : memref<!tpu.dma_semaphore, #tpu.memory_space<semaphore_mem>>
      %dma_start3A = tpu.memref_slice %arg11[%add3A_53] : memref<10240xf32, #tpu.memory_space<vmem_shared>> -> memref<128xf32, #tpu.memory_space<vmem_shared>>
      %dma_start3A_65 = tpu.memref_slice %arg11[%add3A_53] : memref<10240xf32, #tpu.memory_space<vmem_shared>> -> memref<128xf32, #tpu.memory_space<vmem_shared>>
      tpu.enqueue_dma source(%arg18 : memref<128xf32, #tpu.memory_space<vmem>>) target(%dma_start3A_65 : memref<128xf32, #tpu.memory_space<vmem_shared>>) target_semaphore(%run_scoped3A : memref<!tpu.dma_semaphore, #tpu.memory_space<semaphore_mem>>)
      %dma_wait3A = tpu.memref_slice %arg11[%add3A_53] : memref<10240xf32, #tpu.memory_space<vmem_shared>> -> memref<128xf32, #tpu.memory_space<vmem_shared>>
      %dma_wait3A_66 = tpu.memref_slice %arg11[%add3A_53] : memref<10240xf32, #tpu.memory_space<vmem_shared>> -> memref<128xf32, #tpu.memory_space<vmem_shared>>
      tpu.wait_dma2 semaphore(%run_scoped3A : memref<!tpu.dma_semaphore, #tpu.memory_space<semaphore_mem>>) src(%arg18 : memref<128xf32, #tpu.memory_space<vmem>>) dst(%dma_wait3A_66 : memref<128xf32, #tpu.memory_space<vmem_shared>>)
      tpu.yield
    }) : () -> ()
    %add3A_54 = arith.constant 512 : i32
    %add3A_55 = arith.addi %mul3A_37, %add3A_54 : i32
    "tpu.region"() ({
      %run_scoped3A = tpu.sem_alloc : memref<!tpu.dma_semaphore, #tpu.memory_space<semaphore_mem>>
      %dma_start3A = arith.constant 0 : i32
      %dma_start3A_65 = tpu.memref_slice %arg10[%add3A_55, %dma_start3A] : memref<10240x128xf32, #tpu.memory_space<vmem_shared>> -> memref<128x128xf32, #tpu.memory_space<vmem_shared>>
      %dma_start3A_66 = arith.constant 0 : i32
      %dma_start3A_67 = tpu.memref_slice %arg10[%add3A_55, %dma_start3A_66] : memref<10240x128xf32, #tpu.memory_space<vmem_shared>> -> memref<128x128xf32, #tpu.memory_space<vmem_shared>>
      tpu.enqueue_dma source(%arg17 : memref<128x128xf32, #tpu.memory_space<vmem>>) target(%dma_start3A_67 : memref<128x128xf32, #tpu.memory_space<vmem_shared>>) target_semaphore(%run_scoped3A : memref<!tpu.dma_semaphore, #tpu.memory_space<semaphore_mem>>)
      %dma_wait3A = arith.constant 0 : i32
      %dma_wait3A_68 = tpu.memref_slice %arg10[%add3A_55, %dma_wait3A] : memref<10240x128xf32, #tpu.memory_space<vmem_shared>> -> memref<128x128xf32, #tpu.memory_space<vmem_shared>>
      %dma_wait3A_69 = arith.constant 0 : i32
      %dma_wait3A_70 = tpu.memref_slice %arg10[%add3A_55, %dma_wait3A_69] : memref<10240x128xf32, #tpu.memory_space<vmem_shared>> -> memref<128x128xf32, #tpu.memory_space<vmem_shared>>
      tpu.wait_dma2 semaphore(%run_scoped3A : memref<!tpu.dma_semaphore, #tpu.memory_space<semaphore_mem>>) src(%arg17 : memref<128x128xf32, #tpu.memory_space<vmem>>) dst(%dma_wait3A_70 : memref<128x128xf32, #tpu.memory_space<vmem_shared>>)
      tpu.yield
    }) : () -> ()
    %add3A_56 = arith.constant 512 : i32
    %add3A_57 = arith.addi %mul3A_37, %add3A_56 : i32
    "tpu.region"() ({
      %run_scoped3A = tpu.sem_alloc : memref<!tpu.dma_semaphore, #tpu.memory_space<semaphore_mem>>
      %dma_start3A = tpu.memref_slice %arg11[%add3A_57] : memref<10240xf32, #tpu.memory_space<vmem_shared>> -> memref<128xf32, #tpu.memory_space<vmem_shared>>
      %dma_start3A_65 = tpu.memref_slice %arg11[%add3A_57] : memref<10240xf32, #tpu.memory_space<vmem_shared>> -> memref<128xf32, #tpu.memory_space<vmem_shared>>
      tpu.enqueue_dma source(%arg18 : memref<128xf32, #tpu.memory_space<vmem>>) target(%dma_start3A_65 : memref<128xf32, #tpu.memory_space<vmem_shared>>) target_semaphore(%run_scoped3A : memref<!tpu.dma_semaphore, #tpu.memory_space<semaphore_mem>>)
      %dma_wait3A = tpu.memref_slice %arg11[%add3A_57] : memref<10240xf32, #tpu.memory_space<vmem_shared>> -> memref<128xf32, #tpu.memory_space<vmem_shared>>
      %dma_wait3A_66 = tpu.memref_slice %arg11[%add3A_57] : memref<10240xf32, #tpu.memory_space<vmem_shared>> -> memref<128xf32, #tpu.memory_space<vmem_shared>>
      tpu.wait_dma2 semaphore(%run_scoped3A : memref<!tpu.dma_semaphore, #tpu.memory_space<semaphore_mem>>) src(%arg18 : memref<128xf32, #tpu.memory_space<vmem>>) dst(%dma_wait3A_66 : memref<128xf32, #tpu.memory_space<vmem_shared>>)
      tpu.yield
    }) : () -> ()
    %barrier3A = arith.constant 0 : index
    tpu.barrier barrier_id(%barrier3A)
    %scan3A_58 = arith.constant 0 : i32
    %scan3A_59 = arith.constant 0 : i32
    %scan3A_60 = arith.constant 81 : i32
    %scan3A_61 = arith.addi %scan3A_59, %scan3A_60 : i32
    %scan3A_62 = arith.constant 1 : i32
    scf.for %scan3A_65 = %scan3A_59 to %scan3A_61 step %scan3A_62  : i32 {
      "tpu.region"() ({
        %run_scoped3A = tpu.sem_alloc : memref<!tpu.dma_semaphore, #tpu.memory_space<semaphore_mem>>
        %dma_start3A_82 = arith.constant 0 : i32
        %dma_start3A_83 = arith.constant 0 : i32
        %dma_start3A_84 = tpu.memref_slice %arg5[%add3A, %dma_start3A_82, %dma_start3A_83] : memref<32x81x128xi32, #tpu.memory_space<hbm>> -> memref<1x81x128xi32, #tpu.memory_space<hbm>>
        %dma_start3A_85 = tpu.memref_squeeze %dma_start3A_84 : memref<1x81x128xi32, #tpu.memory_space<hbm>> -> memref<81x128xi32, #tpu.memory_space<hbm>>
        %dma_start3A_86 = arith.constant 0 : i32
        %dma_start3A_87 = tpu.memref_slice %dma_start3A_85[%scan3A_65, %dma_start3A_86] : memref<81x128xi32, #tpu.memory_space<hbm>> -> memref<1x128xi32, #tpu.memory_space<hbm>>
        %dma_start3A_88 = tpu.memref_squeeze %dma_start3A_87 : memref<1x128xi32, #tpu.memory_space<hbm>> -> memref<128xi32, #tpu.memory_space<hbm>>
        %dma_start3A_89 = arith.constant 0 : i32
        %dma_start3A_90 = arith.constant 0 : i32
        %dma_start3A_91 = tpu.memref_slice %arg5[%add3A, %dma_start3A_89, %dma_start3A_90] : memref<32x81x128xi32, #tpu.memory_space<hbm>> -> memref<1x81x128xi32, #tpu.memory_space<hbm>>
        %dma_start3A_92 = tpu.memref_squeeze %dma_start3A_91 : memref<1x81x128xi32, #tpu.memory_space<hbm>> -> memref<81x128xi32, #tpu.memory_space<hbm>>
        %dma_start3A_93 = arith.constant 0 : i32
        %dma_start3A_94 = tpu.memref_slice %dma_start3A_92[%scan3A_65, %dma_start3A_93] : memref<81x128xi32, #tpu.memory_space<hbm>> -> memref<1x128xi32, #tpu.memory_space<hbm>>
        %dma_start3A_95 = tpu.memref_squeeze %dma_start3A_94 : memref<1x128xi32, #tpu.memory_space<hbm>> -> memref<128xi32, #tpu.memory_space<hbm>>
        tpu.enqueue_dma source(%dma_start3A_95 : memref<128xi32, #tpu.memory_space<hbm>>) target(%arg14 : memref<128xi32, #tpu.memory_space<vmem>>) target_semaphore(%run_scoped3A : memref<!tpu.dma_semaphore, #tpu.memory_space<semaphore_mem>>)
        %dma_wait3A_96 = arith.constant 0 : i32
        %dma_wait3A_97 = arith.constant 0 : i32
        %dma_wait3A_98 = tpu.memref_slice %arg5[%add3A, %dma_wait3A_96, %dma_wait3A_97] : memref<32x81x128xi32, #tpu.memory_space<hbm>> -> memref<1x81x128xi32, #tpu.memory_space<hbm>>
        %dma_wait3A_99 = tpu.memref_squeeze %dma_wait3A_98 : memref<1x81x128xi32, #tpu.memory_space<hbm>> -> memref<81x128xi32, #tpu.memory_space<hbm>>
        %dma_wait3A_100 = arith.constant 0 : i32
        %dma_wait3A_101 = tpu.memref_slice %dma_wait3A_99[%scan3A_65, %dma_wait3A_100] : memref<81x128xi32, #tpu.memory_space<hbm>> -> memref<1x128xi32, #tpu.memory_space<hbm>>
        %dma_wait3A_102 = tpu.memref_squeeze %dma_wait3A_101 : memref<1x128xi32, #tpu.memory_space<hbm>> -> memref<128xi32, #tpu.memory_space<hbm>>
        %dma_wait3A_103 = arith.constant 0 : i32
        %dma_wait3A_104 = arith.constant 0 : i32
        %dma_wait3A_105 = tpu.memref_slice %arg5[%add3A, %dma_wait3A_103, %dma_wait3A_104] : memref<32x81x128xi32, #tpu.memory_space<hbm>> -> memref<1x81x128xi32, #tpu.memory_space<hbm>>
        %dma_wait3A_106 = tpu.memref_squeeze %dma_wait3A_105 : memref<1x81x128xi32, #tpu.memory_space<hbm>> -> memref<81x128xi32, #tpu.memory_space<hbm>>
        %dma_wait3A_107 = arith.constant 0 : i32
        %dma_wait3A_108 = tpu.memref_slice %dma_wait3A_106[%scan3A_65, %dma_wait3A_107] : memref<81x128xi32, #tpu.memory_space<hbm>> -> memref<1x128xi32, #tpu.memory_space<hbm>>
        %dma_wait3A_109 = tpu.memref_squeeze %dma_wait3A_108 : memref<1x128xi32, #tpu.memory_space<hbm>> -> memref<128xi32, #tpu.memory_space<hbm>>
        tpu.wait_dma2 semaphore(%run_scoped3A : memref<!tpu.dma_semaphore, #tpu.memory_space<semaphore_mem>>) src(%dma_wait3A_109 : memref<128xi32, #tpu.memory_space<hbm>>) dst(%arg14 : memref<128xi32, #tpu.memory_space<vmem>>)
        tpu.yield
      }) : () -> ()
      "tpu.region"() ({
        %run_scoped3A = tpu.sem_alloc : memref<!tpu.dma_semaphore, #tpu.memory_space<semaphore_mem>>
        %dma_start3A_82 = arith.constant 0 : i32
        %dma_start3A_83 = arith.constant 0 : i32
        %dma_start3A_84 = tpu.memref_slice %arg6[%add3A, %dma_start3A_82, %dma_start3A_83] : memref<32x81x128xi32, #tpu.memory_space<hbm>> -> memref<1x81x128xi32, #tpu.memory_space<hbm>>
        %dma_start3A_85 = tpu.memref_squeeze %dma_start3A_84 : memref<1x81x128xi32, #tpu.memory_space<hbm>> -> memref<81x128xi32, #tpu.memory_space<hbm>>
        %dma_start3A_86 = arith.constant 0 : i32
        %dma_start3A_87 = tpu.memref_slice %dma_start3A_85[%scan3A_65, %dma_start3A_86] : memref<81x128xi32, #tpu.memory_space<hbm>> -> memref<1x128xi32, #tpu.memory_space<hbm>>
        %dma_start3A_88 = tpu.memref_squeeze %dma_start3A_87 : memref<1x128xi32, #tpu.memory_space<hbm>> -> memref<128xi32, #tpu.memory_space<hbm>>
        %dma_start3A_89 = arith.constant 0 : i32
        %dma_start3A_90 = arith.constant 0 : i32
        %dma_start3A_91 = tpu.memref_slice %arg6[%add3A, %dma_start3A_89, %dma_start3A_90] : memref<32x81x128xi32, #tpu.memory_space<hbm>> -> memref<1x81x128xi32, #tpu.memory_space<hbm>>
        %dma_start3A_92 = tpu.memref_squeeze %dma_start3A_91 : memref<1x81x128xi32, #tpu.memory_space<hbm>> -> memref<81x128xi32, #tpu.memory_space<hbm>>
        %dma_start3A_93 = arith.constant 0 : i32
        %dma_start3A_94 = tpu.memref_slice %dma_start3A_92[%scan3A_65, %dma_start3A_93] : memref<81x128xi32, #tpu.memory_space<hbm>> -> memref<1x128xi32, #tpu.memory_space<hbm>>
        %dma_start3A_95 = tpu.memref_squeeze %dma_start3A_94 : memref<1x128xi32, #tpu.memory_space<hbm>> -> memref<128xi32, #tpu.memory_space<hbm>>
        tpu.enqueue_dma source(%dma_start3A_95 : memref<128xi32, #tpu.memory_space<hbm>>) target(%arg15 : memref<128xi32, #tpu.memory_space<vmem>>) target_semaphore(%run_scoped3A : memref<!tpu.dma_semaphore, #tpu.memory_space<semaphore_mem>>)
        %dma_wait3A_96 = arith.constant 0 : i32
        %dma_wait3A_97 = arith.constant 0 : i32
        %dma_wait3A_98 = tpu.memref_slice %arg6[%add3A, %dma_wait3A_96, %dma_wait3A_97] : memref<32x81x128xi32, #tpu.memory_space<hbm>> -> memref<1x81x128xi32, #tpu.memory_space<hbm>>
        %dma_wait3A_99 = tpu.memref_squeeze %dma_wait3A_98 : memref<1x81x128xi32, #tpu.memory_space<hbm>> -> memref<81x128xi32, #tpu.memory_space<hbm>>
        %dma_wait3A_100 = arith.constant 0 : i32
        %dma_wait3A_101 = tpu.memref_slice %dma_wait3A_99[%scan3A_65, %dma_wait3A_100] : memref<81x128xi32, #tpu.memory_space<hbm>> -> memref<1x128xi32, #tpu.memory_space<hbm>>
        %dma_wait3A_102 = tpu.memref_squeeze %dma_wait3A_101 : memref<1x128xi32, #tpu.memory_space<hbm>> -> memref<128xi32, #tpu.memory_space<hbm>>
        %dma_wait3A_103 = arith.constant 0 : i32
        %dma_wait3A_104 = arith.constant 0 : i32
        %dma_wait3A_105 = tpu.memref_slice %arg6[%add3A, %dma_wait3A_103, %dma_wait3A_104] : memref<32x81x128xi32, #tpu.memory_space<hbm>> -> memref<1x81x128xi32, #tpu.memory_space<hbm>>
        %dma_wait3A_106 = tpu.memref_squeeze %dma_wait3A_105 : memref<1x81x128xi32, #tpu.memory_space<hbm>> -> memref<81x128xi32, #tpu.memory_space<hbm>>
        %dma_wait3A_107 = arith.constant 0 : i32
        %dma_wait3A_108 = tpu.memref_slice %dma_wait3A_106[%scan3A_65, %dma_wait3A_107] : memref<81x128xi32, #tpu.memory_space<hbm>> -> memref<1x128xi32, #tpu.memory_space<hbm>>
        %dma_wait3A_109 = tpu.memref_squeeze %dma_wait3A_108 : memref<1x128xi32, #tpu.memory_space<hbm>> -> memref<128xi32, #tpu.memory_space<hbm>>
        tpu.wait_dma2 semaphore(%run_scoped3A : memref<!tpu.dma_semaphore, #tpu.memory_space<semaphore_mem>>) src(%dma_wait3A_109 : memref<128xi32, #tpu.memory_space<hbm>>) dst(%arg15 : memref<128xi32, #tpu.memory_space<vmem>>)
        tpu.yield
      }) : () -> ()
      "tpu.region"() ({
        %run_scoped3A = tpu.sem_alloc : memref<!tpu.dma_semaphore, #tpu.memory_space<semaphore_mem>>
        %dma_start3A_82 = arith.constant 0 : i32
        %dma_start3A_83 = arith.constant 0 : i32
        %dma_start3A_84 = tpu.memref_slice %arg7[%add3A, %dma_start3A_82, %dma_start3A_83] : memref<32x81x128xi32, #tpu.memory_space<hbm>> -> memref<1x81x128xi32, #tpu.memory_space<hbm>>
        %dma_start3A_85 = tpu.memref_squeeze %dma_start3A_84 : memref<1x81x128xi32, #tpu.memory_space<hbm>> -> memref<81x128xi32, #tpu.memory_space<hbm>>
        %dma_start3A_86 = arith.constant 0 : i32
        %dma_start3A_87 = tpu.memref_slice %dma_start3A_85[%scan3A_65, %dma_start3A_86] : memref<81x128xi32, #tpu.memory_space<hbm>> -> memref<1x128xi32, #tpu.memory_space<hbm>>
        %dma_start3A_88 = tpu.memref_squeeze %dma_start3A_87 : memref<1x128xi32, #tpu.memory_space<hbm>> -> memref<128xi32, #tpu.memory_space<hbm>>
        %dma_start3A_89 = arith.constant 0 : i32
        %dma_start3A_90 = arith.constant 0 : i32
        %dma_start3A_91 = tpu.memref_slice %arg7[%add3A, %dma_start3A_89, %dma_start3A_90] : memref<32x81x128xi32, #tpu.memory_space<hbm>> -> memref<1x81x128xi32, #tpu.memory_space<hbm>>
        %dma_start3A_92 = tpu.memref_squeeze %dma_start3A_91 : memref<1x81x128xi32, #tpu.memory_space<hbm>> -> memref<81x128xi32, #tpu.memory_space<hbm>>
        %dma_start3A_93 = arith.constant 0 : i32
        %dma_start3A_94 = tpu.memref_slice %dma_start3A_92[%scan3A_65, %dma_start3A_93] : memref<81x128xi32, #tpu.memory_space<hbm>> -> memref<1x128xi32, #tpu.memory_space<hbm>>
        %dma_start3A_95 = tpu.memref_squeeze %dma_start3A_94 : memref<1x128xi32, #tpu.memory_space<hbm>> -> memref<128xi32, #tpu.memory_space<hbm>>
        tpu.enqueue_dma source(%dma_start3A_95 : memref<128xi32, #tpu.memory_space<hbm>>) target(%arg16 : memref<128xi32, #tpu.memory_space<vmem>>) target_semaphore(%run_scoped3A : memref<!tpu.dma_semaphore, #tpu.memory_space<semaphore_mem>>)
        %dma_wait3A_96 = arith.constant 0 : i32
        %dma_wait3A_97 = arith.constant 0 : i32
        %dma_wait3A_98 = tpu.memref_slice %arg7[%add3A, %dma_wait3A_96, %dma_wait3A_97] : memref<32x81x128xi32, #tpu.memory_space<hbm>> -> memref<1x81x128xi32, #tpu.memory_space<hbm>>
        %dma_wait3A_99 = tpu.memref_squeeze %dma_wait3A_98 : memref<1x81x128xi32, #tpu.memory_space<hbm>> -> memref<81x128xi32, #tpu.memory_space<hbm>>
        %dma_wait3A_100 = arith.constant 0 : i32
        %dma_wait3A_101 = tpu.memref_slice %dma_wait3A_99[%scan3A_65, %dma_wait3A_100] : memref<81x128xi32, #tpu.memory_space<hbm>> -> memref<1x128xi32, #tpu.memory_space<hbm>>
        %dma_wait3A_102 = tpu.memref_squeeze %dma_wait3A_101 : memref<1x128xi32, #tpu.memory_space<hbm>> -> memref<128xi32, #tpu.memory_space<hbm>>
        %dma_wait3A_103 = arith.constant 0 : i32
        %dma_wait3A_104 = arith.constant 0 : i32
        %dma_wait3A_105 = tpu.memref_slice %arg7[%add3A, %dma_wait3A_103, %dma_wait3A_104] : memref<32x81x128xi32, #tpu.memory_space<hbm>> -> memref<1x81x128xi32, #tpu.memory_space<hbm>>
        %dma_wait3A_106 = tpu.memref_squeeze %dma_wait3A_105 : memref<1x81x128xi32, #tpu.memory_space<hbm>> -> memref<81x128xi32, #tpu.memory_space<hbm>>
        %dma_wait3A_107 = arith.constant 0 : i32
        %dma_wait3A_108 = tpu.memref_slice %dma_wait3A_106[%scan3A_65, %dma_wait3A_107] : memref<81x128xi32, #tpu.memory_space<hbm>> -> memref<1x128xi32, #tpu.memory_space<hbm>>
        %dma_wait3A_109 = tpu.memref_squeeze %dma_wait3A_108 : memref<1x128xi32, #tpu.memory_space<hbm>> -> memref<128xi32, #tpu.memory_space<hbm>>
        tpu.wait_dma2 semaphore(%run_scoped3A : memref<!tpu.dma_semaphore, #tpu.memory_space<semaphore_mem>>) src(%dma_wait3A_109 : memref<128xi32, #tpu.memory_space<hbm>>) dst(%arg16 : memref<128xi32, #tpu.memory_space<vmem>>)
        tpu.yield
      }) : () -> ()
      %dma_start3A = arith.constant 0 : i32
      %dma_start3A_66 = arith.constant 0 : i32
      %dma_start3A_67 = tpu.memref_slice %arg2[%dma_start3A, %dma_start3A_66] : memref<10000x128xf32, #tpu.memory_space<hbm>> -> memref<10000x128xf32, #tpu.memory_space<hbm>>
      tpu.enqueue_indirect_dma source(%dma_start3A_67 : memref<10000x128xf32, #tpu.memory_space<hbm>>) target(%arg17 : memref<128x128xf32, #tpu.memory_space<vmem>>) offsets(%arg14 : memref<128xi32, #tpu.memory_space<vmem>>) semaphore(%arg19 : memref<!tpu.dma_semaphore, #tpu.memory_space<semaphore_mem>>)
      %scan3A_68 = arith.constant 0 : i32
      %scan3A_69 = arith.constant 0 : i32
      %scan3A_70 = arith.constant 8 : i32
      %scan3A_71 = arith.addi %scan3A_69, %scan3A_70 : i32
      %scan3A_72 = arith.constant 1 : i32
      scf.for %scan3A_82 = %scan3A_69 to %scan3A_71 step %scan3A_72  : i32 {
        %mul3A_83 = arith.constant 16 : i32
        %mul3A_84 = arith.muli %scan3A_82, %mul3A_83 : i32
        %get3A = arith.index_cast %mul3A_84 : i32 to index
        %get3A_85 = tpu.vector_load %arg14[%get3A] {strides = array<i32>} : memref<128xi32, #tpu.memory_space<vmem>>, vector<16xi32>,
        %mul3A_86 = arith.constant 16 : i32
        %mul3A_87 = arith.muli %scan3A_82, %mul3A_86 : i32
        %get3A_88 = arith.index_cast %mul3A_87 : i32 to index
        %get3A_89 = tpu.vector_load %arg15[%get3A_88] {strides = array<i32>} : memref<128xi32, #tpu.memory_space<vmem>>, vector<16xi32>,
        %gather3A = tpu.vector_load_idx %arg12[%get3A_89] : memref<10000xf32, #tpu.memory_space<vmem>>[vector<16xi32>], vector<16xf32>,
        %gather3A_90 = tpu.vector_load_idx %arg13[%get3A_85] : memref<10000xf32, #tpu.memory_space<vmem>>[vector<16xi32>], vector<16xf32>,
        %add3A_91 = arith.addf %gather3A, %gather3A_90 : vector<16xf32>
        %mul3A_92 = arith.constant 2.000000e-01 : f32
        %mul3A_93 = vector.broadcast %mul3A_92 : f32 to vector<16xf32>
        %mul3A_94 = arith.mulf %add3A_91, %mul3A_93 : vector<16xf32>
        %max3A = arith.maximumf %add3A_91, %mul3A_94 : vector<16xf32>
        %exp3A = math.exp %max3A : vector<16xf32>
        %mul3A_95 = arith.constant 16 : i32
        %mul3A_96 = arith.muli %scan3A_82, %mul3A_95 : i32
        %swap3A_97 = arith.index_cast %mul3A_96 : i32 to index
        %swap3A_98 = tpu.vector_load %arg18[%swap3A_97] {strides = array<i32>} : memref<128xf32, #tpu.memory_space<vmem>>, vector<16xf32>,
        tpu.vector_store %arg18[%swap3A_97], %exp3A {strides = array<i32>} : memref<128xf32, #tpu.memory_space<vmem>>, vector<16xf32>,
      }
      %scan3A_73 = arith.constant 8 : i32
      %dma_wait3A = arith.constant 0 : i32
      %dma_wait3A_74 = arith.constant 0 : i32
      %dma_wait3A_75 = tpu.memref_slice %arg2[%dma_wait3A, %dma_wait3A_74] : memref<10000x128xf32, #tpu.memory_space<hbm>> -> memref<10000x128xf32, #tpu.memory_space<hbm>>
      tpu.wait_indirect_dma semaphore(%arg19 : memref<!tpu.dma_semaphore, #tpu.memory_space<semaphore_mem>>) src(%dma_wait3A_75 : memref<10000x128xf32, #tpu.memory_space<hbm>>) dst(%arg17 : memref<128x128xf32, #tpu.memory_space<vmem>>)
      %scan3A_76 = arith.constant 0 : i32
      %scan3A_77 = arith.constant 0 : i32
      %scan3A_78 = arith.constant 8 : i32
      %scan3A_79 = arith.addi %scan3A_77, %scan3A_78 : i32
      %scan3A_80 = arith.constant 1 : i32
      scf.for %scan3A_82 = %scan3A_77 to %scan3A_79 step %scan3A_80  : i32 {
        %mul3A_83 = arith.constant 16 : i32
        %mul3A_84 = arith.muli %scan3A_82, %mul3A_83 : i32
        %get3A = arith.index_cast %mul3A_84 : i32 to index
        %get3A_85 = tpu.vector_load %arg18[%get3A] {strides = array<i32>} : memref<128xf32, #tpu.memory_space<vmem>>, vector<16xf32>,
        %slice3A = vector.extract_strided_slice %get3A_85 {offsets = [0], sizes = [1], strides = [1]} : vector<16xf32> to vector<1xf32>
        %squeeze3A = vector.extract %slice3A[0] : f32 from vector<1xf32>
        %mul3A_86 = arith.constant 16 : i32
        %mul3A_87 = arith.muli %scan3A_82, %mul3A_86 : i32
        %add3A_88 = arith.constant 0 : i32
        %add3A_89 = arith.addi %mul3A_87, %add3A_88 : i32
        %get3A_90 = arith.index_cast %add3A_89 : i32 to index
        %get3A_91 = arith.constant 0 : index
        %get3A_92 = tpu.vector_load %arg17[%get3A_90, %get3A_91] {strides = array<i32>} : memref<128x128xf32, #tpu.memory_space<vmem>>, vector<16xf32>,
        %mul3A_93 = vector.broadcast %squeeze3A : f32 to vector<16xf32>
        %mul3A_94 = arith.mulf %get3A_92, %mul3A_93 : vector<16xf32>
        %swap3A_95 = arith.index_cast %add3A_89 : i32 to index
        %swap3A_96 = arith.constant 0 : index
        %swap3A_97 = tpu.vector_load %arg17[%swap3A_95, %swap3A_96] {strides = array<i32>} : memref<128x128xf32, #tpu.memory_space<vmem>>, vector<16xf32>,
        tpu.vector_store %arg17[%swap3A_95, %swap3A_96], %mul3A_94 {strides = array<i32>} : memref<128x128xf32, #tpu.memory_space<vmem>>, vector<16xf32>,
        %get3A_98 = arith.index_cast %add3A_89 : i32 to index
        %get3A_99 = arith.constant 16 : index
        %get3A_100 = tpu.vector_load %arg17[%get3A_98, %get3A_99] {strides = array<i32>} : memref<128x128xf32, #tpu.memory_space<vmem>>, vector<16xf32>,
        %mul3A_101 = vector.broadcast %squeeze3A : f32 to vector<16xf32>
        %mul3A_102 = arith.mulf %get3A_100, %mul3A_101 : vector<16xf32>
        %swap3A_103 = arith.index_cast %add3A_89 : i32 to index
        %swap3A_104 = arith.constant 16 : index
        %swap3A_105 = tpu.vector_load %arg17[%swap3A_103, %swap3A_104] {strides = array<i32>} : memref<128x128xf32, #tpu.memory_space<vmem>>, vector<16xf32>,
        tpu.vector_store %arg17[%swap3A_103, %swap3A_104], %mul3A_102 {strides = array<i32>} : memref<128x128xf32, #tpu.memory_space<vmem>>, vector<16xf32>,
        %get3A_106 = arith.index_cast %add3A_89 : i32 to index
        %get3A_107 = arith.constant 32 : index
        %get3A_108 = tpu.vector_load %arg17[%get3A_106, %get3A_107] {strides = array<i32>} : memref<128x128xf32, #tpu.memory_space<vmem>>, vector<16xf32>,
        %mul3A_109 = vector.broadcast %squeeze3A : f32 to vector<16xf32>
        %mul3A_110 = arith.mulf %get3A_108, %mul3A_109 : vector<16xf32>
        %swap3A_111 = arith.index_cast %add3A_89 : i32 to index
        %swap3A_112 = arith.constant 32 : index
        %swap3A_113 = tpu.vector_load %arg17[%swap3A_111, %swap3A_112] {strides = array<i32>} : memref<128x128xf32, #tpu.memory_space<vmem>>, vector<16xf32>,
        tpu.vector_store %arg17[%swap3A_111, %swap3A_112], %mul3A_110 {strides = array<i32>} : memref<128x128xf32, #tpu.memory_space<vmem>>, vector<16xf32>,
        %get3A_114 = arith.index_cast %add3A_89 : i32 to index
        %get3A_115 = arith.constant 48 : index
        %get3A_116 = tpu.vector_load %arg17[%get3A_114, %get3A_115] {strides = array<i32>} : memref<128x128xf32, #tpu.memory_space<vmem>>, vector<16xf32>,
        %mul3A_117 = vector.broadcast %squeeze3A : f32 to vector<16xf32>
        %mul3A_118 = arith.mulf %get3A_116, %mul3A_117 : vector<16xf32>
        %swap3A_119 = arith.index_cast %add3A_89 : i32 to index
        %swap3A_120 = arith.constant 48 : index
        %swap3A_121 = tpu.vector_load %arg17[%swap3A_119, %swap3A_120] {strides = array<i32>} : memref<128x128xf32, #tpu.memory_space<vmem>>, vector<16xf32>,
        tpu.vector_store %arg17[%swap3A_119, %swap3A_120], %mul3A_118 {strides = array<i32>} : memref<128x128xf32, #tpu.memory_space<vmem>>, vector<16xf32>,
        %get3A_122 = arith.index_cast %add3A_89 : i32 to index
        %get3A_123 = arith.constant 64 : index
        %get3A_124 = tpu.vector_load %arg17[%get3A_122, %get3A_123] {strides = array<i32>} : memref<128x128xf32, #tpu.memory_space<vmem>>, vector<16xf32>,
        %mul3A_125 = vector.broadcast %squeeze3A : f32 to vector<16xf32>
        %mul3A_126 = arith.mulf %get3A_124, %mul3A_125 : vector<16xf32>
        %swap3A_127 = arith.index_cast %add3A_89 : i32 to index
        %swap3A_128 = arith.constant 64 : index
        %swap3A_129 = tpu.vector_load %arg17[%swap3A_127, %swap3A_128] {strides = array<i32>} : memref<128x128xf32, #tpu.memory_space<vmem>>, vector<16xf32>,
        tpu.vector_store %arg17[%swap3A_127, %swap3A_128], %mul3A_126 {strides = array<i32>} : memref<128x128xf32, #tpu.memory_space<vmem>>, vector<16xf32>,
        %get3A_130 = arith.index_cast %add3A_89 : i32 to index
        %get3A_131 = arith.constant 80 : index
        %get3A_132 = tpu.vector_load %arg17[%get3A_130, %get3A_131] {strides = array<i32>} : memref<128x128xf32, #tpu.memory_space<vmem>>, vector<16xf32>,
        %mul3A_133 = vector.broadcast %squeeze3A : f32 to vector<16xf32>
        %mul3A_134 = arith.mulf %get3A_132, %mul3A_133 : vector<16xf32>
        %swap3A_135 = arith.index_cast %add3A_89 : i32 to index
        %swap3A_136 = arith.constant 80 : index
        %swap3A_137 = tpu.vector_load %arg17[%swap3A_135, %swap3A_136] {strides = array<i32>} : memref<128x128xf32, #tpu.memory_space<vmem>>, vector<16xf32>,
        tpu.vector_store %arg17[%swap3A_135, %swap3A_136], %mul3A_134 {strides = array<i32>} : memref<128x128xf32, #tpu.memory_space<vmem>>, vector<16xf32>,
        %get3A_138 = arith.index_cast %add3A_89 : i32 to index
        %get3A_139 = arith.constant 96 : index
        %get3A_140 = tpu.vector_load %arg17[%get3A_138, %get3A_139] {strides = array<i32>} : memref<128x128xf32, #tpu.memory_space<vmem>>, vector<16xf32>,
        %mul3A_141 = vector.broadcast %squeeze3A : f32 to vector<16xf32>
        %mul3A_142 = arith.mulf %get3A_140, %mul3A_141 : vector<16xf32>
        %swap3A_143 = arith.index_cast %add3A_89 : i32 to index
        %swap3A_144 = arith.constant 96 : index
        %swap3A_145 = tpu.vector_load %arg17[%swap3A_143, %swap3A_144] {strides = array<i32>} : memref<128x128xf32, #tpu.memory_space<vmem>>, vector<16xf32>,
        tpu.vector_store %arg17[%swap3A_143, %swap3A_144], %mul3A_142 {strides = array<i32>} : memref<128x128xf32, #tpu.memory_space<vmem>>, vector<16xf32>,
        %get3A_146 = arith.index_cast %add3A_89 : i32 to index
        %get3A_147 = arith.constant 112 : index
        %get3A_148 = tpu.vector_load %arg17[%get3A_146, %get3A_147] {strides = array<i32>} : memref<128x128xf32, #tpu.memory_space<vmem>>, vector<16xf32>,
        %mul3A_149 = vector.broadcast %squeeze3A : f32 to vector<16xf32>
        %mul3A_150 = arith.mulf %get3A_148, %mul3A_149 : vector<16xf32>
        %swap3A_151 = arith.index_cast %add3A_89 : i32 to index
        %swap3A_152 = arith.constant 112 : index
        %swap3A_153 = tpu.vector_load %arg17[%swap3A_151, %swap3A_152] {strides = array<i32>} : memref<128x128xf32, #tpu.memory_space<vmem>>, vector<16xf32>,
        tpu.vector_store %arg17[%swap3A_151, %swap3A_152], %mul3A_150 {strides = array<i32>} : memref<128x128xf32, #tpu.memory_space<vmem>>, vector<16xf32>,
        %slice3A_154 = vector.extract_strided_slice %get3A_85 {offsets = [1], sizes = [1], strides = [1]} : vector<16xf32> to vector<1xf32>
        %squeeze3A_155 = vector.extract %slice3A_154[0] : f32 from vector<1xf32>
        %mul3A_156 = arith.constant 16 : i32
        %mul3A_157 = arith.muli %scan3A_82, %mul3A_156 : i32
        %add3A_158 = arith.constant 1 : i32
        %add3A_159 = arith.addi %mul3A_157, %add3A_158 : i32
        %get3A_160 = arith.index_cast %add3A_159 : i32 to index
        %get3A_161 = arith.constant 0 : index
        %get3A_162 = tpu.vector_load %arg17[%get3A_160, %get3A_161] {strides = array<i32>} : memref<128x128xf32, #tpu.memory_space<vmem>>, vector<16xf32>,
        %mul3A_163 = vector.broadcast %squeeze3A_155 : f32 to vector<16xf32>
        %mul3A_164 = arith.mulf %get3A_162, %mul3A_163 : vector<16xf32>
        %swap3A_165 = arith.index_cast %add3A_159 : i32 to index
        %swap3A_166 = arith.constant 0 : index
        %swap3A_167 = tpu.vector_load %arg17[%swap3A_165, %swap3A_166] {strides = array<i32>} : memref<128x128xf32, #tpu.memory_space<vmem>>, vector<16xf32>,
        tpu.vector_store %arg17[%swap3A_165, %swap3A_166], %mul3A_164 {strides = array<i32>} : memref<128x128xf32, #tpu.memory_space<vmem>>, vector<16xf32>,
        %get3A_168 = arith.index_cast %add3A_159 : i32 to index
        %get3A_169 = arith.constant 16 : index
        %get3A_170 = tpu.vector_load %arg17[%get3A_168, %get3A_169] {strides = array<i32>} : memref<128x128xf32, #tpu.memory_space<vmem>>, vector<16xf32>,
        %mul3A_171 = vector.broadcast %squeeze3A_155 : f32 to vector<16xf32>
        %mul3A_172 = arith.mulf %get3A_170, %mul3A_171 : vector<16xf32>
        %swap3A_173 = arith.index_cast %add3A_159 : i32 to index
        %swap3A_174 = arith.constant 16 : index
        %swap3A_175 = tpu.vector_load %arg17[%swap3A_173, %swap3A_174] {strides = array<i32>} : memref<128x128xf32, #tpu.memory_space<vmem>>, vector<16xf32>,
        tpu.vector_store %arg17[%swap3A_173, %swap3A_174], %mul3A_172 {strides = array<i32>} : memref<128x128xf32, #tpu.memory_space<vmem>>, vector<16xf32>,
        %get3A_176 = arith.index_cast %add3A_159 : i32 to index
        %get3A_177 = arith.constant 32 : index
        %get3A_178 = tpu.vector_load %arg17[%get3A_176, %get3A_177] {strides = array<i32>} : memref<128x128xf32, #tpu.memory_space<vmem>>, vector<16xf32>,
        %mul3A_179 = vector.broadcast %squeeze3A_155 : f32 to vector<16xf32>
        %mul3A_180 = arith.mulf %get3A_178, %mul3A_179 : vector<16xf32>
        %swap3A_181 = arith.index_cast %add3A_159 : i32 to index
        %swap3A_182 = arith.constant 32 : index
        %swap3A_183 = tpu.vector_load %arg17[%swap3A_181, %swap3A_182] {strides = array<i32>} : memref<128x128xf32, #tpu.memory_space<vmem>>, vector<16xf32>,
        tpu.vector_store %arg17[%swap3A_181, %swap3A_182], %mul3A_180 {strides = array<i32>} : memref<128x128xf32, #tpu.memory_space<vmem>>, vector<16xf32>,
        %get3A_184 = arith.index_cast %add3A_159 : i32 to index
        %get3A_185 = arith.constant 48 : index
        %get3A_186 = tpu.vector_load %arg17[%get3A_184, %get3A_185] {strides = array<i32>} : memref<128x128xf32, #tpu.memory_space<vmem>>, vector<16xf32>,
        %mul3A_187 = vector.broadcast %squeeze3A_155 : f32 to vector<16xf32>
        %mul3A_188 = arith.mulf %get3A_186, %mul3A_187 : vector<16xf32>
        %swap3A_189 = arith.index_cast %add3A_159 : i32 to index
        %swap3A_190 = arith.constant 48 : index
        %swap3A_191 = tpu.vector_load %arg17[%swap3A_189, %swap3A_190] {strides = array<i32>} : memref<128x128xf32, #tpu.memory_space<vmem>>, vector<16xf32>,
        tpu.vector_store %arg17[%swap3A_189, %swap3A_190], %mul3A_188 {strides = array<i32>} : memref<128x128xf32, #tpu.memory_space<vmem>>, vector<16xf32>,
        %get3A_192 = arith.index_cast %add3A_159 : i32 to index
        %get3A_193 = arith.constant 64 : index
        %get3A_194 = tpu.vector_load %arg17[%get3A_192, %get3A_193] {strides = array<i32>} : memref<128x128xf32, #tpu.memory_space<vmem>>, vector<16xf32>,
        %mul3A_195 = vector.broadcast %squeeze3A_155 : f32 to vector<16xf32>
        %mul3A_196 = arith.mulf %get3A_194, %mul3A_195 : vector<16xf32>
        %swap3A_197 = arith.index_cast %add3A_159 : i32 to index
        %swap3A_198 = arith.constant 64 : index
        %swap3A_199 = tpu.vector_load %arg17[%swap3A_197, %swap3A_198] {strides = array<i32>} : memref<128x128xf32, #tpu.memory_space<vmem>>, vector<16xf32>,
        tpu.vector_store %arg17[%swap3A_197, %swap3A_198], %mul3A_196 {strides = array<i32>} : memref<128x128xf32, #tpu.memory_space<vmem>>, vector<16xf32>,
        %get3A_200 = arith.index_cast %add3A_159 : i32 to index
        %get3A_201 = arith.constant 80 : index
        %get3A_202 = tpu.vector_load %arg17[%get3A_200, %get3A_201] {strides = array<i32>} : memref<128x128xf32, #tpu.memory_space<vmem>>, vector<16xf32>,
        %mul3A_203 = vector.broadcast %squeeze3A_155 : f32 to vector<16xf32>
        %mul3A_204 = arith.mulf %get3A_202, %mul3A_203 : vector<16xf32>
        %swap3A_205 = arith.index_cast %add3A_159 : i32 to index
        %swap3A_206 = arith.constant 80 : index
        %swap3A_207 = tpu.vector_load %arg17[%swap3A_205, %swap3A_206] {strides = array<i32>} : memref<128x128xf32, #tpu.memory_space<vmem>>, vector<16xf32>,
        tpu.vector_store %arg17[%swap3A_205, %swap3A_206], %mul3A_204 {strides = array<i32>} : memref<128x128xf32, #tpu.memory_space<vmem>>, vector<16xf32>,
        %get3A_208 = arith.index_cast %add3A_159 : i32 to index
        %get3A_209 = arith.constant 96 : index
        %get3A_210 = tpu.vector_load %arg17[%get3A_208, %get3A_209] {strides = array<i32>} : memref<128x128xf32, #tpu.memory_space<vmem>>, vector<16xf32>,
        %mul3A_211 = vector.broadcast %squeeze3A_155 : f32 to vector<16xf32>
        %mul3A_212 = arith.mulf %get3A_210, %mul3A_211 : vector<16xf32>
        %swap3A_213 = arith.index_cast %add3A_159 : i32 to index
        %swap3A_214 = arith.constant 96 : index
        %swap3A_215 = tpu.vector_load %arg17[%swap3A_213, %swap3A_214] {strides = array<i32>} : memref<128x128xf32, #tpu.memory_space<vmem>>, vector<16xf32>,
        tpu.vector_store %arg17[%swap3A_213, %swap3A_214], %mul3A_212 {strides = array<i32>} : memref<128x128xf32, #tpu.memory_space<vmem>>, vector<16xf32>,
        %get3A_216 = arith.index_cast %add3A_159 : i32 to index
        %get3A_217 = arith.constant 112 : index
        %get3A_218 = tpu.vector_load %arg17[%get3A_216, %get3A_217] {strides = array<i32>} : memref<128x128xf32, #tpu.memory_space<vmem>>, vector<16xf32>,
        %mul3A_219 = vector.broadcast %squeeze3A_155 : f32 to vector<16xf32>
        %mul3A_220 = arith.mulf %get3A_218, %mul3A_219 : vector<16xf32>
        %swap3A_221 = arith.index_cast %add3A_159 : i32 to index
        %swap3A_222 = arith.constant 112 : index
        %swap3A_223 = tpu.vector_load %arg17[%swap3A_221, %swap3A_222] {strides = array<i32>} : memref<128x128xf32, #tpu.memory_space<vmem>>, vector<16xf32>,
        tpu.vector_store %arg17[%swap3A_221, %swap3A_222], %mul3A_220 {strides = array<i32>} : memref<128x128xf32, #tpu.memory_space<vmem>>, vector<16xf32>,
        %slice3A_224 = vector.extract_strided_slice %get3A_85 {offsets = [2], sizes = [1], strides = [1]} : vector<16xf32> to vector<1xf32>
        %squeeze3A_225 = vector.extract %slice3A_224[0] : f32 from vector<1xf32>
        %mul3A_226 = arith.constant 16 : i32
        %mul3A_227 = arith.muli %scan3A_82, %mul3A_226 : i32
        %add3A_228 = arith.constant 2 : i32
        %add3A_229 = arith.addi %mul3A_227, %add3A_228 : i32
        %get3A_230 = arith.index_cast %add3A_229 : i32 to index
        %get3A_231 = arith.constant 0 : index
        %get3A_232 = tpu.vector_load %arg17[%get3A_230, %get3A_231] {strides = array<i32>} : memref<128x128xf32, #tpu.memory_space<vmem>>, vector<16xf32>,
        %mul3A_233 = vector.broadcast %squeeze3A_225 : f32 to vector<16xf32>
        %mul3A_234 = arith.mulf %get3A_232, %mul3A_233 : vector<16xf32>
        %swap3A_235 = arith.index_cast %add3A_229 : i32 to index
        %swap3A_236 = arith.constant 0 : index
        %swap3A_237 = tpu.vector_load %arg17[%swap3A_235, %swap3A_236] {strides = array<i32>} : memref<128x128xf32, #tpu.memory_space<vmem>>, vector<16xf32>,
        tpu.vector_store %arg17[%swap3A_235, %swap3A_236], %mul3A_234 {strides = array<i32>} : memref<128x128xf32, #tpu.memory_space<vmem>>, vector<16xf32>,
        %get3A_238 = arith.index_cast %add3A_229 : i32 to index
        %get3A_239 = arith.constant 16 : index
        %get3A_240 = tpu.vector_load %arg17[%get3A_238, %get3A_239] {strides = array<i32>} : memref<128x128xf32, #tpu.memory_space<vmem>>, vector<16xf32>,
        %mul3A_241 = vector.broadcast %squeeze3A_225 : f32 to vector<16xf32>
        %mul3A_242 = arith.mulf %get3A_240, %mul3A_241 : vector<16xf32>
        %swap3A_243 = arith.index_cast %add3A_229 : i32 to index
        %swap3A_244 = arith.constant 16 : index
        %swap3A_245 = tpu.vector_load %arg17[%swap3A_243, %swap3A_244] {strides = array<i32>} : memref<128x128xf32, #tpu.memory_space<vmem>>, vector<16xf32>,
        tpu.vector_store %arg17[%swap3A_243, %swap3A_244], %mul3A_242 {strides = array<i32>} : memref<128x128xf32, #tpu.memory_space<vmem>>, vector<16xf32>,
        %get3A_246 = arith.index_cast %add3A_229 : i32 to index
        %get3A_247 = arith.constant 32 : index
        %get3A_248 = tpu.vector_load %arg17[%get3A_246, %get3A_247] {strides = array<i32>} : memref<128x128xf32, #tpu.memory_space<vmem>>, vector<16xf32>,
        %mul3A_249 = vector.broadcast %squeeze3A_225 : f32 to vector<16xf32>
        %mul3A_250 = arith.mulf %get3A_248, %mul3A_249 : vector<16xf32>
        %swap3A_251 = arith.index_cast %add3A_229 : i32 to index
        %swap3A_252 = arith.constant 32 : index
        %swap3A_253 = tpu.vector_load %arg17[%swap3A_251, %swap3A_252] {strides = array<i32>} : memref<128x128xf32, #tpu.memory_space<vmem>>, vector<16xf32>,
        tpu.vector_store %arg17[%swap3A_251, %swap3A_252], %mul3A_250 {strides = array<i32>} : memref<128x128xf32, #tpu.memory_space<vmem>>, vector<16xf32>,
        %get3A_254 = arith.index_cast %add3A_229 : i32 to index
        %get3A_255 = arith.constant 48 : index
        %get3A_256 = tpu.vector_load %arg17[%get3A_254, %get3A_255] {strides = array<i32>} : memref<128x128xf32, #tpu.memory_space<vmem>>, vector<16xf32>,
        %mul3A_257 = vector.broadcast %squeeze3A_225 : f32 to vector<16xf32>
        %mul3A_258 = arith.mulf %get3A_256, %mul3A_257 : vector<16xf32>
        %swap3A_259 = arith.index_cast %add3A_229 : i32 to index
        %swap3A_260 = arith.constant 48 : index
        %swap3A_261 = tpu.vector_load %arg17[%swap3A_259, %swap3A_260] {strides = array<i32>} : memref<128x128xf32, #tpu.memory_space<vmem>>, vector<16xf32>,
        tpu.vector_store %arg17[%swap3A_259, %swap3A_260], %mul3A_258 {strides = array<i32>} : memref<128x128xf32, #tpu.memory_space<vmem>>, vector<16xf32>,
        %get3A_262 = arith.index_cast %add3A_229 : i32 to index
        %get3A_263 = arith.constant 64 : index
        %get3A_264 = tpu.vector_load %arg17[%get3A_262, %get3A_263] {strides = array<i32>} : memref<128x128xf32, #tpu.memory_space<vmem>>, vector<16xf32>,
        %mul3A_265 = vector.broadcast %squeeze3A_225 : f32 to vector<16xf32>
        %mul3A_266 = arith.mulf %get3A_264, %mul3A_265 : vector<16xf32>
        %swap3A_267 = arith.index_cast %add3A_229 : i32 to index
        %swap3A_268 = arith.constant 64 : index
        %swap3A_269 = tpu.vector_load %arg17[%swap3A_267, %swap3A_268] {strides = array<i32>} : memref<128x128xf32, #tpu.memory_space<vmem>>, vector<16xf32>,
        tpu.vector_store %arg17[%swap3A_267, %swap3A_268], %mul3A_266 {strides = array<i32>} : memref<128x128xf32, #tpu.memory_space<vmem>>, vector<16xf32>,
        %get3A_270 = arith.index_cast %add3A_229 : i32 to index
        %get3A_271 = arith.constant 80 : index
        %get3A_272 = tpu.vector_load %arg17[%get3A_270, %get3A_271] {strides = array<i32>} : memref<128x128xf32, #tpu.memory_space<vmem>>, vector<16xf32>,
        %mul3A_273 = vector.broadcast %squeeze3A_225 : f32 to vector<16xf32>
        %mul3A_274 = arith.mulf %get3A_272, %mul3A_273 : vector<16xf32>
        %swap3A_275 = arith.index_cast %add3A_229 : i32 to index
        %swap3A_276 = arith.constant 80 : index
        %swap3A_277 = tpu.vector_load %arg17[%swap3A_275, %swap3A_276] {strides = array<i32>} : memref<128x128xf32, #tpu.memory_space<vmem>>, vector<16xf32>,
        tpu.vector_store %arg17[%swap3A_275, %swap3A_276], %mul3A_274 {strides = array<i32>} : memref<128x128xf32, #tpu.memory_space<vmem>>, vector<16xf32>,
        %get3A_278 = arith.index_cast %add3A_229 : i32 to index
        %get3A_279 = arith.constant 96 : index
        %get3A_280 = tpu.vector_load %arg17[%get3A_278, %get3A_279] {strides = array<i32>} : memref<128x128xf32, #tpu.memory_space<vmem>>, vector<16xf32>,
        %mul3A_281 = vector.broadcast %squeeze3A_225 : f32 to vector<16xf32>
        %mul3A_282 = arith.mulf %get3A_280, %mul3A_281 : vector<16xf32>
        %swap3A_283 = arith.index_cast %add3A_229 : i32 to index
        %swap3A_284 = arith.constant 96 : index
        %swap3A_285 = tpu.vector_load %arg17[%swap3A_283, %swap3A_284] {strides = array<i32>} : memref<128x128xf32, #tpu.memory_space<vmem>>, vector<16xf32>,
        tpu.vector_store %arg17[%swap3A_283, %swap3A_284], %mul3A_282 {strides = array<i32>} : memref<128x128xf32, #tpu.memory_space<vmem>>, vector<16xf32>,
        %get3A_286 = arith.index_cast %add3A_229 : i32 to index
        %get3A_287 = arith.constant 112 : index
        %get3A_288 = tpu.vector_load %arg17[%get3A_286, %get3A_287] {strides = array<i32>} : memref<128x128xf32, #tpu.memory_space<vmem>>, vector<16xf32>,
        %mul3A_289 = vector.broadcast %squeeze3A_225 : f32 to vector<16xf32>
        %mul3A_290 = arith.mulf %get3A_288, %mul3A_289 : vector<16xf32>
        %swap3A_291 = arith.index_cast %add3A_229 : i32 to index
        %swap3A_292 = arith.constant 112 : index
        %swap3A_293 = tpu.vector_load %arg17[%swap3A_291, %swap3A_292] {strides = array<i32>} : memref<128x128xf32, #tpu.memory_space<vmem>>, vector<16xf32>,
        tpu.vector_store %arg17[%swap3A_291, %swap3A_292], %mul3A_290 {strides = array<i32>} : memref<128x128xf32, #tpu.memory_space<vmem>>, vector<16xf32>,
        %slice3A_294 = vector.extract_strided_slice %get3A_85 {offsets = [3], sizes = [1], strides = [1]} : vector<16xf32> to vector<1xf32>
        %squeeze3A_295 = vector.extract %slice3A_294[0] : f32 from vector<1xf32>
        %mul3A_296 = arith.constant 16 : i32
        %mul3A_297 = arith.muli %scan3A_82, %mul3A_296 : i32
        %add3A_298 = arith.constant 3 : i32
        %add3A_299 = arith.addi %mul3A_297, %add3A_298 : i32
        %get3A_300 = arith.index_cast %add3A_299 : i32 to index
        %get3A_301 = arith.constant 0 : index
        %get3A_302 = tpu.vector_load %arg17[%get3A_300, %get3A_301] {strides = array<i32>} : memref<128x128xf32, #tpu.memory_space<vmem>>, vector<16xf32>,
        %mul3A_303 = vector.broadcast %squeeze3A_295 : f32 to vector<16xf32>
        %mul3A_304 = arith.mulf %get3A_302, %mul3A_303 : vector<16xf32>
        %swap3A_305 = arith.index_cast %add3A_299 : i32 to index
        %swap3A_306 = arith.constant 0 : index
        %swap3A_307 = tpu.vector_load %arg17[%swap3A_305, %swap3A_306] {strides = array<i32>} : memref<128x128xf32, #tpu.memory_space<vmem>>, vector<16xf32>,
        tpu.vector_store %arg17[%swap3A_305, %swap3A_306], %mul3A_304 {strides = array<i32>} : memref<128x128xf32, #tpu.memory_space<vmem>>, vector<16xf32>,
        %get3A_308 = arith.index_cast %add3A_299 : i32 to index
        %get3A_309 = arith.constant 16 : index
        %get3A_310 = tpu.vector_load %arg17[%get3A_308, %get3A_309] {strides = array<i32>} : memref<128x128xf32, #tpu.memory_space<vmem>>, vector<16xf32>,
        %mul3A_311 = vector.broadcast %squeeze3A_295 : f32 to vector<16xf32>
        %mul3A_312 = arith.mulf %get3A_310, %mul3A_311 : vector<16xf32>
        %swap3A_313 = arith.index_cast %add3A_299 : i32 to index
        %swap3A_314 = arith.constant 16 : index
        %swap3A_315 = tpu.vector_load %arg17[%swap3A_313, %swap3A_314] {strides = array<i32>} : memref<128x128xf32, #tpu.memory_space<vmem>>, vector<16xf32>,
        tpu.vector_store %arg17[%swap3A_313, %swap3A_314], %mul3A_312 {strides = array<i32>} : memref<128x128xf32, #tpu.memory_space<vmem>>, vector<16xf32>,
        %get3A_316 = arith.index_cast %add3A_299 : i32 to index
        %get3A_317 = arith.constant 32 : index
        %get3A_318 = tpu.vector_load %arg17[%get3A_316, %get3A_317] {strides = array<i32>} : memref<128x128xf32, #tpu.memory_space<vmem>>, vector<16xf32>,
        %mul3A_319 = vector.broadcast %squeeze3A_295 : f32 to vector<16xf32>
        %mul3A_320 = arith.mulf %get3A_318, %mul3A_319 : vector<16xf32>
        %swap3A_321 = arith.index_cast %add3A_299 : i32 to index
        %swap3A_322 = arith.constant 32 : index
        %swap3A_323 = tpu.vector_load %arg17[%swap3A_321, %swap3A_322] {strides = array<i32>} : memref<128x128xf32, #tpu.memory_space<vmem>>, vector<16xf32>,
        tpu.vector_store %arg17[%swap3A_321, %swap3A_322], %mul3A_320 {strides = array<i32>} : memref<128x128xf32, #tpu.memory_space<vmem>>, vector<16xf32>,
        %get3A_324 = arith.index_cast %add3A_299 : i32 to index
        %get3A_325 = arith.constant 48 : index
        %get3A_326 = tpu.vector_load %arg17[%get3A_324, %get3A_325] {strides = array<i32>} : memref<128x128xf32, #tpu.memory_space<vmem>>, vector<16xf32>,
        %mul3A_327 = vector.broadcast %squeeze3A_295 : f32 to vector<16xf32>
        %mul3A_328 = arith.mulf %get3A_326, %mul3A_327 : vector<16xf32>
        %swap3A_329 = arith.index_cast %add3A_299 : i32 to index
        %swap3A_330 = arith.constant 48 : index
        %swap3A_331 = tpu.vector_load %arg17[%swap3A_329, %swap3A_330] {strides = array<i32>} : memref<128x128xf32, #tpu.memory_space<vmem>>, vector<16xf32>,
        tpu.vector_store %arg17[%swap3A_329, %swap3A_330], %mul3A_328 {strides = array<i32>} : memref<128x128xf32, #tpu.memory_space<vmem>>, vector<16xf32>,
        %get3A_332 = arith.index_cast %add3A_299 : i32 to index
        %get3A_333 = arith.constant 64 : index
        %get3A_334 = tpu.vector_load %arg17[%get3A_332, %get3A_333] {strides = array<i32>} : memref<128x128xf32, #tpu.memory_space<vmem>>, vector<16xf32>,
        %mul3A_335 = vector.broadcast %squeeze3A_295 : f32 to vector<16xf32>
        %mul3A_336 = arith.mulf %get3A_334, %mul3A_335 : vector<16xf32>
        %swap3A_337 = arith.index_cast %add3A_299 : i32 to index
        %swap3A_338 = arith.constant 64 : index
        %swap3A_339 = tpu.vector_load %arg17[%swap3A_337, %swap3A_338] {strides = array<i32>} : memref<128x128xf32, #tpu.memory_space<vmem>>, vector<16xf32>,
        tpu.vector_store %arg17[%swap3A_337, %swap3A_338], %mul3A_336 {strides = array<i32>} : memref<128x128xf32, #tpu.memory_space<vmem>>, vector<16xf32>,
        %get3A_340 = arith.index_cast %add3A_299 : i32 to index
        %get3A_341 = arith.constant 80 : index
        %get3A_342 = tpu.vector_load %arg17[%get3A_340, %get3A_341] {strides = array<i32>} : memref<128x128xf32, #tpu.memory_space<vmem>>, vector<16xf32>,
        %mul3A_343 = vector.broadcast %squeeze3A_295 : f32 to vector<16xf32>
        %mul3A_344 = arith.mulf %get3A_342, %mul3A_343 : vector<16xf32>
        %swap3A_345 = arith.index_cast %add3A_299 : i32 to index
        %swap3A_346 = arith.constant 80 : index
        %swap3A_347 = tpu.vector_load %arg17[%swap3A_345, %swap3A_346] {strides = array<i32>} : memref<128x128xf32, #tpu.memory_space<vmem>>, vector<16xf32>,
        tpu.vector_store %arg17[%swap3A_345, %swap3A_346], %mul3A_344 {strides = array<i32>} : memref<128x128xf32, #tpu.memory_space<vmem>>, vector<16xf32>,
        %get3A_348 = arith.index_cast %add3A_299 : i32 to index
        %get3A_349 = arith.constant 96 : index
        %get3A_350 = tpu.vector_load %arg17[%get3A_348, %get3A_349] {strides = array<i32>} : memref<128x128xf32, #tpu.memory_space<vmem>>, vector<16xf32>,
        %mul3A_351 = vector.broadcast %squeeze3A_295 : f32 to vector<16xf32>
        %mul3A_352 = arith.mulf %get3A_350, %mul3A_351 : vector<16xf32>
        %swap3A_353 = arith.index_cast %add3A_299 : i32 to index
        %swap3A_354 = arith.constant 96 : index
        %swap3A_355 = tpu.vector_load %arg17[%swap3A_353, %swap3A_354] {strides = array<i32>} : memref<128x128xf32, #tpu.memory_space<vmem>>, vector<16xf32>,
        tpu.vector_store %arg17[%swap3A_353, %swap3A_354], %mul3A_352 {strides = array<i32>} : memref<128x128xf32, #tpu.memory_space<vmem>>, vector<16xf32>,
        %get3A_356 = arith.index_cast %add3A_299 : i32 to index
        %get3A_357 = arith.constant 112 : index
        %get3A_358 = tpu.vector_load %arg17[%get3A_356, %get3A_357] {strides = array<i32>} : memref<128x128xf32, #tpu.memory_space<vmem>>, vector<16xf32>,
        %mul3A_359 = vector.broadcast %squeeze3A_295 : f32 to vector<16xf32>
        %mul3A_360 = arith.mulf %get3A_358, %mul3A_359 : vector<16xf32>
        %swap3A_361 = arith.index_cast %add3A_299 : i32 to index
        %swap3A_362 = arith.constant 112 : index
        %swap3A_363 = tpu.vector_load %arg17[%swap3A_361, %swap3A_362] {strides = array<i32>} : memref<128x128xf32, #tpu.memory_space<vmem>>, vector<16xf32>,
        tpu.vector_store %arg17[%swap3A_361, %swap3A_362], %mul3A_360 {strides = array<i32>} : memref<128x128xf32, #tpu.memory_space<vmem>>, vector<16xf32>,
        %slice3A_364 = vector.extract_strided_slice %get3A_85 {offsets = [4], sizes = [1], strides = [1]} : vector<16xf32> to vector<1xf32>
        %squeeze3A_365 = vector.extract %slice3A_364[0] : f32 from vector<1xf32>
        %mul3A_366 = arith.constant 16 : i32
        %mul3A_367 = arith.muli %scan3A_82, %mul3A_366 : i32
        %add3A_368 = arith.constant 4 : i32
        %add3A_369 = arith.addi %mul3A_367, %add3A_368 : i32
        %get3A_370 = arith.index_cast %add3A_369 : i32 to index
        %get3A_371 = arith.constant 0 : index
        %get3A_372 = tpu.vector_load %arg17[%get3A_370, %get3A_371] {strides = array<i32>} : memref<128x128xf32, #tpu.memory_space<vmem>>, vector<16xf32>,
        %mul3A_373 = vector.broadcast %squeeze3A_365 : f32 to vector<16xf32>
        %mul3A_374 = arith.mulf %get3A_372, %mul3A_373 : vector<16xf32>
        %swap3A_375 = arith.index_cast %add3A_369 : i32 to index
        %swap3A_376 = arith.constant 0 : index
        %swap3A_377 = tpu.vector_load %arg17[%swap3A_375, %swap3A_376] {strides = array<i32>} : memref<128x128xf32, #tpu.memory_space<vmem>>, vector<16xf32>,
        tpu.vector_store %arg17[%swap3A_375, %swap3A_376], %mul3A_374 {strides = array<i32>} : memref<128x128xf32, #tpu.memory_space<vmem>>, vector<16xf32>,
        %get3A_378 = arith.index_cast %add3A_369 : i32 to index
        %get3A_379 = arith.constant 16 : index
        %get3A_380 = tpu.vector_load %arg17[%get3A_378, %get3A_379] {strides = array<i32>} : memref<128x128xf32, #tpu.memory_space<vmem>>, vector<16xf32>,
        %mul3A_381 = vector.broadcast %squeeze3A_365 : f32 to vector<16xf32>
        %mul3A_382 = arith.mulf %get3A_380, %mul3A_381 : vector<16xf32>
        %swap3A_383 = arith.index_cast %add3A_369 : i32 to index
        %swap3A_384 = arith.constant 16 : index
        %swap3A_385 = tpu.vector_load %arg17[%swap3A_383, %swap3A_384] {strides = array<i32>} : memref<128x128xf32, #tpu.memory_space<vmem>>, vector<16xf32>,
        tpu.vector_store %arg17[%swap3A_383, %swap3A_384], %mul3A_382 {strides = array<i32>} : memref<128x128xf32, #tpu.memory_space<vmem>>, vector<16xf32>,
        %get3A_386 = arith.index_cast %add3A_369 : i32 to index
        %get3A_387 = arith.constant 32 : index
        %get3A_388 = tpu.vector_load %arg17[%get3A_386, %get3A_387] {strides = array<i32>} : memref<128x128xf32, #tpu.memory_space<vmem>>, vector<16xf32>,
        %mul3A_389 = vector.broadcast %squeeze3A_365 : f32 to vector<16xf32>
        %mul3A_390 = arith.mulf %get3A_388, %mul3A_389 : vector<16xf32>
        %swap3A_391 = arith.index_cast %add3A_369 : i32 to index
        %swap3A_392 = arith.constant 32 : index
        %swap3A_393 = tpu.vector_load %arg17[%swap3A_391, %swap3A_392] {strides = array<i32>} : memref<128x128xf32, #tpu.memory_space<vmem>>, vector<16xf32>,
        tpu.vector_store %arg17[%swap3A_391, %swap3A_392], %mul3A_390 {strides = array<i32>} : memref<128x128xf32, #tpu.memory_space<vmem>>, vector<16xf32>,
        %get3A_394 = arith.index_cast %add3A_369 : i32 to index
        %get3A_395 = arith.constant 48 : index
        %get3A_396 = tpu.vector_load %arg17[%get3A_394, %get3A_395] {strides = array<i32>} : memref<128x128xf32, #tpu.memory_space<vmem>>, vector<16xf32>,
        %mul3A_397 = vector.broadcast %squeeze3A_365 : f32 to vector<16xf32>
        %mul3A_398 = arith.mulf %get3A_396, %mul3A_397 : vector<16xf32>
        %swap3A_399 = arith.index_cast %add3A_369 : i32 to index
        %swap3A_400 = arith.constant 48 : index
        %swap3A_401 = tpu.vector_load %arg17[%swap3A_399, %swap3A_400] {strides = array<i32>} : memref<128x128xf32, #tpu.memory_space<vmem>>, vector<16xf32>,
        tpu.vector_store %arg17[%swap3A_399, %swap3A_400], %mul3A_398 {strides = array<i32>} : memref<128x128xf32, #tpu.memory_space<vmem>>, vector<16xf32>,
        %get3A_402 = arith.index_cast %add3A_369 : i32 to index
        %get3A_403 = arith.constant 64 : index
        %get3A_404 = tpu.vector_load %arg17[%get3A_402, %get3A_403] {strides = array<i32>} : memref<128x128xf32, #tpu.memory_space<vmem>>, vector<16xf32>,
        %mul3A_405 = vector.broadcast %squeeze3A_365 : f32 to vector<16xf32>
        %mul3A_406 = arith.mulf %get3A_404, %mul3A_405 : vector<16xf32>
        %swap3A_407 = arith.index_cast %add3A_369 : i32 to index
        %swap3A_408 = arith.constant 64 : index
        %swap3A_409 = tpu.vector_load %arg17[%swap3A_407, %swap3A_408] {strides = array<i32>} : memref<128x128xf32, #tpu.memory_space<vmem>>, vector<16xf32>,
        tpu.vector_store %arg17[%swap3A_407, %swap3A_408], %mul3A_406 {strides = array<i32>} : memref<128x128xf32, #tpu.memory_space<vmem>>, vector<16xf32>,
        %get3A_410 = arith.index_cast %add3A_369 : i32 to index
        %get3A_411 = arith.constant 80 : index
        %get3A_412 = tpu.vector_load %arg17[%get3A_410, %get3A_411] {strides = array<i32>} : memref<128x128xf32, #tpu.memory_space<vmem>>, vector<16xf32>,
        %mul3A_413 = vector.broadcast %squeeze3A_365 : f32 to vector<16xf32>
        %mul3A_414 = arith.mulf %get3A_412, %mul3A_413 : vector<16xf32>
        %swap3A_415 = arith.index_cast %add3A_369 : i32 to index
        %swap3A_416 = arith.constant 80 : index
        %swap3A_417 = tpu.vector_load %arg17[%swap3A_415, %swap3A_416] {strides = array<i32>} : memref<128x128xf32, #tpu.memory_space<vmem>>, vector<16xf32>,
        tpu.vector_store %arg17[%swap3A_415, %swap3A_416], %mul3A_414 {strides = array<i32>} : memref<128x128xf32, #tpu.memory_space<vmem>>, vector<16xf32>,
        %get3A_418 = arith.index_cast %add3A_369 : i32 to index
        %get3A_419 = arith.constant 96 : index
        %get3A_420 = tpu.vector_load %arg17[%get3A_418, %get3A_419] {strides = array<i32>} : memref<128x128xf32, #tpu.memory_space<vmem>>, vector<16xf32>,
        %mul3A_421 = vector.broadcast %squeeze3A_365 : f32 to vector<16xf32>
        %mul3A_422 = arith.mulf %get3A_420, %mul3A_421 : vector<16xf32>
        %swap3A_423 = arith.index_cast %add3A_369 : i32 to index
        %swap3A_424 = arith.constant 96 : index
        %swap3A_425 = tpu.vector_load %arg17[%swap3A_423, %swap3A_424] {strides = array<i32>} : memref<128x128xf32, #tpu.memory_space<vmem>>, vector<16xf32>,
        tpu.vector_store %arg17[%swap3A_423, %swap3A_424], %mul3A_422 {strides = array<i32>} : memref<128x128xf32, #tpu.memory_space<vmem>>, vector<16xf32>,
        %get3A_426 = arith.index_cast %add3A_369 : i32 to index
        %get3A_427 = arith.constant 112 : index
        %get3A_428 = tpu.vector_load %arg17[%get3A_426, %get3A_427] {strides = array<i32>} : memref<128x128xf32, #tpu.memory_space<vmem>>, vector<16xf32>,
        %mul3A_429 = vector.broadcast %squeeze3A_365 : f32 to vector<16xf32>
        %mul3A_430 = arith.mulf %get3A_428, %mul3A_429 : vector<16xf32>
        %swap3A_431 = arith.index_cast %add3A_369 : i32 to index
        %swap3A_432 = arith.constant 112 : index
        %swap3A_433 = tpu.vector_load %arg17[%swap3A_431, %swap3A_432] {strides = array<i32>} : memref<128x128xf32, #tpu.memory_space<vmem>>, vector<16xf32>,
        tpu.vector_store %arg17[%swap3A_431, %swap3A_432], %mul3A_430 {strides = array<i32>} : memref<128x128xf32, #tpu.memory_space<vmem>>, vector<16xf32>,
        %slice3A_434 = vector.extract_strided_slice %get3A_85 {offsets = [5], sizes = [1], strides = [1]} : vector<16xf32> to vector<1xf32>
        %squeeze3A_435 = vector.extract %slice3A_434[0] : f32 from vector<1xf32>
        %mul3A_436 = arith.constant 16 : i32
        %mul3A_437 = arith.muli %scan3A_82, %mul3A_436 : i32
        %add3A_438 = arith.constant 5 : i32
        %add3A_439 = arith.addi %mul3A_437, %add3A_438 : i32
        %get3A_440 = arith.index_cast %add3A_439 : i32 to index
        %get3A_441 = arith.constant 0 : index
        %get3A_442 = tpu.vector_load %arg17[%get3A_440, %get3A_441] {strides = array<i32>} : memref<128x128xf32, #tpu.memory_space<vmem>>, vector<16xf32>,
        %mul3A_443 = vector.broadcast %squeeze3A_435 : f32 to vector<16xf32>
        %mul3A_444 = arith.mulf %get3A_442, %mul3A_443 : vector<16xf32>
        %swap3A_445 = arith.index_cast %add3A_439 : i32 to index
        %swap3A_446 = arith.constant 0 : index
        %swap3A_447 = tpu.vector_load %arg17[%swap3A_445, %swap3A_446] {strides = array<i32>} : memref<128x128xf32, #tpu.memory_space<vmem>>, vector<16xf32>,
        tpu.vector_store %arg17[%swap3A_445, %swap3A_446], %mul3A_444 {strides = array<i32>} : memref<128x128xf32, #tpu.memory_space<vmem>>, vector<16xf32>,
        %get3A_448 = arith.index_cast %add3A_439 : i32 to index
        %get3A_449 = arith.constant 16 : index
        %get3A_450 = tpu.vector_load %arg17[%get3A_448, %get3A_449] {strides = array<i32>} : memref<128x128xf32, #tpu.memory_space<vmem>>, vector<16xf32>,
        %mul3A_451 = vector.broadcast %squeeze3A_435 : f32 to vector<16xf32>
        %mul3A_452 = arith.mulf %get3A_450, %mul3A_451 : vector<16xf32>
        %swap3A_453 = arith.index_cast %add3A_439 : i32 to index
        %swap3A_454 = arith.constant 16 : index
        %swap3A_455 = tpu.vector_load %arg17[%swap3A_453, %swap3A_454] {strides = array<i32>} : memref<128x128xf32, #tpu.memory_space<vmem>>, vector<16xf32>,
        tpu.vector_store %arg17[%swap3A_453, %swap3A_454], %mul3A_452 {strides = array<i32>} : memref<128x128xf32, #tpu.memory_space<vmem>>, vector<16xf32>,
        %get3A_456 = arith.index_cast %add3A_439 : i32 to index
        %get3A_457 = arith.constant 32 : index
        %get3A_458 = tpu.vector_load %arg17[%get3A_456, %get3A_457] {strides = array<i32>} : memref<128x128xf32, #tpu.memory_space<vmem>>, vector<16xf32>,
        %mul3A_459 = vector.broadcast %squeeze3A_435 : f32 to vector<16xf32>
        %mul3A_460 = arith.mulf %get3A_458, %mul3A_459 : vector<16xf32>
        %swap3A_461 = arith.index_cast %add3A_439 : i32 to index
        %swap3A_462 = arith.constant 32 : index
        %swap3A_463 = tpu.vector_load %arg17[%swap3A_461, %swap3A_462] {strides = array<i32>} : memref<128x128xf32, #tpu.memory_space<vmem>>, vector<16xf32>,
        tpu.vector_store %arg17[%swap3A_461, %swap3A_462], %mul3A_460 {strides = array<i32>} : memref<128x128xf32, #tpu.memory_space<vmem>>, vector<16xf32>,
        %get3A_464 = arith.index_cast %add3A_439 : i32 to index
        %get3A_465 = arith.constant 48 : index
        %get3A_466 = tpu.vector_load %arg17[%get3A_464, %get3A_465] {strides = array<i32>} : memref<128x128xf32, #tpu.memory_space<vmem>>, vector<16xf32>,
        %mul3A_467 = vector.broadcast %squeeze3A_435 : f32 to vector<16xf32>
        %mul3A_468 = arith.mulf %get3A_466, %mul3A_467 : vector<16xf32>
        %swap3A_469 = arith.index_cast %add3A_439 : i32 to index
        %swap3A_470 = arith.constant 48 : index
        %swap3A_471 = tpu.vector_load %arg17[%swap3A_469, %swap3A_470] {strides = array<i32>} : memref<128x128xf32, #tpu.memory_space<vmem>>, vector<16xf32>,
        tpu.vector_store %arg17[%swap3A_469, %swap3A_470], %mul3A_468 {strides = array<i32>} : memref<128x128xf32, #tpu.memory_space<vmem>>, vector<16xf32>,
        %get3A_472 = arith.index_cast %add3A_439 : i32 to index
        %get3A_473 = arith.constant 64 : index
        %get3A_474 = tpu.vector_load %arg17[%get3A_472, %get3A_473] {strides = array<i32>} : memref<128x128xf32, #tpu.memory_space<vmem>>, vector<16xf32>,
        %mul3A_475 = vector.broadcast %squeeze3A_435 : f32 to vector<16xf32>
        %mul3A_476 = arith.mulf %get3A_474, %mul3A_475 : vector<16xf32>
        %swap3A_477 = arith.index_cast %add3A_439 : i32 to index
        %swap3A_478 = arith.constant 64 : index
        %swap3A_479 = tpu.vector_load %arg17[%swap3A_477, %swap3A_478] {strides = array<i32>} : memref<128x128xf32, #tpu.memory_space<vmem>>, vector<16xf32>,
        tpu.vector_store %arg17[%swap3A_477, %swap3A_478], %mul3A_476 {strides = array<i32>} : memref<128x128xf32, #tpu.memory_space<vmem>>, vector<16xf32>,
        %get3A_480 = arith.index_cast %add3A_439 : i32 to index
        %get3A_481 = arith.constant 80 : index
        %get3A_482 = tpu.vector_load %arg17[%get3A_480, %get3A_481] {strides = array<i32>} : memref<128x128xf32, #tpu.memory_space<vmem>>, vector<16xf32>,
        %mul3A_483 = vector.broadcast %squeeze3A_435 : f32 to vector<16xf32>
        %mul3A_484 = arith.mulf %get3A_482, %mul3A_483 : vector<16xf32>
        %swap3A_485 = arith.index_cast %add3A_439 : i32 to index
        %swap3A_486 = arith.constant 80 : index
        %swap3A_487 = tpu.vector_load %arg17[%swap3A_485, %swap3A_486] {strides = array<i32>} : memref<128x128xf32, #tpu.memory_space<vmem>>, vector<16xf32>,
        tpu.vector_store %arg17[%swap3A_485, %swap3A_486], %mul3A_484 {strides = array<i32>} : memref<128x128xf32, #tpu.memory_space<vmem>>, vector<16xf32>,
        %get3A_488 = arith.index_cast %add3A_439 : i32 to index
        %get3A_489 = arith.constant 96 : index
        %get3A_490 = tpu.vector_load %arg17[%get3A_488, %get3A_489] {strides = array<i32>} : memref<128x128xf32, #tpu.memory_space<vmem>>, vector<16xf32>,
        %mul3A_491 = vector.broadcast %squeeze3A_435 : f32 to vector<16xf32>
        %mul3A_492 = arith.mulf %get3A_490, %mul3A_491 : vector<16xf32>
        %swap3A_493 = arith.index_cast %add3A_439 : i32 to index
        %swap3A_494 = arith.constant 96 : index
        %swap3A_495 = tpu.vector_load %arg17[%swap3A_493, %swap3A_494] {strides = array<i32>} : memref<128x128xf32, #tpu.memory_space<vmem>>, vector<16xf32>,
        tpu.vector_store %arg17[%swap3A_493, %swap3A_494], %mul3A_492 {strides = array<i32>} : memref<128x128xf32, #tpu.memory_space<vmem>>, vector<16xf32>,
        %get3A_496 = arith.index_cast %add3A_439 : i32 to index
        %get3A_497 = arith.constant 112 : index
        %get3A_498 = tpu.vector_load %arg17[%get3A_496, %get3A_497] {strides = array<i32>} : memref<128x128xf32, #tpu.memory_space<vmem>>, vector<16xf32>,
        %mul3A_499 = vector.broadcast %squeeze3A_435 : f32 to vector<16xf32>
        %mul3A_500 = arith.mulf %get3A_498, %mul3A_499 : vector<16xf32>
        %swap3A_501 = arith.index_cast %add3A_439 : i32 to index
        %swap3A_502 = arith.constant 112 : index
        %swap3A_503 = tpu.vector_load %arg17[%swap3A_501, %swap3A_502] {strides = array<i32>} : memref<128x128xf32, #tpu.memory_space<vmem>>, vector<16xf32>,
        tpu.vector_store %arg17[%swap3A_501, %swap3A_502], %mul3A_500 {strides = array<i32>} : memref<128x128xf32, #tpu.memory_space<vmem>>, vector<16xf32>,
        %slice3A_504 = vector.extract_strided_slice %get3A_85 {offsets = [6], sizes = [1], strides = [1]} : vector<16xf32> to vector<1xf32>
        %squeeze3A_505 = vector.extract %slice3A_504[0] : f32 from vector<1xf32>
        %mul3A_506 = arith.constant 16 : i32
        %mul3A_507 = arith.muli %scan3A_82, %mul3A_506 : i32
        %add3A_508 = arith.constant 6 : i32
        %add3A_509 = arith.addi %mul3A_507, %add3A_508 : i32
        %get3A_510 = arith.index_cast %add3A_509 : i32 to index
        %get3A_511 = arith.constant 0 : index
        %get3A_512 = tpu.vector_load %arg17[%get3A_510, %get3A_511] {strides = array<i32>} : memref<128x128xf32, #tpu.memory_space<vmem>>, vector<16xf32>,
        %mul3A_513 = vector.broadcast %squeeze3A_505 : f32 to vector<16xf32>
        %mul3A_514 = arith.mulf %get3A_512, %mul3A_513 : vector<16xf32>
        %swap3A_515 = arith.index_cast %add3A_509 : i32 to index
        %swap3A_516 = arith.constant 0 : index
        %swap3A_517 = tpu.vector_load %arg17[%swap3A_515, %swap3A_516] {strides = array<i32>} : memref<128x128xf32, #tpu.memory_space<vmem>>, vector<16xf32>,
        tpu.vector_store %arg17[%swap3A_515, %swap3A_516], %mul3A_514 {strides = array<i32>} : memref<128x128xf32, #tpu.memory_space<vmem>>, vector<16xf32>,
        %get3A_518 = arith.index_cast %add3A_509 : i32 to index
        %get3A_519 = arith.constant 16 : index
        %get3A_520 = tpu.vector_load %arg17[%get3A_518, %get3A_519] {strides = array<i32>} : memref<128x128xf32, #tpu.memory_space<vmem>>, vector<16xf32>,
        %mul3A_521 = vector.broadcast %squeeze3A_505 : f32 to vector<16xf32>
        %mul3A_522 = arith.mulf %get3A_520, %mul3A_521 : vector<16xf32>
        %swap3A_523 = arith.index_cast %add3A_509 : i32 to index
        %swap3A_524 = arith.constant 16 : index
        %swap3A_525 = tpu.vector_load %arg17[%swap3A_523, %swap3A_524] {strides = array<i32>} : memref<128x128xf32, #tpu.memory_space<vmem>>, vector<16xf32>,
        tpu.vector_store %arg17[%swap3A_523, %swap3A_524], %mul3A_522 {strides = array<i32>} : memref<128x128xf32, #tpu.memory_space<vmem>>, vector<16xf32>,
        %get3A_526 = arith.index_cast %add3A_509 : i32 to index
        %get3A_527 = arith.constant 32 : index
        %get3A_528 = tpu.vector_load %arg17[%get3A_526, %get3A_527] {strides = array<i32>} : memref<128x128xf32, #tpu.memory_space<vmem>>, vector<16xf32>,
        %mul3A_529 = vector.broadcast %squeeze3A_505 : f32 to vector<16xf32>
        %mul3A_530 = arith.mulf %get3A_528, %mul3A_529 : vector<16xf32>
        %swap3A_531 = arith.index_cast %add3A_509 : i32 to index
        %swap3A_532 = arith.constant 32 : index
        %swap3A_533 = tpu.vector_load %arg17[%swap3A_531, %swap3A_532] {strides = array<i32>} : memref<128x128xf32, #tpu.memory_space<vmem>>, vector<16xf32>,
        tpu.vector_store %arg17[%swap3A_531, %swap3A_532], %mul3A_530 {strides = array<i32>} : memref<128x128xf32, #tpu.memory_space<vmem>>, vector<16xf32>,
        %get3A_534 = arith.index_cast %add3A_509 : i32 to index
        %get3A_535 = arith.constant 48 : index
        %get3A_536 = tpu.vector_load %arg17[%get3A_534, %get3A_535] {strides = array<i32>} : memref<128x128xf32, #tpu.memory_space<vmem>>, vector<16xf32>,
        %mul3A_537 = vector.broadcast %squeeze3A_505 : f32 to vector<16xf32>
        %mul3A_538 = arith.mulf %get3A_536, %mul3A_537 : vector<16xf32>
        %swap3A_539 = arith.index_cast %add3A_509 : i32 to index
        %swap3A_540 = arith.constant 48 : index
        %swap3A_541 = tpu.vector_load %arg17[%swap3A_539, %swap3A_540] {strides = array<i32>} : memref<128x128xf32, #tpu.memory_space<vmem>>, vector<16xf32>,
        tpu.vector_store %arg17[%swap3A_539, %swap3A_540], %mul3A_538 {strides = array<i32>} : memref<128x128xf32, #tpu.memory_space<vmem>>, vector<16xf32>,
        %get3A_542 = arith.index_cast %add3A_509 : i32 to index
        %get3A_543 = arith.constant 64 : index
        %get3A_544 = tpu.vector_load %arg17[%get3A_542, %get3A_543] {strides = array<i32>} : memref<128x128xf32, #tpu.memory_space<vmem>>, vector<16xf32>,
        %mul3A_545 = vector.broadcast %squeeze3A_505 : f32 to vector<16xf32>
        %mul3A_546 = arith.mulf %get3A_544, %mul3A_545 : vector<16xf32>
        %swap3A_547 = arith.index_cast %add3A_509 : i32 to index
        %swap3A_548 = arith.constant 64 : index
        %swap3A_549 = tpu.vector_load %arg17[%swap3A_547, %swap3A_548] {strides = array<i32>} : memref<128x128xf32, #tpu.memory_space<vmem>>, vector<16xf32>,
        tpu.vector_store %arg17[%swap3A_547, %swap3A_548], %mul3A_546 {strides = array<i32>} : memref<128x128xf32, #tpu.memory_space<vmem>>, vector<16xf32>,
        %get3A_550 = arith.index_cast %add3A_509 : i32 to index
        %get3A_551 = arith.constant 80 : index
        %get3A_552 = tpu.vector_load %arg17[%get3A_550, %get3A_551] {strides = array<i32>} : memref<128x128xf32, #tpu.memory_space<vmem>>, vector<16xf32>,
        %mul3A_553 = vector.broadcast %squeeze3A_505 : f32 to vector<16xf32>
        %mul3A_554 = arith.mulf %get3A_552, %mul3A_553 : vector<16xf32>
        %swap3A_555 = arith.index_cast %add3A_509 : i32 to index
        %swap3A_556 = arith.constant 80 : index
        %swap3A_557 = tpu.vector_load %arg17[%swap3A_555, %swap3A_556] {strides = array<i32>} : memref<128x128xf32, #tpu.memory_space<vmem>>, vector<16xf32>,
        tpu.vector_store %arg17[%swap3A_555, %swap3A_556], %mul3A_554 {strides = array<i32>} : memref<128x128xf32, #tpu.memory_space<vmem>>, vector<16xf32>,
        %get3A_558 = arith.index_cast %add3A_509 : i32 to index
        %get3A_559 = arith.constant 96 : index
        %get3A_560 = tpu.vector_load %arg17[%get3A_558, %get3A_559] {strides = array<i32>} : memref<128x128xf32, #tpu.memory_space<vmem>>, vector<16xf32>,
        %mul3A_561 = vector.broadcast %squeeze3A_505 : f32 to vector<16xf32>
        %mul3A_562 = arith.mulf %get3A_560, %mul3A_561 : vector<16xf32>
        %swap3A_563 = arith.index_cast %add3A_509 : i32 to index
        %swap3A_564 = arith.constant 96 : index
        %swap3A_565 = tpu.vector_load %arg17[%swap3A_563, %swap3A_564] {strides = array<i32>} : memref<128x128xf32, #tpu.memory_space<vmem>>, vector<16xf32>,
        tpu.vector_store %arg17[%swap3A_563, %swap3A_564], %mul3A_562 {strides = array<i32>} : memref<128x128xf32, #tpu.memory_space<vmem>>, vector<16xf32>,
        %get3A_566 = arith.index_cast %add3A_509 : i32 to index
        %get3A_567 = arith.constant 112 : index
        %get3A_568 = tpu.vector_load %arg17[%get3A_566, %get3A_567] {strides = array<i32>} : memref<128x128xf32, #tpu.memory_space<vmem>>, vector<16xf32>,
        %mul3A_569 = vector.broadcast %squeeze3A_505 : f32 to vector<16xf32>
        %mul3A_570 = arith.mulf %get3A_568, %mul3A_569 : vector<16xf32>
        %swap3A_571 = arith.index_cast %add3A_509 : i32 to index
        %swap3A_572 = arith.constant 112 : index
        %swap3A_573 = tpu.vector_load %arg17[%swap3A_571, %swap3A_572] {strides = array<i32>} : memref<128x128xf32, #tpu.memory_space<vmem>>, vector<16xf32>,
        tpu.vector_store %arg17[%swap3A_571, %swap3A_572], %mul3A_570 {strides = array<i32>} : memref<128x128xf32, #tpu.memory_space<vmem>>, vector<16xf32>,
        %slice3A_574 = vector.extract_strided_slice %get3A_85 {offsets = [7], sizes = [1], strides = [1]} : vector<16xf32> to vector<1xf32>
        %squeeze3A_575 = vector.extract %slice3A_574[0] : f32 from vector<1xf32>
        %mul3A_576 = arith.constant 16 : i32
        %mul3A_577 = arith.muli %scan3A_82, %mul3A_576 : i32
        %add3A_578 = arith.constant 7 : i32
        %add3A_579 = arith.addi %mul3A_577, %add3A_578 : i32
        %get3A_580 = arith.index_cast %add3A_579 : i32 to index
        %get3A_581 = arith.constant 0 : index
        %get3A_582 = tpu.vector_load %arg17[%get3A_580, %get3A_581] {strides = array<i32>} : memref<128x128xf32, #tpu.memory_space<vmem>>, vector<16xf32>,
        %mul3A_583 = vector.broadcast %squeeze3A_575 : f32 to vector<16xf32>
        %mul3A_584 = arith.mulf %get3A_582, %mul3A_583 : vector<16xf32>
        %swap3A_585 = arith.index_cast %add3A_579 : i32 to index
        %swap3A_586 = arith.constant 0 : index
        %swap3A_587 = tpu.vector_load %arg17[%swap3A_585, %swap3A_586] {strides = array<i32>} : memref<128x128xf32, #tpu.memory_space<vmem>>, vector<16xf32>,
        tpu.vector_store %arg17[%swap3A_585, %swap3A_586], %mul3A_584 {strides = array<i32>} : memref<128x128xf32, #tpu.memory_space<vmem>>, vector<16xf32>,
        %get3A_588 = arith.index_cast %add3A_579 : i32 to index
        %get3A_589 = arith.constant 16 : index
        %get3A_590 = tpu.vector_load %arg17[%get3A_588, %get3A_589] {strides = array<i32>} : memref<128x128xf32, #tpu.memory_space<vmem>>, vector<16xf32>,
        %mul3A_591 = vector.broadcast %squeeze3A_575 : f32 to vector<16xf32>
        %mul3A_592 = arith.mulf %get3A_590, %mul3A_591 : vector<16xf32>
        %swap3A_593 = arith.index_cast %add3A_579 : i32 to index
        %swap3A_594 = arith.constant 16 : index
        %swap3A_595 = tpu.vector_load %arg17[%swap3A_593, %swap3A_594] {strides = array<i32>} : memref<128x128xf32, #tpu.memory_space<vmem>>, vector<16xf32>,
        tpu.vector_store %arg17[%swap3A_593, %swap3A_594], %mul3A_592 {strides = array<i32>} : memref<128x128xf32, #tpu.memory_space<vmem>>, vector<16xf32>,
        %get3A_596 = arith.index_cast %add3A_579 : i32 to index
        %get3A_597 = arith.constant 32 : index
        %get3A_598 = tpu.vector_load %arg17[%get3A_596, %get3A_597] {strides = array<i32>} : memref<128x128xf32, #tpu.memory_space<vmem>>, vector<16xf32>,
        %mul3A_599 = vector.broadcast %squeeze3A_575 : f32 to vector<16xf32>
        %mul3A_600 = arith.mulf %get3A_598, %mul3A_599 : vector<16xf32>
        %swap3A_601 = arith.index_cast %add3A_579 : i32 to index
        %swap3A_602 = arith.constant 32 : index
        %swap3A_603 = tpu.vector_load %arg17[%swap3A_601, %swap3A_602] {strides = array<i32>} : memref<128x128xf32, #tpu.memory_space<vmem>>, vector<16xf32>,
        tpu.vector_store %arg17[%swap3A_601, %swap3A_602], %mul3A_600 {strides = array<i32>} : memref<128x128xf32, #tpu.memory_space<vmem>>, vector<16xf32>,
        %get3A_604 = arith.index_cast %add3A_579 : i32 to index
        %get3A_605 = arith.constant 48 : index
        %get3A_606 = tpu.vector_load %arg17[%get3A_604, %get3A_605] {strides = array<i32>} : memref<128x128xf32, #tpu.memory_space<vmem>>, vector<16xf32>,
        %mul3A_607 = vector.broadcast %squeeze3A_575 : f32 to vector<16xf32>
        %mul3A_608 = arith.mulf %get3A_606, %mul3A_607 : vector<16xf32>
        %swap3A_609 = arith.index_cast %add3A_579 : i32 to index
        %swap3A_610 = arith.constant 48 : index
        %swap3A_611 = tpu.vector_load %arg17[%swap3A_609, %swap3A_610] {strides = array<i32>} : memref<128x128xf32, #tpu.memory_space<vmem>>, vector<16xf32>,
        tpu.vector_store %arg17[%swap3A_609, %swap3A_610], %mul3A_608 {strides = array<i32>} : memref<128x128xf32, #tpu.memory_space<vmem>>, vector<16xf32>,
        %get3A_612 = arith.index_cast %add3A_579 : i32 to index
        %get3A_613 = arith.constant 64 : index
        %get3A_614 = tpu.vector_load %arg17[%get3A_612, %get3A_613] {strides = array<i32>} : memref<128x128xf32, #tpu.memory_space<vmem>>, vector<16xf32>,
        %mul3A_615 = vector.broadcast %squeeze3A_575 : f32 to vector<16xf32>
        %mul3A_616 = arith.mulf %get3A_614, %mul3A_615 : vector<16xf32>
        %swap3A_617 = arith.index_cast %add3A_579 : i32 to index
        %swap3A_618 = arith.constant 64 : index
        %swap3A_619 = tpu.vector_load %arg17[%swap3A_617, %swap3A_618] {strides = array<i32>} : memref<128x128xf32, #tpu.memory_space<vmem>>, vector<16xf32>,
        tpu.vector_store %arg17[%swap3A_617, %swap3A_618], %mul3A_616 {strides = array<i32>} : memref<128x128xf32, #tpu.memory_space<vmem>>, vector<16xf32>,
        %get3A_620 = arith.index_cast %add3A_579 : i32 to index
        %get3A_621 = arith.constant 80 : index
        %get3A_622 = tpu.vector_load %arg17[%get3A_620, %get3A_621] {strides = array<i32>} : memref<128x128xf32, #tpu.memory_space<vmem>>, vector<16xf32>,
        %mul3A_623 = vector.broadcast %squeeze3A_575 : f32 to vector<16xf32>
        %mul3A_624 = arith.mulf %get3A_622, %mul3A_623 : vector<16xf32>
        %swap3A_625 = arith.index_cast %add3A_579 : i32 to index
        %swap3A_626 = arith.constant 80 : index
        %swap3A_627 = tpu.vector_load %arg17[%swap3A_625, %swap3A_626] {strides = array<i32>} : memref<128x128xf32, #tpu.memory_space<vmem>>, vector<16xf32>,
        tpu.vector_store %arg17[%swap3A_625, %swap3A_626], %mul3A_624 {strides = array<i32>} : memref<128x128xf32, #tpu.memory_space<vmem>>, vector<16xf32>,
        %get3A_628 = arith.index_cast %add3A_579 : i32 to index
        %get3A_629 = arith.constant 96 : index
        %get3A_630 = tpu.vector_load %arg17[%get3A_628, %get3A_629] {strides = array<i32>} : memref<128x128xf32, #tpu.memory_space<vmem>>, vector<16xf32>,
        %mul3A_631 = vector.broadcast %squeeze3A_575 : f32 to vector<16xf32>
        %mul3A_632 = arith.mulf %get3A_630, %mul3A_631 : vector<16xf32>
        %swap3A_633 = arith.index_cast %add3A_579 : i32 to index
        %swap3A_634 = arith.constant 96 : index
        %swap3A_635 = tpu.vector_load %arg17[%swap3A_633, %swap3A_634] {strides = array<i32>} : memref<128x128xf32, #tpu.memory_space<vmem>>, vector<16xf32>,
        tpu.vector_store %arg17[%swap3A_633, %swap3A_634], %mul3A_632 {strides = array<i32>} : memref<128x128xf32, #tpu.memory_space<vmem>>, vector<16xf32>,
        %get3A_636 = arith.index_cast %add3A_579 : i32 to index
        %get3A_637 = arith.constant 112 : index
        %get3A_638 = tpu.vector_load %arg17[%get3A_636, %get3A_637] {strides = array<i32>} : memref<128x128xf32, #tpu.memory_space<vmem>>, vector<16xf32>,
        %mul3A_639 = vector.broadcast %squeeze3A_575 : f32 to vector<16xf32>
        %mul3A_640 = arith.mulf %get3A_638, %mul3A_639 : vector<16xf32>
        %swap3A_641 = arith.index_cast %add3A_579 : i32 to index
        %swap3A_642 = arith.constant 112 : index
        %swap3A_643 = tpu.vector_load %arg17[%swap3A_641, %swap3A_642] {strides = array<i32>} : memref<128x128xf32, #tpu.memory_space<vmem>>, vector<16xf32>,
        tpu.vector_store %arg17[%swap3A_641, %swap3A_642], %mul3A_640 {strides = array<i32>} : memref<128x128xf32, #tpu.memory_space<vmem>>, vector<16xf32>,
        %slice3A_644 = vector.extract_strided_slice %get3A_85 {offsets = [8], sizes = [1], strides = [1]} : vector<16xf32> to vector<1xf32>
        %squeeze3A_645 = vector.extract %slice3A_644[0] : f32 from vector<1xf32>
        %mul3A_646 = arith.constant 16 : i32
        %mul3A_647 = arith.muli %scan3A_82, %mul3A_646 : i32
        %add3A_648 = arith.constant 8 : i32
        %add3A_649 = arith.addi %mul3A_647, %add3A_648 : i32
        %get3A_650 = arith.index_cast %add3A_649 : i32 to index
        %get3A_651 = arith.constant 0 : index
        %get3A_652 = tpu.vector_load %arg17[%get3A_650, %get3A_651] {strides = array<i32>} : memref<128x128xf32, #tpu.memory_space<vmem>>, vector<16xf32>,
        %mul3A_653 = vector.broadcast %squeeze3A_645 : f32 to vector<16xf32>
        %mul3A_654 = arith.mulf %get3A_652, %mul3A_653 : vector<16xf32>
        %swap3A_655 = arith.index_cast %add3A_649 : i32 to index
        %swap3A_656 = arith.constant 0 : index
        %swap3A_657 = tpu.vector_load %arg17[%swap3A_655, %swap3A_656] {strides = array<i32>} : memref<128x128xf32, #tpu.memory_space<vmem>>, vector<16xf32>,
        tpu.vector_store %arg17[%swap3A_655, %swap3A_656], %mul3A_654 {strides = array<i32>} : memref<128x128xf32, #tpu.memory_space<vmem>>, vector<16xf32>,
        %get3A_658 = arith.index_cast %add3A_649 : i32 to index
        %get3A_659 = arith.constant 16 : index
        %get3A_660 = tpu.vector_load %arg17[%get3A_658, %get3A_659] {strides = array<i32>} : memref<128x128xf32, #tpu.memory_space<vmem>>, vector<16xf32>,
        %mul3A_661 = vector.broadcast %squeeze3A_645 : f32 to vector<16xf32>
        %mul3A_662 = arith.mulf %get3A_660, %mul3A_661 : vector<16xf32>
        %swap3A_663 = arith.index_cast %add3A_649 : i32 to index
        %swap3A_664 = arith.constant 16 : index
        %swap3A_665 = tpu.vector_load %arg17[%swap3A_663, %swap3A_664] {strides = array<i32>} : memref<128x128xf32, #tpu.memory_space<vmem>>, vector<16xf32>,
        tpu.vector_store %arg17[%swap3A_663, %swap3A_664], %mul3A_662 {strides = array<i32>} : memref<128x128xf32, #tpu.memory_space<vmem>>, vector<16xf32>,
        %get3A_666 = arith.index_cast %add3A_649 : i32 to index
        %get3A_667 = arith.constant 32 : index
        %get3A_668 = tpu.vector_load %arg17[%get3A_666, %get3A_667] {strides = array<i32>} : memref<128x128xf32, #tpu.memory_space<vmem>>, vector<16xf32>,
        %mul3A_669 = vector.broadcast %squeeze3A_645 : f32 to vector<16xf32>
        %mul3A_670 = arith.mulf %get3A_668, %mul3A_669 : vector<16xf32>
        %swap3A_671 = arith.index_cast %add3A_649 : i32 to index
        %swap3A_672 = arith.constant 32 : index
        %swap3A_673 = tpu.vector_load %arg17[%swap3A_671, %swap3A_672] {strides = array<i32>} : memref<128x128xf32, #tpu.memory_space<vmem>>, vector<16xf32>,
        tpu.vector_store %arg17[%swap3A_671, %swap3A_672], %mul3A_670 {strides = array<i32>} : memref<128x128xf32, #tpu.memory_space<vmem>>, vector<16xf32>,
        %get3A_674 = arith.index_cast %add3A_649 : i32 to index
        %get3A_675 = arith.constant 48 : index
        %get3A_676 = tpu.vector_load %arg17[%get3A_674, %get3A_675] {strides = array<i32>} : memref<128x128xf32, #tpu.memory_space<vmem>>, vector<16xf32>,
        %mul3A_677 = vector.broadcast %squeeze3A_645 : f32 to vector<16xf32>
        %mul3A_678 = arith.mulf %get3A_676, %mul3A_677 : vector<16xf32>
        %swap3A_679 = arith.index_cast %add3A_649 : i32 to index
        %swap3A_680 = arith.constant 48 : index
        %swap3A_681 = tpu.vector_load %arg17[%swap3A_679, %swap3A_680] {strides = array<i32>} : memref<128x128xf32, #tpu.memory_space<vmem>>, vector<16xf32>,
        tpu.vector_store %arg17[%swap3A_679, %swap3A_680], %mul3A_678 {strides = array<i32>} : memref<128x128xf32, #tpu.memory_space<vmem>>, vector<16xf32>,
        %get3A_682 = arith.index_cast %add3A_649 : i32 to index
        %get3A_683 = arith.constant 64 : index
        %get3A_684 = tpu.vector_load %arg17[%get3A_682, %get3A_683] {strides = array<i32>} : memref<128x128xf32, #tpu.memory_space<vmem>>, vector<16xf32>,
        %mul3A_685 = vector.broadcast %squeeze3A_645 : f32 to vector<16xf32>
        %mul3A_686 = arith.mulf %get3A_684, %mul3A_685 : vector<16xf32>
        %swap3A_687 = arith.index_cast %add3A_649 : i32 to index
        %swap3A_688 = arith.constant 64 : index
        %swap3A_689 = tpu.vector_load %arg17[%swap3A_687, %swap3A_688] {strides = array<i32>} : memref<128x128xf32, #tpu.memory_space<vmem>>, vector<16xf32>,
        tpu.vector_store %arg17[%swap3A_687, %swap3A_688], %mul3A_686 {strides = array<i32>} : memref<128x128xf32, #tpu.memory_space<vmem>>, vector<16xf32>,
        %get3A_690 = arith.index_cast %add3A_649 : i32 to index
        %get3A_691 = arith.constant 80 : index
        %get3A_692 = tpu.vector_load %arg17[%get3A_690, %get3A_691] {strides = array<i32>} : memref<128x128xf32, #tpu.memory_space<vmem>>, vector<16xf32>,
        %mul3A_693 = vector.broadcast %squeeze3A_645 : f32 to vector<16xf32>
        %mul3A_694 = arith.mulf %get3A_692, %mul3A_693 : vector<16xf32>
        %swap3A_695 = arith.index_cast %add3A_649 : i32 to index
        %swap3A_696 = arith.constant 80 : index
        %swap3A_697 = tpu.vector_load %arg17[%swap3A_695, %swap3A_696] {strides = array<i32>} : memref<128x128xf32, #tpu.memory_space<vmem>>, vector<16xf32>,
        tpu.vector_store %arg17[%swap3A_695, %swap3A_696], %mul3A_694 {strides = array<i32>} : memref<128x128xf32, #tpu.memory_space<vmem>>, vector<16xf32>,
        %get3A_698 = arith.index_cast %add3A_649 : i32 to index
        %get3A_699 = arith.constant 96 : index
        %get3A_700 = tpu.vector_load %arg17[%get3A_698, %get3A_699] {strides = array<i32>} : memref<128x128xf32, #tpu.memory_space<vmem>>, vector<16xf32>,
        %mul3A_701 = vector.broadcast %squeeze3A_645 : f32 to vector<16xf32>
        %mul3A_702 = arith.mulf %get3A_700, %mul3A_701 : vector<16xf32>
        %swap3A_703 = arith.index_cast %add3A_649 : i32 to index
        %swap3A_704 = arith.constant 96 : index
        %swap3A_705 = tpu.vector_load %arg17[%swap3A_703, %swap3A_704] {strides = array<i32>} : memref<128x128xf32, #tpu.memory_space<vmem>>, vector<16xf32>,
        tpu.vector_store %arg17[%swap3A_703, %swap3A_704], %mul3A_702 {strides = array<i32>} : memref<128x128xf32, #tpu.memory_space<vmem>>, vector<16xf32>,
        %get3A_706 = arith.index_cast %add3A_649 : i32 to index
        %get3A_707 = arith.constant 112 : index
        %get3A_708 = tpu.vector_load %arg17[%get3A_706, %get3A_707] {strides = array<i32>} : memref<128x128xf32, #tpu.memory_space<vmem>>, vector<16xf32>,
        %mul3A_709 = vector.broadcast %squeeze3A_645 : f32 to vector<16xf32>
        %mul3A_710 = arith.mulf %get3A_708, %mul3A_709 : vector<16xf32>
        %swap3A_711 = arith.index_cast %add3A_649 : i32 to index
        %swap3A_712 = arith.constant 112 : index
        %swap3A_713 = tpu.vector_load %arg17[%swap3A_711, %swap3A_712] {strides = array<i32>} : memref<128x128xf32, #tpu.memory_space<vmem>>, vector<16xf32>,
        tpu.vector_store %arg17[%swap3A_711, %swap3A_712], %mul3A_710 {strides = array<i32>} : memref<128x128xf32, #tpu.memory_space<vmem>>, vector<16xf32>,
        %slice3A_714 = vector.extract_strided_slice %get3A_85 {offsets = [9], sizes = [1], strides = [1]} : vector<16xf32> to vector<1xf32>
        %squeeze3A_715 = vector.extract %slice3A_714[0] : f32 from vector<1xf32>
        %mul3A_716 = arith.constant 16 : i32
        %mul3A_717 = arith.muli %scan3A_82, %mul3A_716 : i32
        %add3A_718 = arith.constant 9 : i32
        %add3A_719 = arith.addi %mul3A_717, %add3A_718 : i32
        %get3A_720 = arith.index_cast %add3A_719 : i32 to index
        %get3A_721 = arith.constant 0 : index
        %get3A_722 = tpu.vector_load %arg17[%get3A_720, %get3A_721] {strides = array<i32>} : memref<128x128xf32, #tpu.memory_space<vmem>>, vector<16xf32>,
        %mul3A_723 = vector.broadcast %squeeze3A_715 : f32 to vector<16xf32>
        %mul3A_724 = arith.mulf %get3A_722, %mul3A_723 : vector<16xf32>
        %swap3A_725 = arith.index_cast %add3A_719 : i32 to index
        %swap3A_726 = arith.constant 0 : index
        %swap3A_727 = tpu.vector_load %arg17[%swap3A_725, %swap3A_726] {strides = array<i32>} : memref<128x128xf32, #tpu.memory_space<vmem>>, vector<16xf32>,
        tpu.vector_store %arg17[%swap3A_725, %swap3A_726], %mul3A_724 {strides = array<i32>} : memref<128x128xf32, #tpu.memory_space<vmem>>, vector<16xf32>,
        %get3A_728 = arith.index_cast %add3A_719 : i32 to index
        %get3A_729 = arith.constant 16 : index
        %get3A_730 = tpu.vector_load %arg17[%get3A_728, %get3A_729] {strides = array<i32>} : memref<128x128xf32, #tpu.memory_space<vmem>>, vector<16xf32>,
        %mul3A_731 = vector.broadcast %squeeze3A_715 : f32 to vector<16xf32>
        %mul3A_732 = arith.mulf %get3A_730, %mul3A_731 : vector<16xf32>
        %swap3A_733 = arith.index_cast %add3A_719 : i32 to index
        %swap3A_734 = arith.constant 16 : index
        %swap3A_735 = tpu.vector_load %arg17[%swap3A_733, %swap3A_734] {strides = array<i32>} : memref<128x128xf32, #tpu.memory_space<vmem>>, vector<16xf32>,
        tpu.vector_store %arg17[%swap3A_733, %swap3A_734], %mul3A_732 {strides = array<i32>} : memref<128x128xf32, #tpu.memory_space<vmem>>, vector<16xf32>,
        %get3A_736 = arith.index_cast %add3A_719 : i32 to index
        %get3A_737 = arith.constant 32 : index
        %get3A_738 = tpu.vector_load %arg17[%get3A_736, %get3A_737] {strides = array<i32>} : memref<128x128xf32, #tpu.memory_space<vmem>>, vector<16xf32>,
        %mul3A_739 = vector.broadcast %squeeze3A_715 : f32 to vector<16xf32>
        %mul3A_740 = arith.mulf %get3A_738, %mul3A_739 : vector<16xf32>
        %swap3A_741 = arith.index_cast %add3A_719 : i32 to index
        %swap3A_742 = arith.constant 32 : index
        %swap3A_743 = tpu.vector_load %arg17[%swap3A_741, %swap3A_742] {strides = array<i32>} : memref<128x128xf32, #tpu.memory_space<vmem>>, vector<16xf32>,
        tpu.vector_store %arg17[%swap3A_741, %swap3A_742], %mul3A_740 {strides = array<i32>} : memref<128x128xf32, #tpu.memory_space<vmem>>, vector<16xf32>,
        %get3A_744 = arith.index_cast %add3A_719 : i32 to index
        %get3A_745 = arith.constant 48 : index
        %get3A_746 = tpu.vector_load %arg17[%get3A_744, %get3A_745] {strides = array<i32>} : memref<128x128xf32, #tpu.memory_space<vmem>>, vector<16xf32>,
        %mul3A_747 = vector.broadcast %squeeze3A_715 : f32 to vector<16xf32>
        %mul3A_748 = arith.mulf %get3A_746, %mul3A_747 : vector<16xf32>
        %swap3A_749 = arith.index_cast %add3A_719 : i32 to index
        %swap3A_750 = arith.constant 48 : index
        %swap3A_751 = tpu.vector_load %arg17[%swap3A_749, %swap3A_750] {strides = array<i32>} : memref<128x128xf32, #tpu.memory_space<vmem>>, vector<16xf32>,
        tpu.vector_store %arg17[%swap3A_749, %swap3A_750], %mul3A_748 {strides = array<i32>} : memref<128x128xf32, #tpu.memory_space<vmem>>, vector<16xf32>,
        %get3A_752 = arith.index_cast %add3A_719 : i32 to index
        %get3A_753 = arith.constant 64 : index
        %get3A_754 = tpu.vector_load %arg17[%get3A_752, %get3A_753] {strides = array<i32>} : memref<128x128xf32, #tpu.memory_space<vmem>>, vector<16xf32>,
        %mul3A_755 = vector.broadcast %squeeze3A_715 : f32 to vector<16xf32>
        %mul3A_756 = arith.mulf %get3A_754, %mul3A_755 : vector<16xf32>
        %swap3A_757 = arith.index_cast %add3A_719 : i32 to index
        %swap3A_758 = arith.constant 64 : index
        %swap3A_759 = tpu.vector_load %arg17[%swap3A_757, %swap3A_758] {strides = array<i32>} : memref<128x128xf32, #tpu.memory_space<vmem>>, vector<16xf32>,
        tpu.vector_store %arg17[%swap3A_757, %swap3A_758], %mul3A_756 {strides = array<i32>} : memref<128x128xf32, #tpu.memory_space<vmem>>, vector<16xf32>,
        %get3A_760 = arith.index_cast %add3A_719 : i32 to index
        %get3A_761 = arith.constant 80 : index
        %get3A_762 = tpu.vector_load %arg17[%get3A_760, %get3A_761] {strides = array<i32>} : memref<128x128xf32, #tpu.memory_space<vmem>>, vector<16xf32>,
        %mul3A_763 = vector.broadcast %squeeze3A_715 : f32 to vector<16xf32>
        %mul3A_764 = arith.mulf %get3A_762, %mul3A_763 : vector<16xf32>
        %swap3A_765 = arith.index_cast %add3A_719 : i32 to index
        %swap3A_766 = arith.constant 80 : index
        %swap3A_767 = tpu.vector_load %arg17[%swap3A_765, %swap3A_766] {strides = array<i32>} : memref<128x128xf32, #tpu.memory_space<vmem>>, vector<16xf32>,
        tpu.vector_store %arg17[%swap3A_765, %swap3A_766], %mul3A_764 {strides = array<i32>} : memref<128x128xf32, #tpu.memory_space<vmem>>, vector<16xf32>,
        %get3A_768 = arith.index_cast %add3A_719 : i32 to index
        %get3A_769 = arith.constant 96 : index
        %get3A_770 = tpu.vector_load %arg17[%get3A_768, %get3A_769] {strides = array<i32>} : memref<128x128xf32, #tpu.memory_space<vmem>>, vector<16xf32>,
        %mul3A_771 = vector.broadcast %squeeze3A_715 : f32 to vector<16xf32>
        %mul3A_772 = arith.mulf %get3A_770, %mul3A_771 : vector<16xf32>
        %swap3A_773 = arith.index_cast %add3A_719 : i32 to index
        %swap3A_774 = arith.constant 96 : index
        %swap3A_775 = tpu.vector_load %arg17[%swap3A_773, %swap3A_774] {strides = array<i32>} : memref<128x128xf32, #tpu.memory_space<vmem>>, vector<16xf32>,
        tpu.vector_store %arg17[%swap3A_773, %swap3A_774], %mul3A_772 {strides = array<i32>} : memref<128x128xf32, #tpu.memory_space<vmem>>, vector<16xf32>,
        %get3A_776 = arith.index_cast %add3A_719 : i32 to index
        %get3A_777 = arith.constant 112 : index
        %get3A_778 = tpu.vector_load %arg17[%get3A_776, %get3A_777] {strides = array<i32>} : memref<128x128xf32, #tpu.memory_space<vmem>>, vector<16xf32>,
        %mul3A_779 = vector.broadcast %squeeze3A_715 : f32 to vector<16xf32>
        %mul3A_780 = arith.mulf %get3A_778, %mul3A_779 : vector<16xf32>
        %swap3A_781 = arith.index_cast %add3A_719 : i32 to index
        %swap3A_782 = arith.constant 112 : index
        %swap3A_783 = tpu.vector_load %arg17[%swap3A_781, %swap3A_782] {strides = array<i32>} : memref<128x128xf32, #tpu.memory_space<vmem>>, vector<16xf32>,
        tpu.vector_store %arg17[%swap3A_781, %swap3A_782], %mul3A_780 {strides = array<i32>} : memref<128x128xf32, #tpu.memory_space<vmem>>, vector<16xf32>,
        %slice3A_784 = vector.extract_strided_slice %get3A_85 {offsets = [10], sizes = [1], strides = [1]} : vector<16xf32> to vector<1xf32>
        %squeeze3A_785 = vector.extract %slice3A_784[0] : f32 from vector<1xf32>
        %mul3A_786 = arith.constant 16 : i32
        %mul3A_787 = arith.muli %scan3A_82, %mul3A_786 : i32
        %add3A_788 = arith.constant 10 : i32
        %add3A_789 = arith.addi %mul3A_787, %add3A_788 : i32
        %get3A_790 = arith.index_cast %add3A_789 : i32 to index
        %get3A_791 = arith.constant 0 : index
        %get3A_792 = tpu.vector_load %arg17[%get3A_790, %get3A_791] {strides = array<i32>} : memref<128x128xf32, #tpu.memory_space<vmem>>, vector<16xf32>,
        %mul3A_793 = vector.broadcast %squeeze3A_785 : f32 to vector<16xf32>
        %mul3A_794 = arith.mulf %get3A_792, %mul3A_793 : vector<16xf32>
        %swap3A_795 = arith.index_cast %add3A_789 : i32 to index
        %swap3A_796 = arith.constant 0 : index
        %swap3A_797 = tpu.vector_load %arg17[%swap3A_795, %swap3A_796] {strides = array<i32>} : memref<128x128xf32, #tpu.memory_space<vmem>>, vector<16xf32>,
        tpu.vector_store %arg17[%swap3A_795, %swap3A_796], %mul3A_794 {strides = array<i32>} : memref<128x128xf32, #tpu.memory_space<vmem>>, vector<16xf32>,
        %get3A_798 = arith.index_cast %add3A_789 : i32 to index
        %get3A_799 = arith.constant 16 : index
        %get3A_800 = tpu.vector_load %arg17[%get3A_798, %get3A_799] {strides = array<i32>} : memref<128x128xf32, #tpu.memory_space<vmem>>, vector<16xf32>,
        %mul3A_801 = vector.broadcast %squeeze3A_785 : f32 to vector<16xf32>
        %mul3A_802 = arith.mulf %get3A_800, %mul3A_801 : vector<16xf32>
        %swap3A_803 = arith.index_cast %add3A_789 : i32 to index
        %swap3A_804 = arith.constant 16 : index
        %swap3A_805 = tpu.vector_load %arg17[%swap3A_803, %swap3A_804] {strides = array<i32>} : memref<128x128xf32, #tpu.memory_space<vmem>>, vector<16xf32>,
        tpu.vector_store %arg17[%swap3A_803, %swap3A_804], %mul3A_802 {strides = array<i32>} : memref<128x128xf32, #tpu.memory_space<vmem>>, vector<16xf32>,
        %get3A_806 = arith.index_cast %add3A_789 : i32 to index
        %get3A_807 = arith.constant 32 : index
        %get3A_808 = tpu.vector_load %arg17[%get3A_806, %get3A_807] {strides = array<i32>} : memref<128x128xf32, #tpu.memory_space<vmem>>, vector<16xf32>,
        %mul3A_809 = vector.broadcast %squeeze3A_785 : f32 to vector<16xf32>
        %mul3A_810 = arith.mulf %get3A_808, %mul3A_809 : vector<16xf32>
        %swap3A_811 = arith.index_cast %add3A_789 : i32 to index
        %swap3A_812 = arith.constant 32 : index
        %swap3A_813 = tpu.vector_load %arg17[%swap3A_811, %swap3A_812] {strides = array<i32>} : memref<128x128xf32, #tpu.memory_space<vmem>>, vector<16xf32>,
        tpu.vector_store %arg17[%swap3A_811, %swap3A_812], %mul3A_810 {strides = array<i32>} : memref<128x128xf32, #tpu.memory_space<vmem>>, vector<16xf32>,
        %get3A_814 = arith.index_cast %add3A_789 : i32 to index
        %get3A_815 = arith.constant 48 : index
        %get3A_816 = tpu.vector_load %arg17[%get3A_814, %get3A_815] {strides = array<i32>} : memref<128x128xf32, #tpu.memory_space<vmem>>, vector<16xf32>,
        %mul3A_817 = vector.broadcast %squeeze3A_785 : f32 to vector<16xf32>
        %mul3A_818 = arith.mulf %get3A_816, %mul3A_817 : vector<16xf32>
        %swap3A_819 = arith.index_cast %add3A_789 : i32 to index
        %swap3A_820 = arith.constant 48 : index
        %swap3A_821 = tpu.vector_load %arg17[%swap3A_819, %swap3A_820] {strides = array<i32>} : memref<128x128xf32, #tpu.memory_space<vmem>>, vector<16xf32>,
        tpu.vector_store %arg17[%swap3A_819, %swap3A_820], %mul3A_818 {strides = array<i32>} : memref<128x128xf32, #tpu.memory_space<vmem>>, vector<16xf32>,
        %get3A_822 = arith.index_cast %add3A_789 : i32 to index
        %get3A_823 = arith.constant 64 : index
        %get3A_824 = tpu.vector_load %arg17[%get3A_822, %get3A_823] {strides = array<i32>} : memref<128x128xf32, #tpu.memory_space<vmem>>, vector<16xf32>,
        %mul3A_825 = vector.broadcast %squeeze3A_785 : f32 to vector<16xf32>
        %mul3A_826 = arith.mulf %get3A_824, %mul3A_825 : vector<16xf32>
        %swap3A_827 = arith.index_cast %add3A_789 : i32 to index
        %swap3A_828 = arith.constant 64 : index
        %swap3A_829 = tpu.vector_load %arg17[%swap3A_827, %swap3A_828] {strides = array<i32>} : memref<128x128xf32, #tpu.memory_space<vmem>>, vector<16xf32>,
        tpu.vector_store %arg17[%swap3A_827, %swap3A_828], %mul3A_826 {strides = array<i32>} : memref<128x128xf32, #tpu.memory_space<vmem>>, vector<16xf32>,
        %get3A_830 = arith.index_cast %add3A_789 : i32 to index
        %get3A_831 = arith.constant 80 : index
        %get3A_832 = tpu.vector_load %arg17[%get3A_830, %get3A_831] {strides = array<i32>} : memref<128x128xf32, #tpu.memory_space<vmem>>, vector<16xf32>,
        %mul3A_833 = vector.broadcast %squeeze3A_785 : f32 to vector<16xf32>
        %mul3A_834 = arith.mulf %get3A_832, %mul3A_833 : vector<16xf32>
        %swap3A_835 = arith.index_cast %add3A_789 : i32 to index
        %swap3A_836 = arith.constant 80 : index
        %swap3A_837 = tpu.vector_load %arg17[%swap3A_835, %swap3A_836] {strides = array<i32>} : memref<128x128xf32, #tpu.memory_space<vmem>>, vector<16xf32>,
        tpu.vector_store %arg17[%swap3A_835, %swap3A_836], %mul3A_834 {strides = array<i32>} : memref<128x128xf32, #tpu.memory_space<vmem>>, vector<16xf32>,
        %get3A_838 = arith.index_cast %add3A_789 : i32 to index
        %get3A_839 = arith.constant 96 : index
        %get3A_840 = tpu.vector_load %arg17[%get3A_838, %get3A_839] {strides = array<i32>} : memref<128x128xf32, #tpu.memory_space<vmem>>, vector<16xf32>,
        %mul3A_841 = vector.broadcast %squeeze3A_785 : f32 to vector<16xf32>
        %mul3A_842 = arith.mulf %get3A_840, %mul3A_841 : vector<16xf32>
        %swap3A_843 = arith.index_cast %add3A_789 : i32 to index
        %swap3A_844 = arith.constant 96 : index
        %swap3A_845 = tpu.vector_load %arg17[%swap3A_843, %swap3A_844] {strides = array<i32>} : memref<128x128xf32, #tpu.memory_space<vmem>>, vector<16xf32>,
        tpu.vector_store %arg17[%swap3A_843, %swap3A_844], %mul3A_842 {strides = array<i32>} : memref<128x128xf32, #tpu.memory_space<vmem>>, vector<16xf32>,
        %get3A_846 = arith.index_cast %add3A_789 : i32 to index
        %get3A_847 = arith.constant 112 : index
        %get3A_848 = tpu.vector_load %arg17[%get3A_846, %get3A_847] {strides = array<i32>} : memref<128x128xf32, #tpu.memory_space<vmem>>, vector<16xf32>,
        %mul3A_849 = vector.broadcast %squeeze3A_785 : f32 to vector<16xf32>
        %mul3A_850 = arith.mulf %get3A_848, %mul3A_849 : vector<16xf32>
        %swap3A_851 = arith.index_cast %add3A_789 : i32 to index
        %swap3A_852 = arith.constant 112 : index
        %swap3A_853 = tpu.vector_load %arg17[%swap3A_851, %swap3A_852] {strides = array<i32>} : memref<128x128xf32, #tpu.memory_space<vmem>>, vector<16xf32>,
        tpu.vector_store %arg17[%swap3A_851, %swap3A_852], %mul3A_850 {strides = array<i32>} : memref<128x128xf32, #tpu.memory_space<vmem>>, vector<16xf32>,
        %slice3A_854 = vector.extract_strided_slice %get3A_85 {offsets = [11], sizes = [1], strides = [1]} : vector<16xf32> to vector<1xf32>
        %squeeze3A_855 = vector.extract %slice3A_854[0] : f32 from vector<1xf32>
        %mul3A_856 = arith.constant 16 : i32
        %mul3A_857 = arith.muli %scan3A_82, %mul3A_856 : i32
        %add3A_858 = arith.constant 11 : i32
        %add3A_859 = arith.addi %mul3A_857, %add3A_858 : i32
        %get3A_860 = arith.index_cast %add3A_859 : i32 to index
        %get3A_861 = arith.constant 0 : index
        %get3A_862 = tpu.vector_load %arg17[%get3A_860, %get3A_861] {strides = array<i32>} : memref<128x128xf32, #tpu.memory_space<vmem>>, vector<16xf32>,
        %mul3A_863 = vector.broadcast %squeeze3A_855 : f32 to vector<16xf32>
        %mul3A_864 = arith.mulf %get3A_862, %mul3A_863 : vector<16xf32>
        %swap3A_865 = arith.index_cast %add3A_859 : i32 to index
        %swap3A_866 = arith.constant 0 : index
        %swap3A_867 = tpu.vector_load %arg17[%swap3A_865, %swap3A_866] {strides = array<i32>} : memref<128x128xf32, #tpu.memory_space<vmem>>, vector<16xf32>,
        tpu.vector_store %arg17[%swap3A_865, %swap3A_866], %mul3A_864 {strides = array<i32>} : memref<128x128xf32, #tpu.memory_space<vmem>>, vector<16xf32>,
        %get3A_868 = arith.index_cast %add3A_859 : i32 to index
        %get3A_869 = arith.constant 16 : index
        %get3A_870 = tpu.vector_load %arg17[%get3A_868, %get3A_869] {strides = array<i32>} : memref<128x128xf32, #tpu.memory_space<vmem>>, vector<16xf32>,
        %mul3A_871 = vector.broadcast %squeeze3A_855 : f32 to vector<16xf32>
        %mul3A_872 = arith.mulf %get3A_870, %mul3A_871 : vector<16xf32>
        %swap3A_873 = arith.index_cast %add3A_859 : i32 to index
        %swap3A_874 = arith.constant 16 : index
        %swap3A_875 = tpu.vector_load %arg17[%swap3A_873, %swap3A_874] {strides = array<i32>} : memref<128x128xf32, #tpu.memory_space<vmem>>, vector<16xf32>,
        tpu.vector_store %arg17[%swap3A_873, %swap3A_874], %mul3A_872 {strides = array<i32>} : memref<128x128xf32, #tpu.memory_space<vmem>>, vector<16xf32>,
        %get3A_876 = arith.index_cast %add3A_859 : i32 to index
        %get3A_877 = arith.constant 32 : index
        %get3A_878 = tpu.vector_load %arg17[%get3A_876, %get3A_877] {strides = array<i32>} : memref<128x128xf32, #tpu.memory_space<vmem>>, vector<16xf32>,
        %mul3A_879 = vector.broadcast %squeeze3A_855 : f32 to vector<16xf32>
        %mul3A_880 = arith.mulf %get3A_878, %mul3A_879 : vector<16xf32>
        %swap3A_881 = arith.index_cast %add3A_859 : i32 to index
        %swap3A_882 = arith.constant 32 : index
        %swap3A_883 = tpu.vector_load %arg17[%swap3A_881, %swap3A_882] {strides = array<i32>} : memref<128x128xf32, #tpu.memory_space<vmem>>, vector<16xf32>,
        tpu.vector_store %arg17[%swap3A_881, %swap3A_882], %mul3A_880 {strides = array<i32>} : memref<128x128xf32, #tpu.memory_space<vmem>>, vector<16xf32>,
        %get3A_884 = arith.index_cast %add3A_859 : i32 to index
        %get3A_885 = arith.constant 48 : index
        %get3A_886 = tpu.vector_load %arg17[%get3A_884, %get3A_885] {strides = array<i32>} : memref<128x128xf32, #tpu.memory_space<vmem>>, vector<16xf32>,
        %mul3A_887 = vector.broadcast %squeeze3A_855 : f32 to vector<16xf32>
        %mul3A_888 = arith.mulf %get3A_886, %mul3A_887 : vector<16xf32>
        %swap3A_889 = arith.index_cast %add3A_859 : i32 to index
        %swap3A_890 = arith.constant 48 : index
        %swap3A_891 = tpu.vector_load %arg17[%swap3A_889, %swap3A_890] {strides = array<i32>} : memref<128x128xf32, #tpu.memory_space<vmem>>, vector<16xf32>,
        tpu.vector_store %arg17[%swap3A_889, %swap3A_890], %mul3A_888 {strides = array<i32>} : memref<128x128xf32, #tpu.memory_space<vmem>>, vector<16xf32>,
        %get3A_892 = arith.index_cast %add3A_859 : i32 to index
        %get3A_893 = arith.constant 64 : index
        %get3A_894 = tpu.vector_load %arg17[%get3A_892, %get3A_893] {strides = array<i32>} : memref<128x128xf32, #tpu.memory_space<vmem>>, vector<16xf32>,
        %mul3A_895 = vector.broadcast %squeeze3A_855 : f32 to vector<16xf32>
        %mul3A_896 = arith.mulf %get3A_894, %mul3A_895 : vector<16xf32>
        %swap3A_897 = arith.index_cast %add3A_859 : i32 to index
        %swap3A_898 = arith.constant 64 : index
        %swap3A_899 = tpu.vector_load %arg17[%swap3A_897, %swap3A_898] {strides = array<i32>} : memref<128x128xf32, #tpu.memory_space<vmem>>, vector<16xf32>,
        tpu.vector_store %arg17[%swap3A_897, %swap3A_898], %mul3A_896 {strides = array<i32>} : memref<128x128xf32, #tpu.memory_space<vmem>>, vector<16xf32>,
        %get3A_900 = arith.index_cast %add3A_859 : i32 to index
        %get3A_901 = arith.constant 80 : index
        %get3A_902 = tpu.vector_load %arg17[%get3A_900, %get3A_901] {strides = array<i32>} : memref<128x128xf32, #tpu.memory_space<vmem>>, vector<16xf32>,
        %mul3A_903 = vector.broadcast %squeeze3A_855 : f32 to vector<16xf32>
        %mul3A_904 = arith.mulf %get3A_902, %mul3A_903 : vector<16xf32>
        %swap3A_905 = arith.index_cast %add3A_859 : i32 to index
        %swap3A_906 = arith.constant 80 : index
        %swap3A_907 = tpu.vector_load %arg17[%swap3A_905, %swap3A_906] {strides = array<i32>} : memref<128x128xf32, #tpu.memory_space<vmem>>, vector<16xf32>,
        tpu.vector_store %arg17[%swap3A_905, %swap3A_906], %mul3A_904 {strides = array<i32>} : memref<128x128xf32, #tpu.memory_space<vmem>>, vector<16xf32>,
        %get3A_908 = arith.index_cast %add3A_859 : i32 to index
        %get3A_909 = arith.constant 96 : index
        %get3A_910 = tpu.vector_load %arg17[%get3A_908, %get3A_909] {strides = array<i32>} : memref<128x128xf32, #tpu.memory_space<vmem>>, vector<16xf32>,
        %mul3A_911 = vector.broadcast %squeeze3A_855 : f32 to vector<16xf32>
        %mul3A_912 = arith.mulf %get3A_910, %mul3A_911 : vector<16xf32>
        %swap3A_913 = arith.index_cast %add3A_859 : i32 to index
        %swap3A_914 = arith.constant 96 : index
        %swap3A_915 = tpu.vector_load %arg17[%swap3A_913, %swap3A_914] {strides = array<i32>} : memref<128x128xf32, #tpu.memory_space<vmem>>, vector<16xf32>,
        tpu.vector_store %arg17[%swap3A_913, %swap3A_914], %mul3A_912 {strides = array<i32>} : memref<128x128xf32, #tpu.memory_space<vmem>>, vector<16xf32>,
        %get3A_916 = arith.index_cast %add3A_859 : i32 to index
        %get3A_917 = arith.constant 112 : index
        %get3A_918 = tpu.vector_load %arg17[%get3A_916, %get3A_917] {strides = array<i32>} : memref<128x128xf32, #tpu.memory_space<vmem>>, vector<16xf32>,
        %mul3A_919 = vector.broadcast %squeeze3A_855 : f32 to vector<16xf32>
        %mul3A_920 = arith.mulf %get3A_918, %mul3A_919 : vector<16xf32>
        %swap3A_921 = arith.index_cast %add3A_859 : i32 to index
        %swap3A_922 = arith.constant 112 : index
        %swap3A_923 = tpu.vector_load %arg17[%swap3A_921, %swap3A_922] {strides = array<i32>} : memref<128x128xf32, #tpu.memory_space<vmem>>, vector<16xf32>,
        tpu.vector_store %arg17[%swap3A_921, %swap3A_922], %mul3A_920 {strides = array<i32>} : memref<128x128xf32, #tpu.memory_space<vmem>>, vector<16xf32>,
        %slice3A_924 = vector.extract_strided_slice %get3A_85 {offsets = [12], sizes = [1], strides = [1]} : vector<16xf32> to vector<1xf32>
        %squeeze3A_925 = vector.extract %slice3A_924[0] : f32 from vector<1xf32>
        %mul3A_926 = arith.constant 16 : i32
        %mul3A_927 = arith.muli %scan3A_82, %mul3A_926 : i32
        %add3A_928 = arith.constant 12 : i32
        %add3A_929 = arith.addi %mul3A_927, %add3A_928 : i32
        %get3A_930 = arith.index_cast %add3A_929 : i32 to index
        %get3A_931 = arith.constant 0 : index
        %get3A_932 = tpu.vector_load %arg17[%get3A_930, %get3A_931] {strides = array<i32>} : memref<128x128xf32, #tpu.memory_space<vmem>>, vector<16xf32>,
        %mul3A_933 = vector.broadcast %squeeze3A_925 : f32 to vector<16xf32>
        %mul3A_934 = arith.mulf %get3A_932, %mul3A_933 : vector<16xf32>
        %swap3A_935 = arith.index_cast %add3A_929 : i32 to index
        %swap3A_936 = arith.constant 0 : index
        %swap3A_937 = tpu.vector_load %arg17[%swap3A_935, %swap3A_936] {strides = array<i32>} : memref<128x128xf32, #tpu.memory_space<vmem>>, vector<16xf32>,
        tpu.vector_store %arg17[%swap3A_935, %swap3A_936], %mul3A_934 {strides = array<i32>} : memref<128x128xf32, #tpu.memory_space<vmem>>, vector<16xf32>,
        %get3A_938 = arith.index_cast %add3A_929 : i32 to index
        %get3A_939 = arith.constant 16 : index
        %get3A_940 = tpu.vector_load %arg17[%get3A_938, %get3A_939] {strides = array<i32>} : memref<128x128xf32, #tpu.memory_space<vmem>>, vector<16xf32>,
        %mul3A_941 = vector.broadcast %squeeze3A_925 : f32 to vector<16xf32>
        %mul3A_942 = arith.mulf %get3A_940, %mul3A_941 : vector<16xf32>
        %swap3A_943 = arith.index_cast %add3A_929 : i32 to index
        %swap3A_944 = arith.constant 16 : index
        %swap3A_945 = tpu.vector_load %arg17[%swap3A_943, %swap3A_944] {strides = array<i32>} : memref<128x128xf32, #tpu.memory_space<vmem>>, vector<16xf32>,
        tpu.vector_store %arg17[%swap3A_943, %swap3A_944], %mul3A_942 {strides = array<i32>} : memref<128x128xf32, #tpu.memory_space<vmem>>, vector<16xf32>,
        %get3A_946 = arith.index_cast %add3A_929 : i32 to index
        %get3A_947 = arith.constant 32 : index
        %get3A_948 = tpu.vector_load %arg17[%get3A_946, %get3A_947] {strides = array<i32>} : memref<128x128xf32, #tpu.memory_space<vmem>>, vector<16xf32>,
        %mul3A_949 = vector.broadcast %squeeze3A_925 : f32 to vector<16xf32>
        %mul3A_950 = arith.mulf %get3A_948, %mul3A_949 : vector<16xf32>
        %swap3A_951 = arith.index_cast %add3A_929 : i32 to index
        %swap3A_952 = arith.constant 32 : index
        %swap3A_953 = tpu.vector_load %arg17[%swap3A_951, %swap3A_952] {strides = array<i32>} : memref<128x128xf32, #tpu.memory_space<vmem>>, vector<16xf32>,
        tpu.vector_store %arg17[%swap3A_951, %swap3A_952], %mul3A_950 {strides = array<i32>} : memref<128x128xf32, #tpu.memory_space<vmem>>, vector<16xf32>,
        %get3A_954 = arith.index_cast %add3A_929 : i32 to index
        %get3A_955 = arith.constant 48 : index
        %get3A_956 = tpu.vector_load %arg17[%get3A_954, %get3A_955] {strides = array<i32>} : memref<128x128xf32, #tpu.memory_space<vmem>>, vector<16xf32>,
        %mul3A_957 = vector.broadcast %squeeze3A_925 : f32 to vector<16xf32>
        %mul3A_958 = arith.mulf %get3A_956, %mul3A_957 : vector<16xf32>
        %swap3A_959 = arith.index_cast %add3A_929 : i32 to index
        %swap3A_960 = arith.constant 48 : index
        %swap3A_961 = tpu.vector_load %arg17[%swap3A_959, %swap3A_960] {strides = array<i32>} : memref<128x128xf32, #tpu.memory_space<vmem>>, vector<16xf32>,
        tpu.vector_store %arg17[%swap3A_959, %swap3A_960], %mul3A_958 {strides = array<i32>} : memref<128x128xf32, #tpu.memory_space<vmem>>, vector<16xf32>,
        %get3A_962 = arith.index_cast %add3A_929 : i32 to index
        %get3A_963 = arith.constant 64 : index
        %get3A_964 = tpu.vector_load %arg17[%get3A_962, %get3A_963] {strides = array<i32>} : memref<128x128xf32, #tpu.memory_space<vmem>>, vector<16xf32>,
        %mul3A_965 = vector.broadcast %squeeze3A_925 : f32 to vector<16xf32>
        %mul3A_966 = arith.mulf %get3A_964, %mul3A_965 : vector<16xf32>
        %swap3A_967 = arith.index_cast %add3A_929 : i32 to index
        %swap3A_968 = arith.constant 64 : index
        %swap3A_969 = tpu.vector_load %arg17[%swap3A_967, %swap3A_968] {strides = array<i32>} : memref<128x128xf32, #tpu.memory_space<vmem>>, vector<16xf32>,
        tpu.vector_store %arg17[%swap3A_967, %swap3A_968], %mul3A_966 {strides = array<i32>} : memref<128x128xf32, #tpu.memory_space<vmem>>, vector<16xf32>,
        %get3A_970 = arith.index_cast %add3A_929 : i32 to index
        %get3A_971 = arith.constant 80 : index
        %get3A_972 = tpu.vector_load %arg17[%get3A_970, %get3A_971] {strides = array<i32>} : memref<128x128xf32, #tpu.memory_space<vmem>>, vector<16xf32>,
        %mul3A_973 = vector.broadcast %squeeze3A_925 : f32 to vector<16xf32>
        %mul3A_974 = arith.mulf %get3A_972, %mul3A_973 : vector<16xf32>
        %swap3A_975 = arith.index_cast %add3A_929 : i32 to index
        %swap3A_976 = arith.constant 80 : index
        %swap3A_977 = tpu.vector_load %arg17[%swap3A_975, %swap3A_976] {strides = array<i32>} : memref<128x128xf32, #tpu.memory_space<vmem>>, vector<16xf32>,
        tpu.vector_store %arg17[%swap3A_975, %swap3A_976], %mul3A_974 {strides = array<i32>} : memref<128x128xf32, #tpu.memory_space<vmem>>, vector<16xf32>,
        %get3A_978 = arith.index_cast %add3A_929 : i32 to index
        %get3A_979 = arith.constant 96 : index
        %get3A_980 = tpu.vector_load %arg17[%get3A_978, %get3A_979] {strides = array<i32>} : memref<128x128xf32, #tpu.memory_space<vmem>>, vector<16xf32>,
        %mul3A_981 = vector.broadcast %squeeze3A_925 : f32 to vector<16xf32>
        %mul3A_982 = arith.mulf %get3A_980, %mul3A_981 : vector<16xf32>
        %swap3A_983 = arith.index_cast %add3A_929 : i32 to index
        %swap3A_984 = arith.constant 96 : index
        %swap3A_985 = tpu.vector_load %arg17[%swap3A_983, %swap3A_984] {strides = array<i32>} : memref<128x128xf32, #tpu.memory_space<vmem>>, vector<16xf32>,
        tpu.vector_store %arg17[%swap3A_983, %swap3A_984], %mul3A_982 {strides = array<i32>} : memref<128x128xf32, #tpu.memory_space<vmem>>, vector<16xf32>,
        %get3A_986 = arith.index_cast %add3A_929 : i32 to index
        %get3A_987 = arith.constant 112 : index
        %get3A_988 = tpu.vector_load %arg17[%get3A_986, %get3A_987] {strides = array<i32>} : memref<128x128xf32, #tpu.memory_space<vmem>>, vector<16xf32>,
        %mul3A_989 = vector.broadcast %squeeze3A_925 : f32 to vector<16xf32>
        %mul3A_990 = arith.mulf %get3A_988, %mul3A_989 : vector<16xf32>
        %swap3A_991 = arith.index_cast %add3A_929 : i32 to index
        %swap3A_992 = arith.constant 112 : index
        %swap3A_993 = tpu.vector_load %arg17[%swap3A_991, %swap3A_992] {strides = array<i32>} : memref<128x128xf32, #tpu.memory_space<vmem>>, vector<16xf32>,
        tpu.vector_store %arg17[%swap3A_991, %swap3A_992], %mul3A_990 {strides = array<i32>} : memref<128x128xf32, #tpu.memory_space<vmem>>, vector<16xf32>,
        %slice3A_994 = vector.extract_strided_slice %get3A_85 {offsets = [13], sizes = [1], strides = [1]} : vector<16xf32> to vector<1xf32>
        %squeeze3A_995 = vector.extract %slice3A_994[0] : f32 from vector<1xf32>
        %mul3A_996 = arith.constant 16 : i32
        %mul3A_997 = arith.muli %scan3A_82, %mul3A_996 : i32
        %add3A_998 = arith.constant 13 : i32
        %add3A_999 = arith.addi %mul3A_997, %add3A_998 : i32
        %get3A_1000 = arith.index_cast %add3A_999 : i32 to index
        %get3A_1001 = arith.constant 0 : index
        %get3A_1002 = tpu.vector_load %arg17[%get3A_1000, %get3A_1001] {strides = array<i32>} : memref<128x128xf32, #tpu.memory_space<vmem>>, vector<16xf32>,
        %mul3A_1003 = vector.broadcast %squeeze3A_995 : f32 to vector<16xf32>
        %mul3A_1004 = arith.mulf %get3A_1002, %mul3A_1003 : vector<16xf32>
        %swap3A_1005 = arith.index_cast %add3A_999 : i32 to index
        %swap3A_1006 = arith.constant 0 : index
        %swap3A_1007 = tpu.vector_load %arg17[%swap3A_1005, %swap3A_1006] {strides = array<i32>} : memref<128x128xf32, #tpu.memory_space<vmem>>, vector<16xf32>,
        tpu.vector_store %arg17[%swap3A_1005, %swap3A_1006], %mul3A_1004 {strides = array<i32>} : memref<128x128xf32, #tpu.memory_space<vmem>>, vector<16xf32>,
        %get3A_1008 = arith.index_cast %add3A_999 : i32 to index
        %get3A_1009 = arith.constant 16 : index
        %get3A_1010 = tpu.vector_load %arg17[%get3A_1008, %get3A_1009] {strides = array<i32>} : memref<128x128xf32, #tpu.memory_space<vmem>>, vector<16xf32>,
        %mul3A_1011 = vector.broadcast %squeeze3A_995 : f32 to vector<16xf32>
        %mul3A_1012 = arith.mulf %get3A_1010, %mul3A_1011 : vector<16xf32>
        %swap3A_1013 = arith.index_cast %add3A_999 : i32 to index
        %swap3A_1014 = arith.constant 16 : index
        %swap3A_1015 = tpu.vector_load %arg17[%swap3A_1013, %swap3A_1014] {strides = array<i32>} : memref<128x128xf32, #tpu.memory_space<vmem>>, vector<16xf32>,
        tpu.vector_store %arg17[%swap3A_1013, %swap3A_1014], %mul3A_1012 {strides = array<i32>} : memref<128x128xf32, #tpu.memory_space<vmem>>, vector<16xf32>,
        %get3A_1016 = arith.index_cast %add3A_999 : i32 to index
        %get3A_1017 = arith.constant 32 : index
        %get3A_1018 = tpu.vector_load %arg17[%get3A_1016, %get3A_1017] {strides = array<i32>} : memref<128x128xf32, #tpu.memory_space<vmem>>, vector<16xf32>,
        %mul3A_1019 = vector.broadcast %squeeze3A_995 : f32 to vector<16xf32>
        %mul3A_1020 = arith.mulf %get3A_1018, %mul3A_1019 : vector<16xf32>
        %swap3A_1021 = arith.index_cast %add3A_999 : i32 to index
        %swap3A_1022 = arith.constant 32 : index
        %swap3A_1023 = tpu.vector_load %arg17[%swap3A_1021, %swap3A_1022] {strides = array<i32>} : memref<128x128xf32, #tpu.memory_space<vmem>>, vector<16xf32>,
        tpu.vector_store %arg17[%swap3A_1021, %swap3A_1022], %mul3A_1020 {strides = array<i32>} : memref<128x128xf32, #tpu.memory_space<vmem>>, vector<16xf32>,
        %get3A_1024 = arith.index_cast %add3A_999 : i32 to index
        %get3A_1025 = arith.constant 48 : index
        %get3A_1026 = tpu.vector_load %arg17[%get3A_1024, %get3A_1025] {strides = array<i32>} : memref<128x128xf32, #tpu.memory_space<vmem>>, vector<16xf32>,
        %mul3A_1027 = vector.broadcast %squeeze3A_995 : f32 to vector<16xf32>
        %mul3A_1028 = arith.mulf %get3A_1026, %mul3A_1027 : vector<16xf32>
        %swap3A_1029 = arith.index_cast %add3A_999 : i32 to index
        %swap3A_1030 = arith.constant 48 : index
        %swap3A_1031 = tpu.vector_load %arg17[%swap3A_1029, %swap3A_1030] {strides = array<i32>} : memref<128x128xf32, #tpu.memory_space<vmem>>, vector<16xf32>,
        tpu.vector_store %arg17[%swap3A_1029, %swap3A_1030], %mul3A_1028 {strides = array<i32>} : memref<128x128xf32, #tpu.memory_space<vmem>>, vector<16xf32>,
        %get3A_1032 = arith.index_cast %add3A_999 : i32 to index
        %get3A_1033 = arith.constant 64 : index
        %get3A_1034 = tpu.vector_load %arg17[%get3A_1032, %get3A_1033] {strides = array<i32>} : memref<128x128xf32, #tpu.memory_space<vmem>>, vector<16xf32>,
        %mul3A_1035 = vector.broadcast %squeeze3A_995 : f32 to vector<16xf32>
        %mul3A_1036 = arith.mulf %get3A_1034, %mul3A_1035 : vector<16xf32>
        %swap3A_1037 = arith.index_cast %add3A_999 : i32 to index
        %swap3A_1038 = arith.constant 64 : index
        %swap3A_1039 = tpu.vector_load %arg17[%swap3A_1037, %swap3A_1038] {strides = array<i32>} : memref<128x128xf32, #tpu.memory_space<vmem>>, vector<16xf32>,
        tpu.vector_store %arg17[%swap3A_1037, %swap3A_1038], %mul3A_1036 {strides = array<i32>} : memref<128x128xf32, #tpu.memory_space<vmem>>, vector<16xf32>,
        %get3A_1040 = arith.index_cast %add3A_999 : i32 to index
        %get3A_1041 = arith.constant 80 : index
        %get3A_1042 = tpu.vector_load %arg17[%get3A_1040, %get3A_1041] {strides = array<i32>} : memref<128x128xf32, #tpu.memory_space<vmem>>, vector<16xf32>,
        %mul3A_1043 = vector.broadcast %squeeze3A_995 : f32 to vector<16xf32>
        %mul3A_1044 = arith.mulf %get3A_1042, %mul3A_1043 : vector<16xf32>
        %swap3A_1045 = arith.index_cast %add3A_999 : i32 to index
        %swap3A_1046 = arith.constant 80 : index
        %swap3A_1047 = tpu.vector_load %arg17[%swap3A_1045, %swap3A_1046] {strides = array<i32>} : memref<128x128xf32, #tpu.memory_space<vmem>>, vector<16xf32>,
        tpu.vector_store %arg17[%swap3A_1045, %swap3A_1046], %mul3A_1044 {strides = array<i32>} : memref<128x128xf32, #tpu.memory_space<vmem>>, vector<16xf32>,
        %get3A_1048 = arith.index_cast %add3A_999 : i32 to index
        %get3A_1049 = arith.constant 96 : index
        %get3A_1050 = tpu.vector_load %arg17[%get3A_1048, %get3A_1049] {strides = array<i32>} : memref<128x128xf32, #tpu.memory_space<vmem>>, vector<16xf32>,
        %mul3A_1051 = vector.broadcast %squeeze3A_995 : f32 to vector<16xf32>
        %mul3A_1052 = arith.mulf %get3A_1050, %mul3A_1051 : vector<16xf32>
        %swap3A_1053 = arith.index_cast %add3A_999 : i32 to index
        %swap3A_1054 = arith.constant 96 : index
        %swap3A_1055 = tpu.vector_load %arg17[%swap3A_1053, %swap3A_1054] {strides = array<i32>} : memref<128x128xf32, #tpu.memory_space<vmem>>, vector<16xf32>,
        tpu.vector_store %arg17[%swap3A_1053, %swap3A_1054], %mul3A_1052 {strides = array<i32>} : memref<128x128xf32, #tpu.memory_space<vmem>>, vector<16xf32>,
        %get3A_1056 = arith.index_cast %add3A_999 : i32 to index
        %get3A_1057 = arith.constant 112 : index
        %get3A_1058 = tpu.vector_load %arg17[%get3A_1056, %get3A_1057] {strides = array<i32>} : memref<128x128xf32, #tpu.memory_space<vmem>>, vector<16xf32>,
        %mul3A_1059 = vector.broadcast %squeeze3A_995 : f32 to vector<16xf32>
        %mul3A_1060 = arith.mulf %get3A_1058, %mul3A_1059 : vector<16xf32>
        %swap3A_1061 = arith.index_cast %add3A_999 : i32 to index
        %swap3A_1062 = arith.constant 112 : index
        %swap3A_1063 = tpu.vector_load %arg17[%swap3A_1061, %swap3A_1062] {strides = array<i32>} : memref<128x128xf32, #tpu.memory_space<vmem>>, vector<16xf32>,
        tpu.vector_store %arg17[%swap3A_1061, %swap3A_1062], %mul3A_1060 {strides = array<i32>} : memref<128x128xf32, #tpu.memory_space<vmem>>, vector<16xf32>,
        %slice3A_1064 = vector.extract_strided_slice %get3A_85 {offsets = [14], sizes = [1], strides = [1]} : vector<16xf32> to vector<1xf32>
        %squeeze3A_1065 = vector.extract %slice3A_1064[0] : f32 from vector<1xf32>
        %mul3A_1066 = arith.constant 16 : i32
        %mul3A_1067 = arith.muli %scan3A_82, %mul3A_1066 : i32
        %add3A_1068 = arith.constant 14 : i32
        %add3A_1069 = arith.addi %mul3A_1067, %add3A_1068 : i32
        %get3A_1070 = arith.index_cast %add3A_1069 : i32 to index
        %get3A_1071 = arith.constant 0 : index
        %get3A_1072 = tpu.vector_load %arg17[%get3A_1070, %get3A_1071] {strides = array<i32>} : memref<128x128xf32, #tpu.memory_space<vmem>>, vector<16xf32>,
        %mul3A_1073 = vector.broadcast %squeeze3A_1065 : f32 to vector<16xf32>
        %mul3A_1074 = arith.mulf %get3A_1072, %mul3A_1073 : vector<16xf32>
        %swap3A_1075 = arith.index_cast %add3A_1069 : i32 to index
        %swap3A_1076 = arith.constant 0 : index
        %swap3A_1077 = tpu.vector_load %arg17[%swap3A_1075, %swap3A_1076] {strides = array<i32>} : memref<128x128xf32, #tpu.memory_space<vmem>>, vector<16xf32>,
        tpu.vector_store %arg17[%swap3A_1075, %swap3A_1076], %mul3A_1074 {strides = array<i32>} : memref<128x128xf32, #tpu.memory_space<vmem>>, vector<16xf32>,
        %get3A_1078 = arith.index_cast %add3A_1069 : i32 to index
        %get3A_1079 = arith.constant 16 : index
        %get3A_1080 = tpu.vector_load %arg17[%get3A_1078, %get3A_1079] {strides = array<i32>} : memref<128x128xf32, #tpu.memory_space<vmem>>, vector<16xf32>,
        %mul3A_1081 = vector.broadcast %squeeze3A_1065 : f32 to vector<16xf32>
        %mul3A_1082 = arith.mulf %get3A_1080, %mul3A_1081 : vector<16xf32>
        %swap3A_1083 = arith.index_cast %add3A_1069 : i32 to index
        %swap3A_1084 = arith.constant 16 : index
        %swap3A_1085 = tpu.vector_load %arg17[%swap3A_1083, %swap3A_1084] {strides = array<i32>} : memref<128x128xf32, #tpu.memory_space<vmem>>, vector<16xf32>,
        tpu.vector_store %arg17[%swap3A_1083, %swap3A_1084], %mul3A_1082 {strides = array<i32>} : memref<128x128xf32, #tpu.memory_space<vmem>>, vector<16xf32>,
        %get3A_1086 = arith.index_cast %add3A_1069 : i32 to index
        %get3A_1087 = arith.constant 32 : index
        %get3A_1088 = tpu.vector_load %arg17[%get3A_1086, %get3A_1087] {strides = array<i32>} : memref<128x128xf32, #tpu.memory_space<vmem>>, vector<16xf32>,
        %mul3A_1089 = vector.broadcast %squeeze3A_1065 : f32 to vector<16xf32>
        %mul3A_1090 = arith.mulf %get3A_1088, %mul3A_1089 : vector<16xf32>
        %swap3A_1091 = arith.index_cast %add3A_1069 : i32 to index
        %swap3A_1092 = arith.constant 32 : index
        %swap3A_1093 = tpu.vector_load %arg17[%swap3A_1091, %swap3A_1092] {strides = array<i32>} : memref<128x128xf32, #tpu.memory_space<vmem>>, vector<16xf32>,
        tpu.vector_store %arg17[%swap3A_1091, %swap3A_1092], %mul3A_1090 {strides = array<i32>} : memref<128x128xf32, #tpu.memory_space<vmem>>, vector<16xf32>,
        %get3A_1094 = arith.index_cast %add3A_1069 : i32 to index
        %get3A_1095 = arith.constant 48 : index
        %get3A_1096 = tpu.vector_load %arg17[%get3A_1094, %get3A_1095] {strides = array<i32>} : memref<128x128xf32, #tpu.memory_space<vmem>>, vector<16xf32>,
        %mul3A_1097 = vector.broadcast %squeeze3A_1065 : f32 to vector<16xf32>
        %mul3A_1098 = arith.mulf %get3A_1096, %mul3A_1097 : vector<16xf32>
        %swap3A_1099 = arith.index_cast %add3A_1069 : i32 to index
        %swap3A_1100 = arith.constant 48 : index
        %swap3A_1101 = tpu.vector_load %arg17[%swap3A_1099, %swap3A_1100] {strides = array<i32>} : memref<128x128xf32, #tpu.memory_space<vmem>>, vector<16xf32>,
        tpu.vector_store %arg17[%swap3A_1099, %swap3A_1100], %mul3A_1098 {strides = array<i32>} : memref<128x128xf32, #tpu.memory_space<vmem>>, vector<16xf32>,
        %get3A_1102 = arith.index_cast %add3A_1069 : i32 to index
        %get3A_1103 = arith.constant 64 : index
        %get3A_1104 = tpu.vector_load %arg17[%get3A_1102, %get3A_1103] {strides = array<i32>} : memref<128x128xf32, #tpu.memory_space<vmem>>, vector<16xf32>,
        %mul3A_1105 = vector.broadcast %squeeze3A_1065 : f32 to vector<16xf32>
        %mul3A_1106 = arith.mulf %get3A_1104, %mul3A_1105 : vector<16xf32>
        %swap3A_1107 = arith.index_cast %add3A_1069 : i32 to index
        %swap3A_1108 = arith.constant 64 : index
        %swap3A_1109 = tpu.vector_load %arg17[%swap3A_1107, %swap3A_1108] {strides = array<i32>} : memref<128x128xf32, #tpu.memory_space<vmem>>, vector<16xf32>,
        tpu.vector_store %arg17[%swap3A_1107, %swap3A_1108], %mul3A_1106 {strides = array<i32>} : memref<128x128xf32, #tpu.memory_space<vmem>>, vector<16xf32>,
        %get3A_1110 = arith.index_cast %add3A_1069 : i32 to index
        %get3A_1111 = arith.constant 80 : index
        %get3A_1112 = tpu.vector_load %arg17[%get3A_1110, %get3A_1111] {strides = array<i32>} : memref<128x128xf32, #tpu.memory_space<vmem>>, vector<16xf32>,
        %mul3A_1113 = vector.broadcast %squeeze3A_1065 : f32 to vector<16xf32>
        %mul3A_1114 = arith.mulf %get3A_1112, %mul3A_1113 : vector<16xf32>
        %swap3A_1115 = arith.index_cast %add3A_1069 : i32 to index
        %swap3A_1116 = arith.constant 80 : index
        %swap3A_1117 = tpu.vector_load %arg17[%swap3A_1115, %swap3A_1116] {strides = array<i32>} : memref<128x128xf32, #tpu.memory_space<vmem>>, vector<16xf32>,
        tpu.vector_store %arg17[%swap3A_1115, %swap3A_1116], %mul3A_1114 {strides = array<i32>} : memref<128x128xf32, #tpu.memory_space<vmem>>, vector<16xf32>,
        %get3A_1118 = arith.index_cast %add3A_1069 : i32 to index
        %get3A_1119 = arith.constant 96 : index
        %get3A_1120 = tpu.vector_load %arg17[%get3A_1118, %get3A_1119] {strides = array<i32>} : memref<128x128xf32, #tpu.memory_space<vmem>>, vector<16xf32>,
        %mul3A_1121 = vector.broadcast %squeeze3A_1065 : f32 to vector<16xf32>
        %mul3A_1122 = arith.mulf %get3A_1120, %mul3A_1121 : vector<16xf32>
        %swap3A_1123 = arith.index_cast %add3A_1069 : i32 to index
        %swap3A_1124 = arith.constant 96 : index
        %swap3A_1125 = tpu.vector_load %arg17[%swap3A_1123, %swap3A_1124] {strides = array<i32>} : memref<128x128xf32, #tpu.memory_space<vmem>>, vector<16xf32>,
        tpu.vector_store %arg17[%swap3A_1123, %swap3A_1124], %mul3A_1122 {strides = array<i32>} : memref<128x128xf32, #tpu.memory_space<vmem>>, vector<16xf32>,
        %get3A_1126 = arith.index_cast %add3A_1069 : i32 to index
        %get3A_1127 = arith.constant 112 : index
        %get3A_1128 = tpu.vector_load %arg17[%get3A_1126, %get3A_1127] {strides = array<i32>} : memref<128x128xf32, #tpu.memory_space<vmem>>, vector<16xf32>,
        %mul3A_1129 = vector.broadcast %squeeze3A_1065 : f32 to vector<16xf32>
        %mul3A_1130 = arith.mulf %get3A_1128, %mul3A_1129 : vector<16xf32>
        %swap3A_1131 = arith.index_cast %add3A_1069 : i32 to index
        %swap3A_1132 = arith.constant 112 : index
        %swap3A_1133 = tpu.vector_load %arg17[%swap3A_1131, %swap3A_1132] {strides = array<i32>} : memref<128x128xf32, #tpu.memory_space<vmem>>, vector<16xf32>,
        tpu.vector_store %arg17[%swap3A_1131, %swap3A_1132], %mul3A_1130 {strides = array<i32>} : memref<128x128xf32, #tpu.memory_space<vmem>>, vector<16xf32>,
        %slice3A_1134 = vector.extract_strided_slice %get3A_85 {offsets = [15], sizes = [1], strides = [1]} : vector<16xf32> to vector<1xf32>
        %squeeze3A_1135 = vector.extract %slice3A_1134[0] : f32 from vector<1xf32>
        %mul3A_1136 = arith.constant 16 : i32
        %mul3A_1137 = arith.muli %scan3A_82, %mul3A_1136 : i32
        %add3A_1138 = arith.constant 15 : i32
        %add3A_1139 = arith.addi %mul3A_1137, %add3A_1138 : i32
        %get3A_1140 = arith.index_cast %add3A_1139 : i32 to index
        %get3A_1141 = arith.constant 0 : index
        %get3A_1142 = tpu.vector_load %arg17[%get3A_1140, %get3A_1141] {strides = array<i32>} : memref<128x128xf32, #tpu.memory_space<vmem>>, vector<16xf32>,
        %mul3A_1143 = vector.broadcast %squeeze3A_1135 : f32 to vector<16xf32>
        %mul3A_1144 = arith.mulf %get3A_1142, %mul3A_1143 : vector<16xf32>
        %swap3A_1145 = arith.index_cast %add3A_1139 : i32 to index
        %swap3A_1146 = arith.constant 0 : index
        %swap3A_1147 = tpu.vector_load %arg17[%swap3A_1145, %swap3A_1146] {strides = array<i32>} : memref<128x128xf32, #tpu.memory_space<vmem>>, vector<16xf32>,
        tpu.vector_store %arg17[%swap3A_1145, %swap3A_1146], %mul3A_1144 {strides = array<i32>} : memref<128x128xf32, #tpu.memory_space<vmem>>, vector<16xf32>,
        %get3A_1148 = arith.index_cast %add3A_1139 : i32 to index
        %get3A_1149 = arith.constant 16 : index
        %get3A_1150 = tpu.vector_load %arg17[%get3A_1148, %get3A_1149] {strides = array<i32>} : memref<128x128xf32, #tpu.memory_space<vmem>>, vector<16xf32>,
        %mul3A_1151 = vector.broadcast %squeeze3A_1135 : f32 to vector<16xf32>
        %mul3A_1152 = arith.mulf %get3A_1150, %mul3A_1151 : vector<16xf32>
        %swap3A_1153 = arith.index_cast %add3A_1139 : i32 to index
        %swap3A_1154 = arith.constant 16 : index
        %swap3A_1155 = tpu.vector_load %arg17[%swap3A_1153, %swap3A_1154] {strides = array<i32>} : memref<128x128xf32, #tpu.memory_space<vmem>>, vector<16xf32>,
        tpu.vector_store %arg17[%swap3A_1153, %swap3A_1154], %mul3A_1152 {strides = array<i32>} : memref<128x128xf32, #tpu.memory_space<vmem>>, vector<16xf32>,
        %get3A_1156 = arith.index_cast %add3A_1139 : i32 to index
        %get3A_1157 = arith.constant 32 : index
        %get3A_1158 = tpu.vector_load %arg17[%get3A_1156, %get3A_1157] {strides = array<i32>} : memref<128x128xf32, #tpu.memory_space<vmem>>, vector<16xf32>,
        %mul3A_1159 = vector.broadcast %squeeze3A_1135 : f32 to vector<16xf32>
        %mul3A_1160 = arith.mulf %get3A_1158, %mul3A_1159 : vector<16xf32>
        %swap3A_1161 = arith.index_cast %add3A_1139 : i32 to index
        %swap3A_1162 = arith.constant 32 : index
        %swap3A_1163 = tpu.vector_load %arg17[%swap3A_1161, %swap3A_1162] {strides = array<i32>} : memref<128x128xf32, #tpu.memory_space<vmem>>, vector<16xf32>,
        tpu.vector_store %arg17[%swap3A_1161, %swap3A_1162], %mul3A_1160 {strides = array<i32>} : memref<128x128xf32, #tpu.memory_space<vmem>>, vector<16xf32>,
        %get3A_1164 = arith.index_cast %add3A_1139 : i32 to index
        %get3A_1165 = arith.constant 48 : index
        %get3A_1166 = tpu.vector_load %arg17[%get3A_1164, %get3A_1165] {strides = array<i32>} : memref<128x128xf32, #tpu.memory_space<vmem>>, vector<16xf32>,
        %mul3A_1167 = vector.broadcast %squeeze3A_1135 : f32 to vector<16xf32>
        %mul3A_1168 = arith.mulf %get3A_1166, %mul3A_1167 : vector<16xf32>
        %swap3A_1169 = arith.index_cast %add3A_1139 : i32 to index
        %swap3A_1170 = arith.constant 48 : index
        %swap3A_1171 = tpu.vector_load %arg17[%swap3A_1169, %swap3A_1170] {strides = array<i32>} : memref<128x128xf32, #tpu.memory_space<vmem>>, vector<16xf32>,
        tpu.vector_store %arg17[%swap3A_1169, %swap3A_1170], %mul3A_1168 {strides = array<i32>} : memref<128x128xf32, #tpu.memory_space<vmem>>, vector<16xf32>,
        %get3A_1172 = arith.index_cast %add3A_1139 : i32 to index
        %get3A_1173 = arith.constant 64 : index
        %get3A_1174 = tpu.vector_load %arg17[%get3A_1172, %get3A_1173] {strides = array<i32>} : memref<128x128xf32, #tpu.memory_space<vmem>>, vector<16xf32>,
        %mul3A_1175 = vector.broadcast %squeeze3A_1135 : f32 to vector<16xf32>
        %mul3A_1176 = arith.mulf %get3A_1174, %mul3A_1175 : vector<16xf32>
        %swap3A_1177 = arith.index_cast %add3A_1139 : i32 to index
        %swap3A_1178 = arith.constant 64 : index
        %swap3A_1179 = tpu.vector_load %arg17[%swap3A_1177, %swap3A_1178] {strides = array<i32>} : memref<128x128xf32, #tpu.memory_space<vmem>>, vector<16xf32>,
        tpu.vector_store %arg17[%swap3A_1177, %swap3A_1178], %mul3A_1176 {strides = array<i32>} : memref<128x128xf32, #tpu.memory_space<vmem>>, vector<16xf32>,
        %get3A_1180 = arith.index_cast %add3A_1139 : i32 to index
        %get3A_1181 = arith.constant 80 : index
        %get3A_1182 = tpu.vector_load %arg17[%get3A_1180, %get3A_1181] {strides = array<i32>} : memref<128x128xf32, #tpu.memory_space<vmem>>, vector<16xf32>,
        %mul3A_1183 = vector.broadcast %squeeze3A_1135 : f32 to vector<16xf32>
        %mul3A_1184 = arith.mulf %get3A_1182, %mul3A_1183 : vector<16xf32>
        %swap3A_1185 = arith.index_cast %add3A_1139 : i32 to index
        %swap3A_1186 = arith.constant 80 : index
        %swap3A_1187 = tpu.vector_load %arg17[%swap3A_1185, %swap3A_1186] {strides = array<i32>} : memref<128x128xf32, #tpu.memory_space<vmem>>, vector<16xf32>,
        tpu.vector_store %arg17[%swap3A_1185, %swap3A_1186], %mul3A_1184 {strides = array<i32>} : memref<128x128xf32, #tpu.memory_space<vmem>>, vector<16xf32>,
        %get3A_1188 = arith.index_cast %add3A_1139 : i32 to index
        %get3A_1189 = arith.constant 96 : index
        %get3A_1190 = tpu.vector_load %arg17[%get3A_1188, %get3A_1189] {strides = array<i32>} : memref<128x128xf32, #tpu.memory_space<vmem>>, vector<16xf32>,
        %mul3A_1191 = vector.broadcast %squeeze3A_1135 : f32 to vector<16xf32>
        %mul3A_1192 = arith.mulf %get3A_1190, %mul3A_1191 : vector<16xf32>
        %swap3A_1193 = arith.index_cast %add3A_1139 : i32 to index
        %swap3A_1194 = arith.constant 96 : index
        %swap3A_1195 = tpu.vector_load %arg17[%swap3A_1193, %swap3A_1194] {strides = array<i32>} : memref<128x128xf32, #tpu.memory_space<vmem>>, vector<16xf32>,
        tpu.vector_store %arg17[%swap3A_1193, %swap3A_1194], %mul3A_1192 {strides = array<i32>} : memref<128x128xf32, #tpu.memory_space<vmem>>, vector<16xf32>,
        %get3A_1196 = arith.index_cast %add3A_1139 : i32 to index
        %get3A_1197 = arith.constant 112 : index
        %get3A_1198 = tpu.vector_load %arg17[%get3A_1196, %get3A_1197] {strides = array<i32>} : memref<128x128xf32, #tpu.memory_space<vmem>>, vector<16xf32>,
        %mul3A_1199 = vector.broadcast %squeeze3A_1135 : f32 to vector<16xf32>
        %mul3A_1200 = arith.mulf %get3A_1198, %mul3A_1199 : vector<16xf32>
        %swap3A_1201 = arith.index_cast %add3A_1139 : i32 to index
        %swap3A_1202 = arith.constant 112 : index
        %swap3A_1203 = tpu.vector_load %arg17[%swap3A_1201, %swap3A_1202] {strides = array<i32>} : memref<128x128xf32, #tpu.memory_space<vmem>>, vector<16xf32>,
        tpu.vector_store %arg17[%swap3A_1201, %swap3A_1202], %mul3A_1200 {strides = array<i32>} : memref<128x128xf32, #tpu.memory_space<vmem>>, vector<16xf32>,
      }
      %scan3A_81 = arith.constant 8 : i32
      "tpu.region"() ({
        %run_scoped3A = tpu.sem_alloc : memref<!tpu.dma_semaphore, #tpu.memory_space<semaphore_mem>>
        %dma_start3A_82 = arith.constant 0 : i32
        %dma_start3A_83 = arith.constant 0 : i32
        %dma_start3A_84 = tpu.memref_slice %arg10[%dma_start3A_82, %dma_start3A_83] : memref<10240x128xf32, #tpu.memory_space<vmem_shared>> -> memref<10240x128xf32, #tpu.memory_space<vmem_shared>>
        tpu.enqueue_indirect_dma source(%arg17 : memref<128x128xf32, #tpu.memory_space<vmem>>) target(%dma_start3A_84 : memref<10240x128xf32, #tpu.memory_space<vmem_shared>>) offsets(%arg16 : memref<128xi32, #tpu.memory_space<vmem>>) semaphore(%run_scoped3A : memref<!tpu.dma_semaphore, #tpu.memory_space<semaphore_mem>>) {add = true}
        %dma_wait3A_85 = arith.constant 0 : i32
        %dma_wait3A_86 = arith.constant 0 : i32
        %dma_wait3A_87 = tpu.memref_slice %arg10[%dma_wait3A_85, %dma_wait3A_86] : memref<10240x128xf32, #tpu.memory_space<vmem_shared>> -> memref<10240x128xf32, #tpu.memory_space<vmem_shared>>
        tpu.wait_indirect_dma semaphore(%run_scoped3A : memref<!tpu.dma_semaphore, #tpu.memory_space<semaphore_mem>>) src(%arg17 : memref<128x128xf32, #tpu.memory_space<vmem>>) dst(%dma_wait3A_87 : memref<10240x128xf32, #tpu.memory_space<vmem_shared>>)
        tpu.yield
      }) : () -> ()
      "tpu.region"() ({
        %run_scoped3A = tpu.sem_alloc : memref<!tpu.dma_semaphore, #tpu.memory_space<semaphore_mem>>
        %dma_start3A_82 = arith.constant 0 : i32
        %dma_start3A_83 = tpu.memref_slice %arg11[%dma_start3A_82] : memref<10240xf32, #tpu.memory_space<vmem_shared>> -> memref<10240xf32, #tpu.memory_space<vmem_shared>>
        tpu.enqueue_indirect_dma source(%arg18 : memref<128xf32, #tpu.memory_space<vmem>>) target(%dma_start3A_83 : memref<10240xf32, #tpu.memory_space<vmem_shared>>) offsets(%arg16 : memref<128xi32, #tpu.memory_space<vmem>>) semaphore(%run_scoped3A : memref<!tpu.dma_semaphore, #tpu.memory_space<semaphore_mem>>) {add = true}
        %dma_wait3A_84 = arith.constant 0 : i32
        %dma_wait3A_85 = tpu.memref_slice %arg11[%dma_wait3A_84] : memref<10240xf32, #tpu.memory_space<vmem_shared>> -> memref<10240xf32, #tpu.memory_space<vmem_shared>>
        tpu.wait_indirect_dma semaphore(%run_scoped3A : memref<!tpu.dma_semaphore, #tpu.memory_space<semaphore_mem>>) src(%arg18 : memref<128xf32, #tpu.memory_space<vmem>>) dst(%dma_wait3A_85 : memref<10240xf32, #tpu.memory_space<vmem_shared>>)
        tpu.yield
      }) : () -> ()
    }
    %scan3A_63 = arith.constant 81 : i32
    %barrier3A_64 = arith.constant 0 : index
    tpu.barrier barrier_id(%barrier3A_64)
    "tpu.region"() ({
      %run_scoped3A = tpu.sem_alloc : memref<!tpu.dma_semaphore, #tpu.memory_space<semaphore_mem>>
      %dma_start3A = arith.constant 0 : i32
      %dma_start3A_65 = arith.constant 0 : i32
      %dma_start3A_66 = tpu.memref_slice %arg8[%arg0, %dma_start3A, %dma_start3A_65] : memref<2x10240x128xf32, #tpu.memory_space<hbm>> -> memref<1x10240x128xf32, #tpu.memory_space<hbm>>
      %dma_start3A_67 = tpu.memref_squeeze %dma_start3A_66 : memref<1x10240x128xf32, #tpu.memory_space<hbm>> -> memref<10240x128xf32, #tpu.memory_space<hbm>>
      %dma_start3A_68 = arith.constant 0 : i32
      %dma_start3A_69 = tpu.memref_slice %dma_start3A_67[%mul3A_37, %dma_start3A_68] : memref<10240x128xf32, #tpu.memory_space<hbm>> -> memref<640x128xf32, #tpu.memory_space<hbm>>
      %dma_start3A_70 = arith.constant 0 : i32
      %dma_start3A_71 = tpu.memref_slice %arg10[%mul3A_37, %dma_start3A_70] : memref<10240x128xf32, #tpu.memory_space<vmem_shared>> -> memref<640x128xf32, #tpu.memory_space<vmem_shared>>
      tpu.enqueue_dma source(%dma_start3A_71 : memref<640x128xf32, #tpu.memory_space<vmem_shared>>) target(%dma_start3A_69 : memref<640x128xf32, #tpu.memory_space<hbm>>) target_semaphore(%run_scoped3A : memref<!tpu.dma_semaphore, #tpu.memory_space<semaphore_mem>>)
      %dma_wait3A = arith.constant 0 : i32
      %dma_wait3A_72 = arith.constant 0 : i32
      %dma_wait3A_73 = tpu.memref_slice %arg8[%arg0, %dma_wait3A, %dma_wait3A_72] : memref<2x10240x128xf32, #tpu.memory_space<hbm>> -> memref<1x10240x128xf32, #tpu.memory_space<hbm>>
      %dma_wait3A_74 = tpu.memref_squeeze %dma_wait3A_73 : memref<1x10240x128xf32, #tpu.memory_space<hbm>> -> memref<10240x128xf32, #tpu.memory_space<hbm>>
      %dma_wait3A_75 = arith.constant 0 : i32
      %dma_wait3A_76 = tpu.memref_slice %dma_wait3A_74[%mul3A_37, %dma_wait3A_75] : memref<10240x128xf32, #tpu.memory_space<hbm>> -> memref<640x128xf32, #tpu.memory_space<hbm>>
      %dma_wait3A_77 = arith.constant 0 : i32
      %dma_wait3A_78 = tpu.memref_slice %arg10[%mul3A_37, %dma_wait3A_77] : memref<10240x128xf32, #tpu.memory_space<vmem_shared>> -> memref<640x128xf32, #tpu.memory_space<vmem_shared>>
      tpu.wait_dma2 semaphore(%run_scoped3A : memref<!tpu.dma_semaphore, #tpu.memory_space<semaphore_mem>>) src(%dma_wait3A_78 : memref<640x128xf32, #tpu.memory_space<vmem_shared>>) dst(%dma_wait3A_76 : memref<640x128xf32, #tpu.memory_space<hbm>>)
      tpu.yield
    }) : () -> ()
    "tpu.region"() ({
      %run_scoped3A = tpu.sem_alloc : memref<!tpu.dma_semaphore, #tpu.memory_space<semaphore_mem>>
      %dma_start3A = arith.constant 0 : i32
      %dma_start3A_65 = tpu.memref_slice %arg9[%arg0, %dma_start3A] : memref<2x10240xf32, #tpu.memory_space<hbm>> -> memref<1x10240xf32, #tpu.memory_space<hbm>>
      %dma_start3A_66 = tpu.memref_squeeze %dma_start3A_65 : memref<1x10240xf32, #tpu.memory_space<hbm>> -> memref<10240xf32, #tpu.memory_space<hbm>>
      %dma_start3A_67 = tpu.memref_slice %dma_start3A_66[%mul3A_37] : memref<10240xf32, #tpu.memory_space<hbm>> -> memref<640xf32, #tpu.memory_space<hbm>>
      %dma_start3A_68 = tpu.memref_slice %arg11[%mul3A_37] : memref<10240xf32, #tpu.memory_space<vmem_shared>> -> memref<640xf32, #tpu.memory_space<vmem_shared>>
      tpu.enqueue_dma source(%dma_start3A_68 : memref<640xf32, #tpu.memory_space<vmem_shared>>) target(%dma_start3A_67 : memref<640xf32, #tpu.memory_space<hbm>>) target_semaphore(%run_scoped3A : memref<!tpu.dma_semaphore, #tpu.memory_space<semaphore_mem>>)
      %dma_wait3A = arith.constant 0 : i32
      %dma_wait3A_69 = tpu.memref_slice %arg9[%arg0, %dma_wait3A] : memref<2x10240xf32, #tpu.memory_space<hbm>> -> memref<1x10240xf32, #tpu.memory_space<hbm>>
      %dma_wait3A_70 = tpu.memref_squeeze %dma_wait3A_69 : memref<1x10240xf32, #tpu.memory_space<hbm>> -> memref<10240xf32, #tpu.memory_space<hbm>>
      %dma_wait3A_71 = tpu.memref_slice %dma_wait3A_70[%mul3A_37] : memref<10240xf32, #tpu.memory_space<hbm>> -> memref<640xf32, #tpu.memory_space<hbm>>
      %dma_wait3A_72 = tpu.memref_slice %arg11[%mul3A_37] : memref<10240xf32, #tpu.memory_space<vmem_shared>> -> memref<640xf32, #tpu.memory_space<vmem_shared>>
      tpu.wait_dma2 semaphore(%run_scoped3A : memref<!tpu.dma_semaphore, #tpu.memory_space<semaphore_mem>>) src(%dma_wait3A_72 : memref<640xf32, #tpu.memory_space<vmem_shared>>) dst(%dma_wait3A_71 : memref<640xf32, #tpu.memory_space<hbm>>)
      tpu.yield
    }) : () -> ()
    return
  }
}

module attributes {stable_mosaic.version = 14 : i64} {
  func.func @_tc_pre(%arg0: memref<10000x128xf32, #tpu.memory_space<vmem>>, %arg1: memref<128x128xf32, #tpu.memory_space<vmem>>, %arg2: memref<128x1xf32, #tpu.memory_space<vmem>>, %arg3: memref<128x1xf32, #tpu.memory_space<vmem>>, %arg4: memref<10000x128xf32, #tpu.memory_space<vmem>>, %arg5: memref<10000x1xf32, #tpu.memory_space<vmem>>, %arg6: memref<10000x1xf32, #tpu.memory_space<vmem>>) attributes {dimension_semantics = [], scalar_prefetch = 0 : i64, scratch_operands = 0 : i64, tpu.core_type = #tpu.core_type<tc>} {
    %get3A = arith.constant 0 : index
    %get3A_0 = arith.constant 0 : index
    %get3A_1 = vector.load %arg0[%get3A, %get3A_0] : memref<10000x128xf32, #tpu.memory_space<vmem>>, vector<10000x128xf32>
    %get3A_2 = arith.constant 0 : index
    %get3A_3 = arith.constant 0 : index
    %get3A_4 = vector.load %arg1[%get3A_2, %get3A_3] : memref<128x128xf32, #tpu.memory_space<vmem>>, vector<128x128xf32>
    %dot_general3A = arith.constant dense<0.000000e+00> : vector<10000x128xf32>
    %dot_general3A_5 = tpu.matmul %get3A_1, %get3A_4, %dot_general3A {dimension_numbers = #tpu.dot_dimension_numbers<[1], [0], [0], [1], [0, 0, 1, 1], [], []>, transpose_lhs_hint = false} : vector<10000x128xf32>, vector<128x128xf32>, vector<10000x128xf32> -> vector<10000x128xf32>
    %swap3A = arith.constant 0 : index
    %swap3A_6 = arith.constant 0 : index
    %swap3A_7 = vector.load %arg4[%swap3A, %swap3A_6] : memref<10000x128xf32, #tpu.memory_space<vmem>>, vector<10000x128xf32>
    tpu.vector_store %arg4[%swap3A, %swap3A_6], %dot_general3A_5 {strides = array<i32>} : memref<10000x128xf32, #tpu.memory_space<vmem>>, vector<10000x128xf32>,
    %get3A_8 = arith.constant 0 : index
    %get3A_9 = arith.constant 0 : index
    %get3A_10 = vector.load %arg2[%get3A_8, %get3A_9] : memref<128x1xf32, #tpu.memory_space<vmem>>, vector<128x1xf32>
    %dot_general3A_11 = arith.constant dense<0.000000e+00> : vector<10000x1xf32>
    %dot_general3A_12 = tpu.matmul %dot_general3A_5, %get3A_10, %dot_general3A_11 {dimension_numbers = #tpu.dot_dimension_numbers<[1], [0], [0], [1], [0, 0, 1, 1], [], []>, transpose_lhs_hint = false} : vector<10000x128xf32>, vector<128x1xf32>, vector<10000x1xf32> -> vector<10000x1xf32>
    %swap3A_13 = arith.constant 0 : index
    %swap3A_14 = arith.constant 0 : index
    %swap3A_15 = vector.load %arg5[%swap3A_13, %swap3A_14] : memref<10000x1xf32, #tpu.memory_space<vmem>>, vector<10000x1xf32>
    tpu.vector_store %arg5[%swap3A_13, %swap3A_14], %dot_general3A_12 {strides = array<i32>} : memref<10000x1xf32, #tpu.memory_space<vmem>>, vector<10000x1xf32>,
    %get3A_16 = arith.constant 0 : index
    %get3A_17 = arith.constant 0 : index
    %get3A_18 = vector.load %arg3[%get3A_16, %get3A_17] : memref<128x1xf32, #tpu.memory_space<vmem>>, vector<128x1xf32>
    %dot_general3A_19 = arith.constant dense<0.000000e+00> : vector<10000x1xf32>
    %dot_general3A_20 = tpu.matmul %dot_general3A_5, %get3A_18, %dot_general3A_19 {dimension_numbers = #tpu.dot_dimension_numbers<[1], [0], [0], [1], [0, 0, 1, 1], [], []>, transpose_lhs_hint = false} : vector<10000x128xf32>, vector<128x1xf32>, vector<10000x1xf32> -> vector<10000x1xf32>
    %swap3A_21 = arith.constant 0 : index
    %swap3A_22 = arith.constant 0 : index
    %swap3A_23 = vector.load %arg6[%swap3A_21, %swap3A_22] : memref<10000x1xf32, #tpu.memory_space<vmem>>, vector<10000x1xf32>
    tpu.vector_store %arg6[%swap3A_21, %swap3A_22], %dot_general3A_20 {strides = array<i32>} : memref<10000x1xf32, #tpu.memory_space<vmem>>, vector<10000x1xf32>,
    return
  }
}

module attributes {stable_mosaic.version = 14 : i64} {
  func.func @_tc_post(%arg0: memref<2x10240x128xf32, #tpu.memory_space<vmem>>, %arg1: memref<10000x1xf32, #tpu.memory_space<vmem>>, %arg2: memref<10000x1xf32, #tpu.memory_space<vmem>>, %arg3: memref<128x128xf32, #tpu.memory_space<vmem>>, %arg4: memref<1x128xf32, #tpu.memory_space<vmem>>, %arg5: memref<1x128xf32, #tpu.memory_space<vmem>>, %arg6: memref<1x128xf32, #tpu.memory_space<vmem>>, %arg7: memref<1x128xf32, #tpu.memory_space<vmem>>, %arg8: memref<10000x128xf32, #tpu.memory_space<vmem>>) attributes {dimension_semantics = [], scalar_prefetch = 0 : i64, scratch_operands = 0 : i64, tpu.core_type = #tpu.core_type<tc>} {
    %get3A = arith.constant 0 : index
    %get3A_0 = arith.constant 0 : index
    %get3A_1 = arith.constant 0 : index
    %get3A_2 = vector.load %arg0[%get3A, %get3A_0, %get3A_1] : memref<2x10240x128xf32, #tpu.memory_space<vmem>>, vector<1x10000x128xf32>
    %get3A_3 = vector.shape_cast %get3A_2 : vector<1x10000x128xf32> to vector<10000x128xf32>
    %get3A_4 = arith.constant 1 : index
    %get3A_5 = arith.constant 0 : index
    %get3A_6 = arith.constant 0 : index
    %get3A_7 = vector.load %arg0[%get3A_4, %get3A_5, %get3A_6] : memref<2x10240x128xf32, #tpu.memory_space<vmem>>, vector<1x10000x128xf32>
    %get3A_8 = vector.shape_cast %get3A_7 : vector<1x10000x128xf32> to vector<10000x128xf32>
    %add3A = arith.addf %get3A_3, %get3A_8 : vector<10000x128xf32>
    %get3A_9 = arith.constant 0 : index
    %get3A_10 = arith.constant 0 : index
    %get3A_11 = vector.load %arg1[%get3A_9, %get3A_10] : memref<10000x1xf32, #tpu.memory_space<vmem>>, vector<10000x1xf32>
    %get3A_12 = arith.constant 0 : index
    %get3A_13 = arith.constant 0 : index
    %get3A_14 = vector.load %arg2[%get3A_12, %get3A_13] : memref<10000x1xf32, #tpu.memory_space<vmem>>, vector<10000x1xf32>
    %add3A_15 = arith.addf %get3A_11, %get3A_14 : vector<10000x1xf32>
    %add3A_16 = arith.constant 1.000000e-16 : f32
    %add3A_17 = vector.broadcast %add3A_16 : f32 to vector<10000x1xf32>
    %add3A_18 = arith.addf %add3A_15, %add3A_17 : vector<10000x1xf32>
    %div3A = vector.broadcast %add3A_18 : vector<10000x1xf32> to vector<10000x128xf32>
    %div3A_19 = arith.divf %add3A, %div3A : vector<10000x128xf32>
    %get3A_20 = arith.constant 0 : index
    %get3A_21 = arith.constant 0 : index
    %get3A_22 = vector.load %arg3[%get3A_20, %get3A_21] : memref<128x128xf32, #tpu.memory_space<vmem>>, vector<128x128xf32>
    %dot_general3A = arith.constant dense<0.000000e+00> : vector<10000x128xf32>
    %dot_general3A_23 = tpu.matmul %div3A_19, %get3A_22, %dot_general3A {dimension_numbers = #tpu.dot_dimension_numbers<[1], [0], [0], [1], [0, 0, 1, 1], [], []>, transpose_lhs_hint = false} : vector<10000x128xf32>, vector<128x128xf32>, vector<10000x128xf32> -> vector<10000x128xf32>
    %get3A_24 = arith.constant 0 : index
    %get3A_25 = arith.constant 0 : index
    %get3A_26 = vector.load %arg4[%get3A_24, %get3A_25] : memref<1x128xf32, #tpu.memory_space<vmem>>, vector<1x128xf32>
    %add3A_27 = vector.broadcast %get3A_26 : vector<1x128xf32> to vector<10000x128xf32>
    %add3A_28 = arith.addf %dot_general3A_23, %add3A_27 : vector<10000x128xf32>
    %get3A_29 = arith.constant 0 : index
    %get3A_30 = arith.constant 0 : index
    %get3A_31 = vector.load %arg5[%get3A_29, %get3A_30] : memref<1x128xf32, #tpu.memory_space<vmem>>, vector<1x128xf32>
    %add3A_32 = vector.broadcast %get3A_31 : vector<1x128xf32> to vector<10000x128xf32>
    %add3A_33 = arith.addf %add3A_28, %add3A_32 : vector<10000x128xf32>
    %reduce_sum3A = arith.constant dense<0.000000e+00> : vector<128xf32>
    %reduce_sum3A_34 = vector.multi_reduction <add>, %add3A_33, %reduce_sum3A [0] : vector<10000x128xf32> to vector<128xf32>
    %broadcast_in_dim3A = vector.shape_cast %reduce_sum3A_34 : vector<128xf32> to vector<1x128xf32>
    %div3A_35 = arith.constant 1.000000e+04 : f32
    %div3A_36 = vector.broadcast %div3A_35 : f32 to vector<1x128xf32>
    %div3A_37 = arith.divf %broadcast_in_dim3A, %div3A_36 : vector<1x128xf32>
    %sub3A = vector.broadcast %div3A_37 : vector<1x128xf32> to vector<10000x128xf32>
    %sub3A_38 = arith.subf %add3A_33, %sub3A : vector<10000x128xf32>
    %integer_pow3A = arith.mulf %sub3A_38, %sub3A_38 : vector<10000x128xf32>
    %reduce_sum3A_39 = arith.constant dense<0.000000e+00> : vector<128xf32>
    %reduce_sum3A_40 = vector.multi_reduction <add>, %integer_pow3A, %reduce_sum3A_39 [0] : vector<10000x128xf32> to vector<128xf32>
    %broadcast_in_dim3A_41 = vector.shape_cast %reduce_sum3A_40 : vector<128xf32> to vector<1x128xf32>
    %div3A_42 = arith.constant 1.000000e+04 : f32
    %div3A_43 = vector.broadcast %div3A_42 : f32 to vector<1x128xf32>
    %div3A_44 = arith.divf %broadcast_in_dim3A_41, %div3A_43 : vector<1x128xf32>
    %sub3A_45 = vector.broadcast %div3A_37 : vector<1x128xf32> to vector<10000x128xf32>
    %sub3A_46 = arith.subf %add3A_33, %sub3A_45 : vector<10000x128xf32>
    %add3A_47 = arith.constant 9.99999974E-6 : f32
    %add3A_48 = vector.broadcast %add3A_47 : f32 to vector<1x128xf32>
    %add3A_49 = arith.addf %div3A_44, %add3A_48 : vector<1x128xf32>
    %rsqrt3A = math.rsqrt %add3A_49 : vector<1x128xf32>
    %mul3A = vector.broadcast %rsqrt3A : vector<1x128xf32> to vector<10000x128xf32>
    %mul3A_50 = arith.mulf %sub3A_46, %mul3A : vector<10000x128xf32>
    %get3A_51 = arith.constant 0 : index
    %get3A_52 = arith.constant 0 : index
    %get3A_53 = vector.load %arg6[%get3A_51, %get3A_52] : memref<1x128xf32, #tpu.memory_space<vmem>>, vector<1x128xf32>
    %mul3A_54 = vector.broadcast %get3A_53 : vector<1x128xf32> to vector<10000x128xf32>
    %mul3A_55 = arith.mulf %mul3A_50, %mul3A_54 : vector<10000x128xf32>
    %get3A_56 = arith.constant 0 : index
    %get3A_57 = arith.constant 0 : index
    %get3A_58 = vector.load %arg7[%get3A_56, %get3A_57] : memref<1x128xf32, #tpu.memory_space<vmem>>, vector<1x128xf32>
    %add3A_59 = vector.broadcast %get3A_58 : vector<1x128xf32> to vector<10000x128xf32>
    %add3A_60 = arith.addf %mul3A_55, %add3A_59 : vector<10000x128xf32>
    %max3A = arith.constant 0.000000e+00 : f32
    %max3A_61 = vector.broadcast %max3A : f32 to vector<10000x128xf32>
    %max3A_62 = arith.maximumf %add3A_60, %max3A_61 : vector<10000x128xf32>
    %add3A_63 = arith.addf %add3A_33, %max3A_62 : vector<10000x128xf32>
    %swap3A = arith.constant 0 : index
    %swap3A_64 = arith.constant 0 : index
    %swap3A_65 = vector.load %arg8[%swap3A, %swap3A_64] : memref<10000x128xf32, #tpu.memory_space<vmem>>, vector<10000x128xf32>
    tpu.vector_store %arg8[%swap3A, %swap3A_64], %add3A_63 {strides = array<i32>} : memref<10000x128xf32, #tpu.memory_space<vmem>>, vector<10000x128xf32>,
    return
  }
}

</mosaic_0001>

<sc_bundles>
// kernel: kernel.5.cloned.1.call-start
scs
__scs_entry_jumppad:
0x0: {  	(pc) =	sbr.rel $0x88, $3  }
0x1: {  	(tag) =	ssettag $0x0;
	lr =	simm.s32 $0x1  }
0x2: {  	[smem:$0x3F97] =	sst lr;
	_ =	strace $0xD0000000  }
0x3: {  	_ = 	snop  }
0x4: {  	_ = 	snop  }
0x5: {  	_ = 	snop  }
0x6: {  	_ = 	snop  }
0x7: {  	_ = 	snop  }
__scs_overlays_trampoline_lowered:
0x8: {  	[smem:$0x3FA6] =	sst s0  }
0x9: {  	[smem:$0x3FA7] =	sst s1  }
0xa: {  	[smem:$0x3FA8] =	sst s2  }
0xb: {  	[smem:$0x3FA9] =	sst s3  }
0xc: {  	[smem:$0x3FAA] =	sst s4  }
0xd: {  	[smem:$0x3FAB] =	sst s5  }
0xe: {  	[smem:$0x3FAC] =	sst s6  }
0xf: {  	[smem:$0x3FAD] =	sst s7  }
0x10: {  	[smem:$0x3FAE] =	sst s8  }
0x11: {  	[smem:$0x3FAF] =	sst s9;
	s0 =	simm.s32 @!p0 $0x0  }
0x12: {  	s1 =	sld [smem:$0x3F95];
	s0 =	simm.s32 @p0 $0x1  }
0x13: {  	[smem:$0x3FB0] =	sst s0;
	s0 =	simm.s32 @!p1 $0x0  }
0x14: {  	s2 =	sld [smem:$0x3F94];
	s0 =	simm.s32 @p1 $0x1  }
0x15: {  	[smem:$0x3FB1] =	sst s0;
	s0 =	simm.s32 @!p2 $0x0  }
0x16: {  	s3 =	sld [smem:$0x3FDB];
	s0 =	simm.s32 @p2 $0x1  }
0x17: {  	s4 =	simm.s32 $0x1BF5;
	[smem:$0x3FB3] =	sst s0  }
0x18: {  	s0 =	sld [smem:$0x3F96];
	_ =	swait.ge [sflag:s4], $0x0  }
0x19: {  	s7 =	sld [smem:$0x3F97]  }
0x1a: {  	s8 =	sadd.s32 $0xFFFFE003, lr  }
0x1b: {  	s9 =	sadd.s32 $0xFFFFFEF7, lr;
	s5 =	simm.s32 $0xFFFFFFFF;
	p2 =	slt.u32 s8, $0xFFFFF086  }
0x1c: {  	p1 =	slt.u32 s9, $0xF7A;
	s5 =	simm.s32 @!p2 $0x0  }
0x1d: {  	s5 =	simm.s32 @p1 $0x1;
	p0 =	seq.s32 s7, s2  }
0x1e: {  	s7 =	smul.u32 @!p0 $0xF7A, s2;
	p2 =	seq.s32 @!p0 s5, $0x0  }
0x1f: {  	s9 =	smul.u32 $0xF7A, s1;
	s8 =	simm.s32 @!p0 $0x1BF5;
	p2 =	por !p2, p0  }
0x20: {  	[sflag:s8] =	ssyncset.s32 @!p0 $0xFFFFF086;
	s6 =	sadd.s32 @!p0 s3, s7;
	s7 =	simm.s32 @!p0 $0x108  }
0x21: {  	s3 =	sadd.s32 s3, s9;
	s6 =	sadd.s32 @!p0 $0x88, s6;
	s7 =	simm.s32 @p2 $0x1082  }
0x22: {  	[simem:s7], [sflag:s8] =	dma.local @!p0 [hbm:s6], $0xF7A  }
0x23: {  	s9 =	sor.u32 $0xD0000000, s2;
	s6 =	simm.s32 $0x108;
	_ =	swait.ge @!p0 [sflag:s8], $0x0  }
0x24: {  	s3 =	sadd.s32 $0x88, s3;
	s6 =	simm.s32 @!p1 $0x1082;
	[sflag:s4] =	ssyncset.s32 $0xFFFFF086  }
0x25: {  	[simem:s6], [sflag:s4] =	dma.local [hbm:s3], $0xF7A  }
0x26: {  	[smem:$0x3F97] =	sst s1;
	(tag) =	ssettag s2;
	_ =	strace s9  }
0x27: {  	s1 =	sld [smem:$0x3FA7]  }
0x28: {  	s2 =	sld [smem:$0x3FA8]  }
0x29: {  	s4 =	sld [smem:$0x3FAA]  }
0x2a: {  	p0 =	seq.s32 s5, $0x0;
	s5 =	sld [smem:$0x3FAB]  }
0x2b: {  	s6 =	sld [smem:$0x3FAC]  }
0x2c: {  	s7 =	sld [smem:$0x3FAD]  }
0x2d: {  	s3 =	simm.s32 $0x108;
	s8 =	sld [smem:$0x3FAE]  }
0x2e: {  	s3 =	simm.s32 @!p0 $0x1082;
	s9 =	sld [smem:$0x3FAF]  }
0x2f: {  	lr =	sadd.s32 s0, s3;
	s0 =	sld [smem:$0x3FA6]  }
0x30: {  	s3 =	sld [smem:$0x3FA9]  }
0x31: {  	[smem:$0x3FB2] =	sst s10  }
0x32: {  	s10 =	sld [smem:$0x3FB0];
	_ =	sdelay $0x3  }
0x33: {  	p0 =	seq.s32 s10, $0x1;
	s10 =	sld [smem:$0x3FB2];
	_ =	sdelay $0x3  }
0x34: {  	[smem:$0x3FB2] =	sst s10  }
0x35: {  	s10 =	sld [smem:$0x3FB1];
	_ =	sdelay $0x3  }
0x36: {  	p1 =	seq.s32 s10, $0x1;
	s10 =	sld [smem:$0x3FB2];
	_ =	sdelay $0x3  }
0x37: {  	[smem:$0x3FB2] =	sst s10  }
0x38: {  	s10 =	sld [smem:$0x3FB3]  }
0x39: {  	_ = 	snop;
	(pc) =	sbr.ind lr, $3  }
0x3a: {  	_ = 	snop  }
0x3b: {  	_ = 	snop  }
0x3c: {  	p2 =	seq.s32 s10, $0x1;
	s10 =	sld [smem:$0x3FB2]  }
0x3d: {  	_ =	shalt  }
0x3e: {  	_ =	shalt  }
0x3f: {  	_ =	shalt  }
0x40: {  	_ =	shalt  }
0x41: {  	_ =	shalt  }
0x42: {  	_ =	shalt  }
0x43: {  	_ =	shalt  }
0x44: {  	_ =	shalt  }
0x45: {  	_ =	shalt  }
0x46: {  	_ =	shalt  }
0x47: {  	_ =	shalt  }
0x48: {  	_ =	shalt  }
0x49: {  	_ =	shalt  }
0x4a: {  	_ =	shalt  }
0x4b: {  	_ =	shalt  }
0x4c: {  	_ =	shalt  }
0x4d: {  	_ =	shalt  }
0x4e: {  	_ =	shalt  }
0x4f: {  	_ =	shalt  }
0x50: {  	_ =	shalt  }
0x51: {  	_ =	shalt  }
0x52: {  	_ =	shalt  }
0x53: {  	_ =	shalt  }
0x54: {  	_ =	shalt  }
0x55: {  	_ =	shalt  }
0x56: {  	_ =	shalt  }
0x57: {  	_ =	shalt  }
0x58: {  	_ =	shalt  }
0x59: {  	_ =	shalt  }
0x5a: {  	_ =	shalt  }
0x5b: {  	_ =	shalt  }
0x5c: {  	_ =	shalt  }
0x5d: {  	_ =	shalt  }
0x5e: {  	_ =	shalt  }
0x5f: {  	_ =	shalt  }
0x60: {  	_ =	shalt  }
0x61: {  	_ =	shalt  }
0x62: {  	_ =	shalt  }
0x63: {  	_ =	shalt  }
0x64: {  	_ =	shalt  }
0x65: {  	_ =	shalt  }
0x66: {  	_ =	shalt  }
0x67: {  	_ =	shalt  }
0x68: {  	_ =	shalt  }
0x69: {  	_ =	shalt  }
0x6a: {  	_ =	shalt  }
0x6b: {  	_ =	shalt  }
0x6c: {  	_ =	shalt  }
0x6d: {  	_ =	shalt  }
0x6e: {  	_ =	shalt  }
0x6f: {  	_ =	shalt  }
0x70: {  	_ =	shalt  }
0x71: {  	_ =	shalt  }
0x72: {  	_ =	shalt  }
0x73: {  	_ =	shalt  }
0x74: {  	_ =	shalt  }
0x75: {  	_ =	shalt  }
0x76: {  	_ =	shalt  }
0x77: {  	_ =	shalt  }
0x78: {  	_ =	shalt  }
0x79: {  	_ =	shalt  }
0x7a: {  	_ =	shalt  }
0x7b: {  	_ =	shalt  }
0x7c: {  	_ =	shalt  }
0x7d: {  	_ =	shalt  }
0x7e: {  	_ =	shalt  }
0x7f: {  	_ =	shalt  }
0x80: {  	_ =	shalt  }
0x81: {  	_ =	shalt  }
0x82: {  	_ =	shalt  }
0x83: {  	_ =	shalt  }
0x84: {  	_ =	shalt  }
0x85: {  	_ =	shalt  }
0x86: {  	_ =	shalt  }
0x87: {  	_ =	shalt  }
.Lfunc_end0:
.L_simem_size_0:
called_computation_lowered:
.L_overlay_start_0:
0x88: {  	s2 =	sld [smem:$0x3FD9]  }
0x89: {  	s3 =	sld [smem:$0x3FFE];
	_ =	sdelay $0x1  }
0x8a: {  	s1 =	srdreg.scid  }
0x8b: {  	s0 =	sand.u32 $0x1, s1  }
0x8c: {  	s17 =	sshll.u32 s0, $0xA;
	s2 =	sadd.s32 s3, s2  }
0x8d: {  	s2 =	sadd.s32 s2, s17  }
0x8e: {  	[smem:$0x3FBE] =	sst s2  }
0x8f: {  	_ = 	snop  }
0x90: {  	s2 =	sld [smem:$0x3FD0];
	(tm) =	ssettm $0x1  }
0x91: {  	s18 =	sld [smem:$0x3FFB];
	_ =	sdelay $0x3  }
0x92: {  	_ =	strace s18  }
0x93: {  	s3 =	sld [smem:$0x3FFC];
	_ =	sdelay $0x3  }
0x94: {  	_ =	strace s3  }
0x95: {  	s3 =	sld [smem:$0x3FFD];
	_ =	sdelay $0x3  }
0x96: {  	_ =	strace s3  }
0x97: {  	_ =	strace $0x8FFFFFFF  }
0x98: {  	s19 =	sld [smem:$0x3FDB];
	_ =	sdelay $0x1  }
0x99: {  	s4 =	simm.s32 $_scs_section_size  }
0x9a: {  	s5 =	simm.s32 $_size__tile_overlayer_lowered;
	s6 =	simm.s32 $_tile_overlayer_lowered  }
0x9b: {  	s22 =	simm.s32 $0x1BFF;
	s21 =	sshll.u32 s6, $0x1;
	s3 =	sadd.s32 s4, s19  }
0x9c: {  	s7 =	simm.s32 $0x0;
	s20 =	sshll.u32 s5, $0x1;
	s5 =	sadd.s32 s21, s3  }
0x9d: {  	[timem:s7], [sflag:s22] =	dma.local [hbm:s5], s20  }
0x9e: {  	_ =	swait.ge [sflag:s22], s20  }
0x9f: {  	s4 =	ssub.s32 $0x0, s20;
	[sflag:s22] =	ssyncset.done $0x0  }
0xa0: {  	[sflag:s22] =	ssyncadd.s32 s4;
	_ =	sdelay $0x1  }
0xa1: {  	s23 =	simm.s32 $0x1B8B  }
0xa2: {  	_ =	swait.ge [sflag:s23], $0x1  }
0xa3: {  	[sflag:s23] =	ssyncset.done $0x0  }
0xa4: {  	s25 =	simm.s32 $0x1B8E;
	s24 =	sld [smem:$0x3FFE];
	[sflag:s23] =	ssyncadd.s32 $0xFFFFFFFF  }
0xa5: {  	s26 =	simm.s32 $execute0_lowered;
	[smem:$0x3FD2] =	sst s25  }
0xa6: {  	s5 =	sshll.u32 s26, $0x1;
	_ =	strace $0x80000046;
	[dreg:$0x1] =	wrdreg $0xFFFFFFFF  }
0xa7: {  	s28 =	simm.s32 $_size_execute0_lowered;
	s3 =	sadd.s32 s3, s5;
	[dreg:$0x0] =	wrdreg $0x0  }
0xa8: {  	s5 =	sshll.u32 s28, $0x1;
	[dreg:$0x2] =	wrdreg s3  }
0xa9: {  	[dreg:$0x3] =	wrdreg s5  }
0xaa: {  	[dreg:$0x4] =	wrdreg $0xC0  }
0xab: {  	_ =	task [dreg:s7], $0x5FFFF  }
0xac: {  	[dreg:$0x1] =	wrdreg $0xFFFFFFFF  }
0xad: {  	[dreg:$0x0] =	wrdreg $0x60  }
0xae: {  	[dreg:$0x2] =	wrdreg s2  }
0xaf: {  	[dreg:$0x3] =	wrdreg s24  }
0xb0: {  	[dreg:$0x4] =	wrdreg $0x0  }
0xb1: {  	[dreg:$0x5] =	wrdreg $0x140000  }
0xb2: {  	[dreg:$0x6] =	wrdreg $0x9  }
0xb3: {  	_ =	task.clear_ibuf [dreg:s7], $0x7FFFF;
	_ =	strace $0x90000046  }
0xb4: {  	s29 =	simm.s32 $0x9;
	_ =	strace $0x80000048  }
0xb5: {  	_ =	swait.ge [sflag:s29], $0x1  }
0xb6: {  	[sflag:s29] =	ssyncadd.s32 $0xFFFFFFFF  }
0xb7: {  	_ =	strace $0x90000048  }
0xb8: {  	_ =	sfence  }
0xb9: {  	s30 =	sld [smem:$0x0];
	_ =	sdelay $0x2  }
0xba: {  	s31 =	sshll.u32 s1, $0xD;
	s1 =	sshrl.u32 s1, $0x2  }
0xbb: {  	s3 =	sand.u32 $0x4000, s31;
	s1 =	sadd.s32 s1, s30  }
0xbc: {  	s0 =	sor.u32 s3, s0;
	s1 =	sshll.u32 s1, $0x11  }
0xbd: {  	s0 =	sor.u32 s1, s0  }
0xbe: {  	s0 =	sadd.s32 $0x8F2B, s0  }
0xbf: {  	[sflag:s0] =	ssyncadd.remote.s32 $0x1  }
0xc0: {  	_ =	sfence.sel $0xFFFF  }
0xc1: {  	[dreg:$0x0] =	wrdreg $0xFFFFFFFF;
	(pc) =	sbr.abs _section_cstart, $3  }
0xc2: {  	[dreg:$0x1] =	wrdreg $0xFFFFFFFF  }
0xc3: {  	_ =	task.clear_ibuf [dreg:s7], $0x2FFFF;
	_ =	strace $0x9FFFFFFF  }
0xc4: {  	(tm) =	ssettm $0x7FFFFFFF  }
0xc5: {  	_ =	shalt  }
tec
execute0_lowered:
.L_overlay_start_1:
0x0: {  	(tag) =	ssettag $0x1  }
0x1: {  	s0 =	rddreg [dreg:$0x0]  }
0x2: {  	s1 =	rddreg [dreg:$0x1]  }
0x3: {  	s2 =	srdreg.scid;
	s3 =	rddreg [dreg:$0x2]  }
0x4: {  	s4 =	rddreg [dreg:$0x3];
	s13 =	stileid.u32;
	s7 =	simm.s32 $0x0  }
0x5: {  	s28 =	simm.s32 $0x19300;
	s29 =	simm.s32 $0x1D300;
	s17 =	smul.u32 $0x50000, s13  }
0x6: {  	s30 =	simm.s32 $0x19180;
	s31 =	simm.s32 $0x19200;
	s10 =	smul.u32 $0x280, s13  }
0x7: {  	s2 =	sand.u32 $0x1, s2;
	[smem:$0x7FF] =	sst s7;
	s25 =	smul.u32 $0x2800, s13  }
0x8: {  	s15 =	sadd.s32 $0x22400, s1;
	s8 =	sadd.s32 $0x22A00, s1;
	s26 =	smul.u32 $0xA0, s13  }
0x9: {  	s5 =	sshll.u32 s2, $0x4;
	_ =	strace $0x80000047;
	[dreg:$0x5] =	wrdreg s15  }
0xa: {  	s16 =	smul.u32 $0x28000, s2;
	[dreg:$0x6] =	wrdreg s8;
	s2 =	ssub.s32 $0x2, s2  }
0xb: {  	s6 =	sor.u32 s13, s5;
	s18 =	sshrl.u32 s2, $0x1;
	s8 =	sshrl.u32 s17, $0x2  }
0xc: {  	s19 =	sadd.s32 $0x80, s10;
	s9 =	sadd.s32 s10, s4;
	s12 =	sadd.s32 $0x100, s10  }
0xd: {  	s21 =	sadd.s32 $0x180, s10;
	s10 =	sadd.s32 $0x200, s10;
	s6 =	smul.u32 $0x580, s6  }
0xe: {  	s7 =	sadd.s32 s16, s1;
	s2 =	ssub.s32 s2, s18;
	s8 =	sadd.s32 s8, s3  }
0xf: {  	s11 =	sshll.u32 s19, $0x7;
	s20 =	sshll.u32 s12, $0x7;
	s22 =	sadd.s32 s12, s4  }
0x10: {  	s23 =	sshll.u32 s21, $0x7;
	s24 =	sshll.u32 s10, $0x7;
	s15 =	sadd.s32 s21, s4  }
0x11: {  	s17 =	sadd.s32 s10, s4;
	s11 =	sadd.s32 s11, s3;
	[dreg:$0xa] =	wrdreg s22  }
0x12: {  	s14 =	sadd.s32 s23, s3;
	s16 =	sadd.s32 s24, s3;
	s7 =	sadd.s32 $0x23A00, s7  }
0x13: {  	s21 =	smax.u32 s2, $0x1;
	s23 =	simm.s32 $0x14280;
	s2 =	simm.s32 $0x80  }
0x14: {  	s6 =	sadd.s32 s6, s1;
	s1 =	sadd.s32 s5, s1;
	[dreg:$0x7] =	wrdreg s11  }
0x15: {  	s5 =	sadd.s32 s19, s4;
	s22 =	sadd.s32 s25, s7;
	s25 =	simm.s32 $0x2  }
0x16: {  	[dreg:$0x8] =	wrdreg s5;
	s5 =	sadd.s32 s20, s3;
	s18 =	sadd.s32 $0xC400, s6  }
0x17: {  	s19 =	sadd.s32 $0x1400, s6;
	s20 =	sadd.s32 $0x17400, s6;
	s1 =	sadd.s32 $0x23000, s1  }
0x18: {  	s6 =	simm.s32 $0x0;
	[dreg:$0x9] =	wrdreg s5;
	s24 =	sadd.s32 s26, s1  }
0x19: {  	v0 =	vimm.f32 $0.0e+00;
	s26 =	simm.s32 $0x16A00;
	s1 =	simm.s32 $0x19280;
	s5 =	simm.s32 $0x1  }
.LBB2_1:
0x1a: {  	s7 =	simm.s32 $0x0;
	s10 =	rddreg [dreg:$0x5]  }
0x1b: {  	[tilespmem:s23], [sflag:$0x2] =	stream.linear.gather [hbm4b:s10+s7], $0x2780, $0x38;
	[tilespmem:$0x1D380] =	vst v63  }
0x1c: {  	_ =	swait.ge [sflag:s25], $0x2780  }
0x1d: {  	[sflag:s25] =	ssyncset.done $0x0  }
0x1e: {  	s13 =	rddreg [dreg:$0x6];
	[sflag:s25] =	ssyncadd.s32 $0xFFFFD880  }
0x1f: {  	[tilespmem:s26], [sflag:$0x2] =	stream.linear.gather [hbm4b:s13+s7], $0x2780, $0x38;
	[tilespmem:$0x1D380] =	vst v63  }
0x20: {  	_ =	swait.ge [sflag:s25], $0x2780  }
0x21: {  	[sflag:s25] =	ssyncset.done $0x0  }
0x22: {  	s10 =	simm.s32 $0x200;
	s7 =	simm.s32 $0x0;
	[sflag:s25] =	ssyncadd.s32 $0xFFFFD880  }
.LBB2_2:
0x23: {  	p0 =	sne.s32 s10, $0xFE00;
	[tilespmem:s7+$0x19370] =	vst v0  }
0x24: {  	[tilespmem:s7+$0x19300] =	vst v0  }
0x25: {  	[tilespmem:s7+$0x19310] =	vst v0  }
.Ltmp0:
0x26: {  	[tilespmem:s7+$0x19320] =	vst v0;
	(pc) =	sbr.rel @p0 .LBB2_2-.Ltmp0, $4  }
0x27: {  	[tilespmem:s7+$0x19330] =	vst v0  }
0x28: {  	[tilespmem:s7+$0x19340] =	vst v0  }
0x29: {  	[tilespmem:s7+$0x19350] =	vst v0  }
0x2a: {  	[tilespmem:s7+$0x19360] =	vst v0;
	s7 =	sshra.s32 s10, $0x2;
	s10 =	sadd.s32 $0x200, s10  }
0x2b: {  	[tilespmem:s7+$0x19370] =	vst v0  }
0x2c: {  	[tilespmem:s7+$0x19300] =	vst v0  }
0x2d: {  	[tilespmem:s7+$0x19310] =	vst v0  }
0x2e: {  	[tilespmem:s7+$0x19320] =	vst v0  }
0x2f: {  	[tilespmem:s7+$0x19330] =	vst v0  }
0x30: {  	[tilespmem:s7+$0x19340] =	vst v0  }
0x31: {  	[tilespmem:s7+$0x19350] =	vst v0  }
0x32: {  	[tilespmem:s7+$0x19360] =	vst v0  }
0x33: {  	[tilespmem:$0x1D300] =	vst v0  }
0x34: {  	[tilespmem:$0x1D310] =	vst v0  }
0x35: {  	[tilespmem:$0x1D320] =	vst v0  }
0x36: {  	[tilespmem:$0x1D330] =	vst v0  }
0x37: {  	[tilespmem:$0x1D340] =	vst v0  }
0x38: {  	[tilespmem:$0x1D350] =	vst v0  }
0x39: {  	[tilespmem:$0x1D360] =	vst v0  }
0x3a: {  	[tilespmem:$0x1D370] =	vst v0  }
0x3b: {  	[spmem:s8] =	stream.linear.scatter [tilespmem:s28], [sflag:$0x2], $0x4000, $0x38;
	[tilespmem:$0x1D380] =	vst v63  }
0x3c: {  	_ =	swait.ge [sflag:s25], $0x4000  }
0x3d: {  	[sflag:s25] =	ssyncset.done $0x0  }
0x3e: {  	[sflag:s25] =	ssyncadd.s32 $0xFFFFC000  }
0x3f: {  	[spmem:s9] =	stream.linear.scatter [tilespmem:s29], [sflag:$0x2], $0x80, $0x38;
	[tilespmem:$0x1D380] =	vst v63  }
0x40: {  	_ =	swait.ge [sflag:s25], $0x80  }
0x41: {  	[sflag:s25] =	ssyncset.done $0x0  }
0x42: {  	s10 =	rddreg [dreg:$0x7];
	[sflag:s25] =	ssyncadd.s32 $0xFFFFFF80  }
0x43: {  	[spmem:s10] =	stream.linear.scatter [tilespmem:s28], [sflag:$0x2], $0x4000, $0x38;
	[tilespmem:$0x1D380] =	vst v63  }
0x44: {  	_ =	swait.ge [sflag:s25], $0x4000  }
0x45: {  	[sflag:s25] =	ssyncset.done $0x0  }
0x46: {  	s11 =	rddreg [dreg:$0x8];
	[sflag:s25] =	ssyncadd.s32 $0xFFFFC000  }
0x47: {  	[spmem:s11] =	stream.linear.scatter [tilespmem:s29], [sflag:$0x2], $0x80, $0x38;
	[tilespmem:$0x1D380] =	vst v63  }
0x48: {  	_ =	swait.ge [sflag:s25], $0x80  }
0x49: {  	[sflag:s25] =	ssyncset.done $0x0  }
0x4a: {  	s12 =	rddreg [dreg:$0x9];
	[sflag:s25] =	ssyncadd.s32 $0xFFFFFF80  }
0x4b: {  	[spmem:s12] =	stream.linear.scatter [tilespmem:s28], [sflag:$0x2], $0x4000, $0x38;
	[tilespmem:$0x1D380] =	vst v63  }
0x4c: {  	_ =	swait.ge [sflag:s25], $0x4000  }
0x4d: {  	[sflag:s25] =	ssyncset.done $0x0  }
0x4e: {  	s13 =	rddreg [dreg:$0xa];
	[sflag:s25] =	ssyncadd.s32 $0xFFFFC000  }
0x4f: {  	[spmem:s13] =	stream.linear.scatter [tilespmem:s29], [sflag:$0x2], $0x80, $0x38;
	[tilespmem:$0x1D380] =	vst v63  }
0x50: {  	_ =	swait.ge [sflag:s25], $0x80  }
0x51: {  	[sflag:s25] =	ssyncset.done $0x0  }
0x52: {  	[sflag:s25] =	ssyncadd.s32 $0xFFFFFF80  }
0x53: {  	[spmem:s14] =	stream.linear.scatter [tilespmem:s28], [sflag:$0x2], $0x4000, $0x38;
	[tilespmem:$0x1D380] =	vst v63  }
0x54: {  	_ =	swait.ge [sflag:s25], $0x4000  }
0x55: {  	[sflag:s25] =	ssyncset.done $0x0  }
0x56: {  	[sflag:s25] =	ssyncadd.s32 $0xFFFFC000  }
0x57: {  	[spmem:s15] =	stream.linear.scatter [tilespmem:s29], [sflag:$0x2], $0x80, $0x38;
	[tilespmem:$0x1D380] =	vst v63  }
0x58: {  	_ =	swait.ge [sflag:s25], $0x80  }
0x59: {  	[sflag:s25] =	ssyncset.done $0x0  }
0x5a: {  	[sflag:s25] =	ssyncadd.s32 $0xFFFFFF80  }
0x5b: {  	[spmem:s16] =	stream.linear.scatter [tilespmem:s28], [sflag:$0x2], $0x4000, $0x38;
	[tilespmem:$0x1D380] =	vst v63  }
0x5c: {  	_ =	swait.ge [sflag:s25], $0x4000  }
0x5d: {  	[sflag:s25] =	ssyncset.done $0x0  }
0x5e: {  	[sflag:s25] =	ssyncadd.s32 $0xFFFFC000  }
0x5f: {  	[spmem:s17] =	stream.linear.scatter [tilespmem:s29], [sflag:$0x2], $0x80, $0x38;
	[tilespmem:$0x1D380] =	vst v63  }
0x60: {  	_ =	swait.ge [sflag:s25], $0x80  }
0x61: {  	[sflag:s25] =	ssyncset.done $0x0  }
0x62: {  	[sflag:s25] =	ssyncadd.s32 $0xFFFFFF80  }
0x63: {  	s7 =	simm.s32 $0x0;
	s10 =	simm.s32 $0x0;
	[bflag:$0x0] =	sbarrier.arrive $0xFFFF  }
.LBB2_4:
0x64: {  	s11 =	sshll.u32 s10, $0x4  }
0x65: {  	s12 =	sadd.s32 s11, s18  }
0x66: {  	[tilespmem:s30], [sflag:$0x2] =	stream.linear.gather [hbm4b:s12+s7], $0x80, $0x38;
	[tilespmem:$0x1D380] =	vst v63  }
0x67: {  	_ =	swait.ge [sflag:s25], $0x80  }
0x68: {  	[sflag:s25] =	ssyncset.done $0x0  }
0x69: {  	s13 =	sadd.s32 s11, s19;
	[sflag:s25] =	ssyncadd.s32 $0xFFFFFF80  }
0x6a: {  	[tilespmem:s31], [sflag:$0x2] =	stream.linear.gather [hbm4b:s13+s7], $0x80, $0x38;
	[tilespmem:$0x1D380] =	vst v63  }
0x6b: {  	_ =	swait.ge [sflag:s25], $0x80  }
0x6c: {  	[sflag:s25] =	ssyncset.done $0x0  }
0x6d: {  	s11 =	sadd.s32 s11, s20;
	[sflag:s25] =	ssyncadd.s32 $0xFFFFFF80  }
0x6e: {  	[tilespmem:s1], [sflag:$0x2] =	stream.linear.gather [hbm4b:s11+s7], $0x80, $0x38;
	[tilespmem:$0x1D380] =	vst v63  }
0x6f: {  	_ =	swait.ge [sflag:s25], $0x80  }
0x70: {  	[sflag:s25] =	ssyncset.done $0x0  }
0x71: {  	[sflag:s25] =	ssyncadd.s32 $0xFFFFFF80  }
0x72: {  	[tilespmem:s28], [sflag:$0x1] =	stream.indirect.gather [hbm4b:s0+s2], $0x80, s30, s2, $0xb8;
	[tilespmem:$0x1D380] =	vst v63  }
0x73: {  	v1 =	vld [tilespmem:$0x19200]  }
0x74: {  	v2 =	vld [tilespmem:$0x19180];
	_ =	sdelay $0x6  }
0x75: {  	v1 =	vld.idx.msk [tilespmem:v1+s23+$0x0], $0xffff  }
0x76: {  	v2 =	vld.idx.msk [tilespmem:v2+s26+$0x0], $0xffff;
	_ =	sdelay $0x4  }
0x77: {  	v1 =	vadd.f32 v2, v1;
	_ =	sdelay $0x1  }
0x78: {  	v2 =	vmul.f32 $2.000000030e-01, v1;
	_ =	sdelay $0x1  }
0x79: {  	v1 =	vmax.f32 v1, v2  }
0x7a: {  	v1 =	vmul.f32 $1.442695020e+00, v1;
	_ =	sdelay $0x1  }
0x7b: {  	(erf) = vpow2.f32 v1;
	_ =	sdelay $0x2  }
0x7c: {  	v1 =	vld [tilespmem:$0x19210]  }
0x7d: {  	v2 =	vld [tilespmem:$0x19190];
	_ =	sdelay $0x4  }
0x7e: {  	v3 =	vpop (erf)  }
0x7f: {  	[tilespmem:$0x1D300] =	vst v3  }
0x80: {  	v1 =	vld.idx.msk [tilespmem:v1+s23+$0x0], $0xffff  }
0x81: {  	v2 =	vld.idx.msk [tilespmem:v2+s26+$0x0], $0xffff;
	_ =	sdelay $0x4  }
0x82: {  	v1 =	vadd.f32 v2, v1;
	_ =	sdelay $0x1  }
0x83: {  	v2 =	vmul.f32 $2.000000030e-01, v1;
	_ =	sdelay $0x1  }
0x84: {  	v1 =	vmax.f32 v1, v2  }
0x85: {  	v1 =	vmul.f32 $1.442695020e+00, v1;
	_ =	sdelay $0x1  }
0x86: {  	(erf) = vpow2.f32 v1;
	_ =	sdelay $0x2  }
0x87: {  	v1 =	vld [tilespmem:$0x19220]  }
0x88: {  	v2 =	vld [tilespmem:$0x191A0];
	_ =	sdelay $0x4  }
0x89: {  	v3 =	vpop (erf)  }
0x8a: {  	[tilespmem:$0x1D310] =	vst v3  }
0x8b: {  	v1 =	vld.idx.msk [tilespmem:v1+s23+$0x0], $0xffff  }
0x8c: {  	v2 =	vld.idx.msk [tilespmem:v2+s26+$0x0], $0xffff;
	_ =	sdelay $0x4  }
0x8d: {  	v1 =	vadd.f32 v2, v1;
	_ =	sdelay $0x1  }
0x8e: {  	v2 =	vmul.f32 $2.000000030e-01, v1;
	_ =	sdelay $0x1  }
0x8f: {  	v1 =	vmax.f32 v1, v2  }
0x90: {  	v1 =	vmul.f32 $1.442695020e+00, v1;
	_ =	sdelay $0x1  }
0x91: {  	(erf) = vpow2.f32 v1;
	_ =	sdelay $0x2  }
0x92: {  	v1 =	vld [tilespmem:$0x19230]  }
0x93: {  	v2 =	vld [tilespmem:$0x191B0];
	_ =	sdelay $0x4  }
0x94: {  	v3 =	vpop (erf)  }
0x95: {  	[tilespmem:$0x1D320] =	vst v3  }
0x96: {  	v1 =	vld.idx.msk [tilespmem:v1+s23+$0x0], $0xffff  }
0x97: {  	v2 =	vld.idx.msk [tilespmem:v2+s26+$0x0], $0xffff;
	_ =	sdelay $0x4  }
0x98: {  	v1 =	vadd.f32 v2, v1;
	_ =	sdelay $0x1  }
0x99: {  	v2 =	vmul.f32 $2.000000030e-01, v1;
	_ =	sdelay $0x1  }
0x9a: {  	v1 =	vmax.f32 v1, v2  }
0x9b: {  	v1 =	vmul.f32 $1.442695020e+00, v1;
	_ =	sdelay $0x1  }
0x9c: {  	(erf) = vpow2.f32 v1;
	_ =	sdelay $0x2  }
0x9d: {  	v1 =	vld [tilespmem:$0x19240]  }
0x9e: {  	v2 =	vld [tilespmem:$0x191C0];
	_ =	sdelay $0x4  }
0x9f: {  	v3 =	vpop (erf)  }
0xa0: {  	[tilespmem:$0x1D330] =	vst v3  }
0xa1: {  	v1 =	vld.idx.msk [tilespmem:v1+s23+$0x0], $0xffff  }
0xa2: {  	v2 =	vld.idx.msk [tilespmem:v2+s26+$0x0], $0xffff;
	_ =	sdelay $0x4  }
0xa3: {  	v1 =	vadd.f32 v2, v1;
	_ =	sdelay $0x1  }
0xa4: {  	v2 =	vmul.f32 $2.000000030e-01, v1;
	_ =	sdelay $0x1  }
0xa5: {  	v1 =	vmax.f32 v1, v2  }
0xa6: {  	v1 =	vmul.f32 $1.442695020e+00, v1;
	_ =	sdelay $0x1  }
0xa7: {  	(erf) = vpow2.f32 v1;
	_ =	sdelay $0x2  }
0xa8: {  	v1 =	vld [tilespmem:$0x19250]  }
0xa9: {  	v2 =	vld [tilespmem:$0x191D0];
	_ =	sdelay $0x4  }
0xaa: {  	v3 =	vpop (erf)  }
0xab: {  	[tilespmem:$0x1D340] =	vst v3  }
0xac: {  	v1 =	vld.idx.msk [tilespmem:v1+s23+$0x0], $0xffff  }
0xad: {  	v2 =	vld.idx.msk [tilespmem:v2+s26+$0x0], $0xffff;
	_ =	sdelay $0x4  }
0xae: {  	v1 =	vadd.f32 v2, v1;
	_ =	sdelay $0x1  }
0xaf: {  	v2 =	vmul.f32 $2.000000030e-01, v1;
	_ =	sdelay $0x1  }
0xb0: {  	v1 =	vmax.f32 v1, v2  }
0xb1: {  	v1 =	vmul.f32 $1.442695020e+00, v1;
	_ =	sdelay $0x1  }
0xb2: {  	(erf) = vpow2.f32 v1;
	_ =	sdelay $0x2  }
0xb3: {  	v1 =	vld [tilespmem:$0x19260]  }
0xb4: {  	v2 =	vld [tilespmem:$0x191E0];
	_ =	sdelay $0x4  }
0xb5: {  	v3 =	vpop (erf)  }
0xb6: {  	[tilespmem:$0x1D350] =	vst v3  }
0xb7: {  	v1 =	vld.idx.msk [tilespmem:v1+s23+$0x0], $0xffff  }
0xb8: {  	v2 =	vld.idx.msk [tilespmem:v2+s26+$0x0], $0xffff;
	_ =	sdelay $0x4  }
0xb9: {  	v1 =	vadd.f32 v2, v1;
	_ =	sdelay $0x1  }
0xba: {  	v2 =	vmul.f32 $2.000000030e-01, v1;
	_ =	sdelay $0x1  }
0xbb: {  	v1 =	vmax.f32 v1, v2  }
0xbc: {  	v1 =	vmul.f32 $1.442695020e+00, v1;
	_ =	sdelay $0x1  }
0xbd: {  	(erf) = vpow2.f32 v1;
	_ =	sdelay $0x2  }
0xbe: {  	v1 =	vld [tilespmem:$0x19270]  }
0xbf: {  	v2 =	vld [tilespmem:$0x191F0];
	_ =	sdelay $0x4  }
0xc0: {  	v3 =	vpop (erf)  }
0xc1: {  	[tilespmem:$0x1D360] =	vst v3  }
0xc2: {  	v1 =	vld.idx.msk [tilespmem:v1+s23+$0x0], $0xffff  }
0xc3: {  	v2 =	vld.idx.msk [tilespmem:v2+s26+$0x0], $0xffff;
	_ =	sdelay $0x4  }
0xc4: {  	v1 =	vadd.f32 v2, v1;
	_ =	sdelay $0x1  }
0xc5: {  	v2 =	vmul.f32 $2.000000030e-01, v1;
	_ =	sdelay $0x1  }
0xc6: {  	v1 =	vmax.f32 v1, v2  }
0xc7: {  	v1 =	vmul.f32 $1.442695020e+00, v1;
	_ =	sdelay $0x1  }
0xc8: {  	(erf) = vpow2.f32 v1;
	_ =	sdelay $0x8  }
0xc9: {  	v1 =	vpop (erf)  }
0xca: {  	[tilespmem:$0x1D370] =	vst v1  }
0xcb: {  	_ =	swait.ge [sflag:s5], $0x4000  }
0xcc: {  	s12 =	simm.s32 $0x0;
	[sflag:s5] =	ssyncset.done $0x0  }
0xcd: {  	s11 =	sand.u32 $0x3FFFFFF0, s12;
	[sflag:s5] =	ssyncadd.s32 $0xFFFFC000  }
0xce: {  	s13 =	simm.s32 $0x0;
	v1 =	vld [tilespmem:s11+$0x1D300]  }
0xcf: {  	s11 =	sand.u32 $0x3FFFF800, s13  }
0xd0: {  	v3 =	vld [tilespmem:s11+$0x19320]  }
0xd1: {  	v4 =	vld [tilespmem:s11+$0x19330]  }
0xd2: {  	v10 =	vld [tilespmem:s11+$0x19360]  }
0xd3: {  	v11 =	vld [tilespmem:s11+$0x19370];
	v2 =	vbroadcast v1, $0x0  }
0xd4: {  	v12 =	vld [tilespmem:s11+$0x19380]  }
0xd5: {  	v13 =	vld [tilespmem:s11+$0x19390];
	v3 =	vmul.f32 v3, v2  }
0xd6: {  	v14 =	vld [tilespmem:s11+$0x193A0];
	v4 =	vmul.f32 v4, v2  }
0xd7: {  	v9 =	vld [tilespmem:s11+$0x193B0];
	v23 =	vbroadcast v1, $0x1;
	v22 =	vmul.f32 v10, v2;
	[tilespmem:s11+$0x19320] =	vst v3  }
0xd8: {  	v7 =	vld [tilespmem:s11+$0x193C0];
	v11 =	vmul.f32 v11, v2;
	[tilespmem:s11+$0x19330] =	vst v4  }
0xd9: {  	v8 =	vld [tilespmem:s11+$0x193D0];
	v12 =	vmul.f32 v12, v23;
	[tilespmem:s11+$0x19360] =	vst v22  }
0xda: {  	v25 =	vld [tilespmem:s11+$0x193F0];
	v13 =	vmul.f32 v13, v23;
	[tilespmem:s11+$0x19370] =	vst v11  }
0xdb: {  	v26 =	vld [tilespmem:s11+$0x19400];
	v14 =	vmul.f32 v14, v23;
	[tilespmem:s11+$0x19380] =	vst v12  }
0xdc: {  	v27 =	vld [tilespmem:s11+$0x19410];
	v9 =	vmul.f32 v9, v23;
	[tilespmem:s11+$0x19390] =	vst v13  }
0xdd: {  	v6 =	vld [tilespmem:s11+$0x19870];
	v7 =	vmul.f32 v7, v23;
	[tilespmem:s11+$0x193A0] =	vst v14  }
0xde: {  	v24 =	vld [tilespmem:s11+$0x193E0];
	v15 =	vbroadcast v1, $0x2;
	v8 =	vmul.f32 v8, v23;
	[tilespmem:s11+$0x193B0] =	vst v9  }
0xdf: {  	v28 =	vld [tilespmem:s11+$0x19420];
	v10 =	vmul.f32 v25, v23;
	[tilespmem:s11+$0x193C0] =	vst v7  }
0xe0: {  	v29 =	vld [tilespmem:s11+$0x19430];
	v5 =	vbroadcast v1, $0xA;
	v32 =	vmul.f32 v26, v15;
	[tilespmem:s11+$0x193D0] =	vst v8  }
0xe1: {  	v30 =	vld [tilespmem:s11+$0x19440];
	v34 =	vmul.f32 v27, v15;
	[tilespmem:s11+$0x193F0] =	vst v10  }
0xe2: {  	v33 =	vld [tilespmem:s11+$0x19460];
	v3 =	vmul.f32 v6, v5;
	[tilespmem:s11+$0x19400] =	vst v32  }
0xe3: {  	v35 =	vld [tilespmem:s11+$0x19470];
	v11 =	vmul.f32 v24, v23;
	[tilespmem:s11+$0x19410] =	vst v34  }
0xe4: {  	v36 =	vld [tilespmem:s11+$0x19480];
	v9 =	vmul.f32 v28, v15;
	[tilespmem:s11+$0x19870] =	vst v3  }
0xe5: {  	v31 =	vld [tilespmem:s11+$0x19450];
	v7 =	vmul.f32 v29, v15;
	[tilespmem:s11+$0x193E0] =	vst v11  }
0xe6: {  	v37 =	vld [tilespmem:s11+$0x19490];
	v8 =	vmul.f32 v30, v15;
	[tilespmem:s11+$0x19420] =	vst v9  }
0xe7: {  	v38 =	vld [tilespmem:s11+$0x194A0];
	v41 =	vbroadcast v1, $0x3;
	v10 =	vmul.f32 v33, v15;
	[tilespmem:s11+$0x19430] =	vst v7  }
0xe8: {  	v39 =	vld [tilespmem:s11+$0x194B0];
	v12 =	vmul.f32 v35, v15;
	[tilespmem:s11+$0x19440] =	vst v8  }
0xe9: {  	v42 =	vld [tilespmem:s11+$0x194D0];
	v13 =	vmul.f32 v36, v41;
	[tilespmem:s11+$0x19460] =	vst v10  }
0xea: {  	v43 =	vld [tilespmem:s11+$0x194E0];
	v11 =	vmul.f32 v31, v15;
	[tilespmem:s11+$0x19470] =	vst v12  }
0xeb: {  	v44 =	vld [tilespmem:s11+$0x194F0];
	v9 =	vmul.f32 v37, v41;
	[tilespmem:s11+$0x19480] =	vst v13  }
0xec: {  	v40 =	vld [tilespmem:s11+$0x194C0];
	v7 =	vmul.f32 v38, v41;
	[tilespmem:s11+$0x19450] =	vst v11  }
0xed: {  	v45 =	vld [tilespmem:s11+$0x19500];
	v8 =	vmul.f32 v39, v41;
	[tilespmem:s11+$0x19490] =	vst v9  }
0xee: {  	v46 =	vld [tilespmem:s11+$0x19510];
	v10 =	vmul.f32 v42, v41;
	[tilespmem:s11+$0x194A0] =	vst v7  }
0xef: {  	v47 =	vld [tilespmem:s11+$0x19520];
	v12 =	vmul.f32 v43, v41;
	[tilespmem:s11+$0x194B0] =	vst v8  }
0xf0: {  	v49 =	vld [tilespmem:s11+$0x19540];
	v50 =	vbroadcast v1, $0x4;
	v13 =	vmul.f32 v44, v41;
	[tilespmem:s11+$0x194D0] =	vst v10  }
0xf1: {  	v51 =	vld [tilespmem:s11+$0x19550];
	v11 =	vmul.f32 v40, v41;
	[tilespmem:s11+$0x194E0] =	vst v12  }
0xf2: {  	v52 =	vld [tilespmem:s11+$0x19560];
	v9 =	vmul.f32 v45, v50;
	[tilespmem:s11+$0x194F0] =	vst v13  }
0xf3: {  	v48 =	vld [tilespmem:s11+$0x19530];
	v7 =	vmul.f32 v46, v50;
	[tilespmem:s11+$0x194C0] =	vst v11  }
0xf4: {  	v53 =	vld [tilespmem:s11+$0x19570];
	v8 =	vmul.f32 v47, v50;
	[tilespmem:s11+$0x19500] =	vst v9  }
0xf5: {  	v54 =	vld [tilespmem:s11+$0x19580];
	v10 =	vmul.f32 v49, v50;
	[tilespmem:s11+$0x19510] =	vst v7  }
0xf6: {  	v55 =	vld [tilespmem:s11+$0x19590];
	v12 =	vmul.f32 v51, v50;
	[tilespmem:s11+$0x19520] =	vst v8  }
0xf7: {  	v57 =	vld [tilespmem:s11+$0x195B0];
	v13 =	vmul.f32 v52, v50;
	[tilespmem:s11+$0x19540] =	vst v10  }
0xf8: {  	v58 =	vld [tilespmem:s11+$0x195C0];
	v59 =	vbroadcast v1, $0x5;
	v11 =	vmul.f32 v48, v50;
	[tilespmem:s11+$0x19550] =	vst v12  }
0xf9: {  	v60 =	vld [tilespmem:s11+$0x195D0];
	v9 =	vmul.f32 v53, v50;
	[tilespmem:s11+$0x19560] =	vst v13  }
0xfa: {  	v56 =	vld [tilespmem:s11+$0x195A0];
	v7 =	vmul.f32 v54, v59;
	[tilespmem:s11+$0x19530] =	vst v11  }
0xfb: {  	v61 =	vld [tilespmem:s11+$0x195E0];
	v8 =	vmul.f32 v55, v59;
	[tilespmem:s11+$0x19570] =	vst v9  }
0xfc: {  	v62 =	vld [tilespmem:s11+$0x195F0];
	v10 =	vmul.f32 v57, v59;
	[tilespmem:s11+$0x19580] =	vst v7  }
0xfd: {  	v63 =	vld [tilespmem:s11+$0x19600];
	v12 =	vmul.f32 v58, v59;
	[tilespmem:s11+$0x19590] =	vst v8  }
0xfe: {  	v19 =	vld [tilespmem:s11+$0x19620];
	v13 =	vmul.f32 v60, v59;
	[tilespmem:s11+$0x195B0] =	vst v10  }
0xff: {  	v20 =	vld [tilespmem:s11+$0x19630];
	v11 =	vmul.f32 v56, v59;
	[tilespmem:s11+$0x195C0] =	vst v12  }
0x100: {  	v21 =	vld [tilespmem:s11+$0x19640];
	v22 =	vbroadcast v1, $0x6;
	v9 =	vmul.f32 v61, v59;
	[tilespmem:s11+$0x195D0] =	vst v13  }
0x101: {  	v18 =	vld [tilespmem:s11+$0x19610];
	v7 =	vmul.f32 v62, v59;
	[tilespmem:s11+$0x195A0] =	vst v11  }
0x102: {  	v23 =	vld [tilespmem:s11+$0x19650];
	v8 =	vmul.f32 v63, v22;
	[tilespmem:s11+$0x195E0] =	vst v9  }
0x103: {  	v24 =	vld [tilespmem:s11+$0x19660];
	v10 =	vmul.f32 v19, v22;
	[tilespmem:s11+$0x195F0] =	vst v7  }
0x104: {  	v25 =	vld [tilespmem:s11+$0x19670];
	v12 =	vmul.f32 v20, v22;
	[tilespmem:s11+$0x19600] =	vst v8  }
0x105: {  	v27 =	vld [tilespmem:s11+$0x19690];
	v13 =	vmul.f32 v21, v22;
	[tilespmem:s11+$0x19620] =	vst v10  }
0x106: {  	v28 =	vld [tilespmem:s11+$0x196A0];
	v11 =	vmul.f32 v18, v22;
	[tilespmem:s11+$0x19630] =	vst v12  }
0x107: {  	v29 =	vld [tilespmem:s11+$0x196B0];
	v9 =	vmul.f32 v23, v22;
	[tilespmem:s11+$0x19640] =	vst v13  }
0x108: {  	v31 =	vbroadcast v1, $0x7;
	v53 =	vld [tilespmem:s11+$0x19800];
	v7 =	vmul.f32 v24, v22;
	[tilespmem:s11+$0x19610] =	vst v11  }
0x109: {  	v57 =	vld [tilespmem:s11+$0x19840];
	v8 =	vmul.f32 v25, v22;
	[tilespmem:s11+$0x19650] =	vst v9  }
0x10a: {  	v58 =	vld [tilespmem:s11+$0x19850];
	v10 =	vmul.f32 v27, v31;
	[tilespmem:s11+$0x19660] =	vst v7  }
0x10b: {  	v26 =	vld [tilespmem:s11+$0x19680];
	v12 =	vmul.f32 v28, v31;
	[tilespmem:s11+$0x19670] =	vst v8  }
0x10c: {  	v30 =	vld [tilespmem:s11+$0x196C0];
	v13 =	vmul.f32 v29, v31;
	[tilespmem:s11+$0x19690] =	vst v10  }
0x10d: {  	v32 =	vld [tilespmem:s11+$0x196D0];
	v59 =	vmul.f32 v53, v5;
	[tilespmem:s11+$0x196A0] =	vst v12  }
0x10e: {  	v33 =	vld [tilespmem:s11+$0x196E0];
	v18 =	vmul.f32 v57, v5;
	[tilespmem:s11+$0x196B0] =	vst v13  }
0x10f: {  	v35 =	vld [tilespmem:s11+$0x19700];
	v20 =	vmul.f32 v58, v5;
	[tilespmem:s11+$0x19800] =	vst v59  }
0x110: {  	v36 =	vld [tilespmem:s11+$0x19710];
	v11 =	vmul.f32 v26, v31;
	[tilespmem:s11+$0x19840] =	vst v18  }
0x111: {  	v37 =	vld [tilespmem:s11+$0x19720];
	v9 =	vmul.f32 v30, v31;
	[tilespmem:s11+$0x19850] =	vst v20  }
0x112: {  	v4 =	vld [tilespmem:s11+$0x19880];
	v40 =	vbroadcast v1, $0x8;
	v7 =	vmul.f32 v32, v31;
	[tilespmem:s11+$0x19680] =	vst v11  }
0x113: {  	v6 =	vld [tilespmem:s11+$0x19890];
	v8 =	vmul.f32 v33, v31;
	[tilespmem:s11+$0x196C0] =	vst v9  }
0x114: {  	v3 =	vld [tilespmem:s11+$0x19AD0];
	v10 =	vmul.f32 v35, v40;
	[tilespmem:s11+$0x196D0] =	vst v7  }
0x115: {  	v61 =	vld [tilespmem:s11+$0x19300];
	v23 =	vbroadcast v1, $0xB;
	v12 =	vmul.f32 v36, v40;
	[tilespmem:s11+$0x196E0] =	vst v8  }
0x116: {  	v34 =	vld [tilespmem:s11+$0x196F0];
	v13 =	vmul.f32 v37, v40;
	[tilespmem:s11+$0x19700] =	vst v10  }
0x117: {  	v38 =	vld [tilespmem:s11+$0x19730];
	v27 =	vbroadcast v1, $0xF;
	v4 =	vmul.f32 v4, v23;
	[tilespmem:s11+$0x19710] =	vst v12  }
0x118: {  	v39 =	vld [tilespmem:s11+$0x19740];
	v6 =	vmul.f32 v6, v23;
	[tilespmem:s11+$0x19720] =	vst v13  }
0x119: {  	v41 =	vld [tilespmem:s11+$0x19750];
	v3 =	vmul.f32 v3, v27;
	[tilespmem:s11+$0x19880] =	vst v4  }
0x11a: {  	v43 =	vld [tilespmem:s11+$0x19770];
	v24 =	vmul.f32 v2, v61;
	[tilespmem:s11+$0x19890] =	vst v6  }
0x11b: {  	v44 =	vld [tilespmem:s11+$0x19780];
	v11 =	vmul.f32 v34, v31;
	[tilespmem:s11+$0x19AD0] =	vst v3  }
0x11c: {  	v45 =	vld [tilespmem:s11+$0x19790];
	v9 =	vmul.f32 v38, v40;
	[tilespmem:s11+$0x19300] =	vst v24  }
0x11d: {  	v63 =	vld [tilespmem:s11+$0x19340];
	v7 =	vmul.f32 v39, v40;
	[tilespmem:s11+$0x196F0] =	vst v11  }
0x11e: {  	v49 =	vbroadcast v1, $0x9;
	v29 =	vld [tilespmem:s11+$0x198F0];
	v8 =	vmul.f32 v41, v40;
	[tilespmem:s11+$0x19730] =	vst v9  }
0x11f: {  	v42 =	vld [tilespmem:s11+$0x19760];
	v10 =	vmul.f32 v43, v40;
	[tilespmem:s11+$0x19740] =	vst v7  }
0x120: {  	v46 =	vld [tilespmem:s11+$0x197A0];
	v12 =	vmul.f32 v44, v49;
	[tilespmem:s11+$0x19750] =	vst v8  }
0x121: {  	v47 =	vld [tilespmem:s11+$0x197B0];
	v13 =	vmul.f32 v45, v49;
	[tilespmem:s11+$0x19770] =	vst v10  }
0x122: {  	v48 =	vld [tilespmem:s11+$0x197C0];
	v3 =	vmul.f32 v63, v2;
	[tilespmem:s11+$0x19780] =	vst v12  }
0x123: {  	v51 =	vld [tilespmem:s11+$0x197E0];
	v6 =	vmul.f32 v29, v23;
	[tilespmem:s11+$0x19790] =	vst v13  }
0x124: {  	v52 =	vld [tilespmem:s11+$0x197F0];
	v11 =	vmul.f32 v42, v40;
	[tilespmem:s11+$0x19340] =	vst v3  }
0x125: {  	v28 =	vld [tilespmem:s11+$0x198E0];
	v9 =	vmul.f32 v46, v49;
	[tilespmem:s11+$0x198F0] =	vst v6  }
0x126: {  	v26 =	vld [tilespmem:s11+$0x198D0];
	v7 =	vmul.f32 v47, v49;
	[tilespmem:s11+$0x19760] =	vst v11  }
0x127: {  	v30 =	vld [tilespmem:s11+$0x19900];
	v8 =	vmul.f32 v48, v49;
	[tilespmem:s11+$0x197A0] =	vst v9  }
0x128: {  	v50 =	vld [tilespmem:s11+$0x197D0];
	v10 =	vmul.f32 v51, v49;
	[tilespmem:s11+$0x197B0] =	vst v7  }
0x129: {  	v54 =	vld [tilespmem:s11+$0x19810];
	v12 =	vmul.f32 v52, v49;
	[tilespmem:s11+$0x197C0] =	vst v8  }
0x12a: {  	v55 =	vld [tilespmem:s11+$0x19820];
	v35 =	vbroadcast v1, $0xC;
	v40 =	vmul.f32 v28, v23;
	[tilespmem:s11+$0x197E0] =	vst v10  }
0x12b: {  	v56 =	vld [tilespmem:s11+$0x19830];
	v32 =	vmul.f32 v26, v23;
	[tilespmem:s11+$0x197F0] =	vst v12  }
0x12c: {  	v60 =	vld [tilespmem:s11+$0x19860];
	v15 =	vmul.f32 v30, v35;
	[tilespmem:s11+$0x198E0] =	vst v40  }
0x12d: {  	v62 =	vld [tilespmem:s11+$0x19310];
	v11 =	vmul.f32 v50, v49;
	[tilespmem:s11+$0x198D0] =	vst v32  }
0x12e: {  	v19 =	vld [tilespmem:s11+$0x19350];
	v9 =	vmul.f32 v54, v5;
	[tilespmem:s11+$0x19900] =	vst v15  }
0x12f: {  	v33 =	vld [tilespmem:s11+$0x19930];
	v7 =	vmul.f32 v55, v5;
	[tilespmem:s11+$0x197D0] =	vst v11  }
0x130: {  	v61 =	vld [tilespmem:s11+$0x19AF0];
	v8 =	vmul.f32 v56, v5;
	[tilespmem:s11+$0x19810] =	vst v9  }
0x131: {  	v38 =	vld [tilespmem:s11+$0x19970];
	v5 =	vmul.f32 v60, v5;
	[tilespmem:s11+$0x19820] =	vst v7  }
0x132: {  	v21 =	vld [tilespmem:s11+$0x198A0];
	v12 =	vmul.f32 v62, v2;
	[tilespmem:s11+$0x19830] =	vst v8  }
0x133: {  	v22 =	vld [tilespmem:s11+$0x198B0];
	v2 =	vmul.f32 v19, v2;
	[tilespmem:s11+$0x19860] =	vst v5  }
0x134: {  	v25 =	vld [tilespmem:s11+$0x198C0];
	v62 =	vmul.f32 v33, v35;
	[tilespmem:s11+$0x19310] =	vst v12  }
0x135: {  	v31 =	vld [tilespmem:s11+$0x19910];
	v63 =	vmul.f32 v61, v27;
	[tilespmem:s11+$0x19350] =	vst v2  }
0x136: {  	v34 =	vld [tilespmem:s11+$0x19940];
	v15 =	vmul.f32 v38, v35;
	[tilespmem:s11+$0x19930] =	vst v62  }
0x137: {  	v41 =	vld [tilespmem:s11+$0x199A0];
	v7 =	vmul.f32 v21, v23;
	[tilespmem:s11+$0x19AF0] =	vst v63  }
0x138: {  	v46 =	vld [tilespmem:s11+$0x199E0];
	v8 =	vmul.f32 v22, v23;
	[tilespmem:s11+$0x19970] =	vst v15  }
0x139: {  	v36 =	vld [tilespmem:s11+$0x19950];
	v5 =	vmul.f32 v25, v23;
	[tilespmem:s11+$0x198A0] =	vst v7  }
0x13a: {  	v44 =	vbroadcast v1, $0xD;
	v9 =	vmul.f32 v31, v35;
	v2 =	vld [tilespmem:s11+$0x19990];
	[tilespmem:s11+$0x198B0] =	vst v8  }
0x13b: {  	v37 =	vld [tilespmem:s11+$0x19960];
	v12 =	vmul.f32 v34, v35;
	[tilespmem:s11+$0x198C0] =	vst v5  }
0x13c: {  	v39 =	vld [tilespmem:s11+$0x19980];
	v11 =	vmul.f32 v41, v44;
	[tilespmem:s11+$0x19910] =	vst v9  }
0x13d: {  	v42 =	vld [tilespmem:s11+$0x199B0];
	v51 =	vmul.f32 v46, v44;
	[tilespmem:s11+$0x19940] =	vst v12  }
0x13e: {  	v48 =	vld [tilespmem:s11+$0x19A10];
	v8 =	vmul.f32 v36, v35;
	[tilespmem:s11+$0x199A0] =	vst v11  }
0x13f: {  	v49 =	vld [tilespmem:s11+$0x19A20];
	[tilespmem:s11+$0x199E0] =	vst v51;
	v2 =	vmul.f32 v2, v44  }
0x140: {  	v50 =	vld [tilespmem:s11+$0x19A30];
	v5 =	vmul.f32 v37, v35;
	[tilespmem:s11+$0x19950] =	vst v8  }
0x141: {  	v1 =	vbroadcast v1, $0xE;
	v9 =	vmul.f32 v39, v44;
	[tilespmem:s11+$0x19990] =	vst v2;
	v2 =	vld [tilespmem:s11+$0x19A00]  }
0x142: {  	v60 =	vld [tilespmem:s11+$0x19AE0];
	v12 =	vmul.f32 v42, v44;
	[tilespmem:s11+$0x19960] =	vst v5  }
0x143: {  	v45 =	vld [tilespmem:s11+$0x199D0];
	v11 =	vmul.f32 v48, v1;
	[tilespmem:s11+$0x19980] =	vst v9  }
0x144: {  	v47 =	vld [tilespmem:s11+$0x199F0];
	v10 =	vmul.f32 v49, v1;
	[tilespmem:s11+$0x199B0] =	vst v12  }
0x145: {  	v43 =	vld [tilespmem:s11+$0x199C0];
	v6 =	vmul.f32 v50, v1;
	[tilespmem:s11+$0x19A10] =	vst v11  }
0x146: {  	v55 =	vld [tilespmem:s11+$0x19A80];
	[tilespmem:s11+$0x19A20] =	vst v10;
	v2 =	vmul.f32 v2, v1  }
0x147: {  	v57 =	vld [tilespmem:s11+$0x19AA0];
	v4 =	vmul.f32 v60, v27;
	[tilespmem:s11+$0x19A30] =	vst v6  }
0x148: {  	v5 =	vmul.f32 v45, v44;
	[tilespmem:s11+$0x19A00] =	vst v2;
	v2 =	vld [tilespmem:s11+$0x19A70]  }
0x149: {  	v52 =	vld [tilespmem:s11+$0x19A40];
	v9 =	vmul.f32 v47, v44;
	[tilespmem:s11+$0x19AE0] =	vst v4  }
0x14a: {  	v56 =	vld [tilespmem:s11+$0x19A90];
	v8 =	vmul.f32 v43, v44;
	[tilespmem:s11+$0x199D0] =	vst v5  }
0x14b: {  	v54 =	vld [tilespmem:s11+$0x19A60];
	v11 =	vmul.f32 v55, v27;
	[tilespmem:s11+$0x199F0] =	vst v9  }
0x14c: {  	v58 =	vld [tilespmem:s11+$0x19AB0];
	v6 =	vmul.f32 v57, v27;
	[tilespmem:s11+$0x199C0] =	vst v8  }
0x14d: {  	v53 =	vld [tilespmem:s11+$0x19A50];
	[tilespmem:s11+$0x19A80] =	vst v11;
	v2 =	vmul.f32 v2, v1  }
0x14e: {  	v59 =	vld [tilespmem:s11+$0x19AC0];
	v5 =	vmul.f32 v52, v1;
	[tilespmem:s11+$0x19AA0] =	vst v6  }
0x14f: {  	[tilespmem:s11+$0x19A70] =	vst v2;
	v2 =	vmul.f32 v56, v27  }
0x150: {  	v3 =	vld [tilespmem:s11+$0x19920];
	v9 =	vmul.f32 v54, v1;
	[tilespmem:s11+$0x19A40] =	vst v5  }
0x151: {  	[tilespmem:s11+$0x19A90] =	vst v2;
	v2 =	vmul.f32 v58, v27  }
0x152: {  	[tilespmem:s11+$0x19A60] =	vst v9;
	v1 =	vmul.f32 v53, v1  }
0x153: {  	[tilespmem:s11+$0x19AB0] =	vst v2;
	v2 =	vmul.f32 v59, v27  }
0x154: {  	[tilespmem:s11+$0x19A50] =	vst v1  }
0x155: {  	s12 =	simm.s32 $0x1;
	[tilespmem:s11+$0x19AC0] =	vst v2;
	v2 =	vmul.f32 v3, v35  }
.LBB2_5:
0x156: {  	s13 =	sshll.u32 s12, $0x4  }
0x157: {  	p0 =	sne.s32 s12, $0x7;
	[tilespmem:s11+$0x19920] =	vst v2;
	s11 =	smov.u32 s12;
	s12 =	sadd.s32 $0x1, s12  }
0x158: {  	s13 =	sand.u32 $0x3FFFFFF0, s13  }
0x159: {  	s11 =	sshll.u32 s11, $0xB;
	v1 =	vld [tilespmem:s13+$0x1D300]  }
0x15a: {  	s11 =	sand.u32 $0x3FFFF800, s11  }
0x15b: {  	v8 =	vld [tilespmem:s11+$0x193C0]  }
0x15c: {  	v9 =	vld [tilespmem:s11+$0x193D0]  }
0x15d: {  	v10 =	vld [tilespmem:s11+$0x193B0]  }
0x15e: {  	v2 =	vbroadcast v1, $0x0;
	v3 =	vld [tilespmem:s11+$0x19320];
	v7 =	vbroadcast v1, $0x4  }
0x15f: {  	v5 =	vld [tilespmem:s11+$0x19330]  }
0x160: {  	v6 =	vld [tilespmem:s11+$0x19870]  }
0x161: {  	v11 =	vld [tilespmem:s11+$0x19360]  }
0x162: {  	v12 =	vld [tilespmem:s11+$0x19370]  }
0x163: {  	v4 =	vbroadcast v1, $0xA;
	v3 =	vmul.f32 v3, v2;
	v13 =	vld [tilespmem:s11+$0x19380]  }
0x164: {  	v5 =	vmul.f32 v5, v2;
	v14 =	vld [tilespmem:s11+$0x19390]  }
0x165: {  	[tilespmem:s11+$0x19320] =	vst v3;
	v15 =	vld [tilespmem:s11+$0x193A0];
	v3 =	vmul.f32 v6, v4  }
0x166: {  	[tilespmem:s11+$0x19330] =	vst v5;
	v6 =	vmul.f32 v11, v2;
	v11 =	vbroadcast v1, $0x1;
	v5 =	vld [tilespmem:s11+$0x19880]  }
0x167: {  	v12 =	vmul.f32 v12, v2;
	[tilespmem:s11+$0x19870] =	vst v3;
	v3 =	vld [tilespmem:s11+$0x19AD0]  }
0x168: {  	[tilespmem:s11+$0x19360] =	vst v6;
	v13 =	vmul.f32 v13, v11;
	v6 =	vld [tilespmem:s11+$0x19890]  }
0x169: {  	[tilespmem:s11+$0x19370] =	vst v12;
	v12 =	vmul.f32 v14, v11;
	v14 =	vld [tilespmem:s11+$0x193E0]  }
0x16a: {  	[tilespmem:s11+$0x19380] =	vst v13;
	v13 =	vmul.f32 v15, v11;
	v15 =	vld [tilespmem:s11+$0x193F0]  }
0x16b: {  	v10 =	vmul.f32 v10, v11;
	[tilespmem:s11+$0x19390] =	vst v12;
	v12 =	vld [tilespmem:s11+$0x19400]  }
0x16c: {  	v8 =	vmul.f32 v8, v11;
	[tilespmem:s11+$0x193A0] =	vst v13;
	v13 =	vld [tilespmem:s11+$0x19410]  }
0x16d: {  	v9 =	vmul.f32 v9, v11;
	[tilespmem:s11+$0x193B0] =	vst v10;
	v10 =	vld [tilespmem:s11+$0x19420]  }
0x16e: {  	[tilespmem:s11+$0x193C0] =	vst v8;
	v8 =	vmul.f32 v14, v11;
	v14 =	vbroadcast v1, $0x2;
	v16 =	vld [tilespmem:s11+$0x19430]  }
0x16f: {  	[tilespmem:s11+$0x193D0] =	vst v9;
	v9 =	vmul.f32 v15, v11;
	v11 =	vld [tilespmem:s11+$0x19440]  }
0x170: {  	[tilespmem:s11+$0x193E0] =	vst v8;
	v8 =	vmul.f32 v12, v14;
	v12 =	vld [tilespmem:s11+$0x19450]  }
0x171: {  	[tilespmem:s11+$0x193F0] =	vst v9;
	v9 =	vmul.f32 v13, v14;
	v13 =	vld [tilespmem:s11+$0x19460]  }
0x172: {  	[tilespmem:s11+$0x19400] =	vst v8;
	v8 =	vmul.f32 v10, v14;
	v10 =	vld [tilespmem:s11+$0x19470]  }
0x173: {  	[tilespmem:s11+$0x19410] =	vst v9;
	v9 =	vmul.f32 v16, v14;
	v15 =	vld [tilespmem:s11+$0x19480]  }
0x174: {  	[tilespmem:s11+$0x19420] =	vst v8;
	v8 =	vmul.f32 v11, v14;
	v11 =	vld [tilespmem:s11+$0x19490]  }
0x175: {  	[tilespmem:s11+$0x19430] =	vst v9;
	v9 =	vmul.f32 v12, v14;
	v12 =	vld [tilespmem:s11+$0x194A0]  }
0x176: {  	[tilespmem:s11+$0x19440] =	vst v8;
	v8 =	vmul.f32 v13, v14;
	v13 =	vbroadcast v1, $0x3;
	v16 =	vld [tilespmem:s11+$0x194B0]  }
0x177: {  	[tilespmem:s11+$0x19450] =	vst v9;
	v9 =	vmul.f32 v10, v14;
	v10 =	vld [tilespmem:s11+$0x194C0]  }
0x178: {  	[tilespmem:s11+$0x19460] =	vst v8;
	v8 =	vmul.f32 v15, v13;
	v14 =	vld [tilespmem:s11+$0x194D0]  }
0x179: {  	[tilespmem:s11+$0x19470] =	vst v9;
	v9 =	vmul.f32 v11, v13;
	v11 =	vld [tilespmem:s11+$0x194E0]  }
0x17a: {  	[tilespmem:s11+$0x19480] =	vst v8;
	v8 =	vmul.f32 v12, v13;
	v12 =	vld [tilespmem:s11+$0x194F0]  }
0x17b: {  	[tilespmem:s11+$0x19490] =	vst v9;
	v9 =	vmul.f32 v16, v13;
	v15 =	vld [tilespmem:s11+$0x19500]  }
0x17c: {  	[tilespmem:s11+$0x194A0] =	vst v8;
	v8 =	vmul.f32 v10, v13;
	v10 =	vld [tilespmem:s11+$0x19510]  }
0x17d: {  	[tilespmem:s11+$0x194B0] =	vst v9;
	v9 =	vmul.f32 v14, v13;
	v14 =	vld [tilespmem:s11+$0x19520]  }
0x17e: {  	[tilespmem:s11+$0x194C0] =	vst v8;
	v8 =	vmul.f32 v11, v13;
	v11 =	vld [tilespmem:s11+$0x19530]  }
0x17f: {  	[tilespmem:s11+$0x194D0] =	vst v9;
	v9 =	vmul.f32 v12, v13;
	v12 =	vld [tilespmem:s11+$0x19540]  }
0x180: {  	[tilespmem:s11+$0x194E0] =	vst v8;
	v8 =	vmul.f32 v15, v7;
	v13 =	vld [tilespmem:s11+$0x19550]  }
0x181: {  	[tilespmem:s11+$0x194F0] =	vst v9;
	v9 =	vmul.f32 v10, v7;
	v10 =	vld [tilespmem:s11+$0x19560]  }
0x182: {  	[tilespmem:s11+$0x19500] =	vst v8;
	v8 =	vmul.f32 v14, v7;
	v14 =	vld [tilespmem:s11+$0x19570]  }
0x183: {  	[tilespmem:s11+$0x19510] =	vst v9;
	v9 =	vmul.f32 v11, v7;
	v11 =	vld [tilespmem:s11+$0x19580]  }
0x184: {  	[tilespmem:s11+$0x19520] =	vst v8;
	v8 =	vmul.f32 v12, v7;
	v12 =	vld [tilespmem:s11+$0x19590]  }
0x185: {  	[tilespmem:s11+$0x19530] =	vst v9;
	v9 =	vmul.f32 v13, v7;
	v13 =	vld [tilespmem:s11+$0x195A0]  }
0x186: {  	[tilespmem:s11+$0x19540] =	vst v8;
	v8 =	vmul.f32 v10, v7;
	v10 =	vbroadcast v1, $0x5;
	v15 =	vld [tilespmem:s11+$0x195B0]  }
0x187: {  	[tilespmem:s11+$0x19550] =	vst v9;
	v7 =	vmul.f32 v14, v7;
	v9 =	vld [tilespmem:s11+$0x195C0]  }
0x188: {  	[tilespmem:s11+$0x19560] =	vst v8;
	v8 =	vmul.f32 v11, v10;
	v11 =	vld [tilespmem:s11+$0x195D0]  }
0x189: {  	[tilespmem:s11+$0x19570] =	vst v7;
	v7 =	vmul.f32 v12, v10;
	v12 =	vld [tilespmem:s11+$0x195E0]  }
0x18a: {  	[tilespmem:s11+$0x19580] =	vst v8;
	v8 =	vmul.f32 v13, v10;
	v13 =	vld [tilespmem:s11+$0x195F0]  }
0x18b: {  	[tilespmem:s11+$0x19590] =	vst v7;
	v7 =	vmul.f32 v15, v10;
	v14 =	vld [tilespmem:s11+$0x19600]  }
0x18c: {  	[tilespmem:s11+$0x195A0] =	vst v8;
	v8 =	vmul.f32 v9, v10;
	v9 =	vld [tilespmem:s11+$0x19610]  }
0x18d: {  	[tilespmem:s11+$0x195B0] =	vst v7;
	v7 =	vmul.f32 v11, v10;
	v11 =	vld [tilespmem:s11+$0x19620]  }
0x18e: {  	[tilespmem:s11+$0x195C0] =	vst v8;
	v8 =	vmul.f32 v12, v10;
	v12 =	vbroadcast v1, $0x6;
	v15 =	vld [tilespmem:s11+$0x19630]  }
0x18f: {  	[tilespmem:s11+$0x195D0] =	vst v7;
	v7 =	vmul.f32 v13, v10;
	v10 =	vld [tilespmem:s11+$0x19640]  }
0x190: {  	[tilespmem:s11+$0x195E0] =	vst v8;
	v8 =	vmul.f32 v14, v12;
	v13 =	vld [tilespmem:s11+$0x19650]  }
0x191: {  	[tilespmem:s11+$0x195F0] =	vst v7;
	v7 =	vmul.f32 v9, v12;
	v9 =	vld [tilespmem:s11+$0x19660]  }
0x192: {  	[tilespmem:s11+$0x19600] =	vst v8;
	v8 =	vmul.f32 v11, v12;
	v11 =	vld [tilespmem:s11+$0x19670]  }
0x193: {  	[tilespmem:s11+$0x19610] =	vst v7;
	v7 =	vmul.f32 v15, v12;
	v14 =	vld [tilespmem:s11+$0x19680]  }
0x194: {  	[tilespmem:s11+$0x19620] =	vst v8;
	v8 =	vmul.f32 v10, v12;
	v10 =	vld [tilespmem:s11+$0x19690]  }
0x195: {  	[tilespmem:s11+$0x19630] =	vst v7;
	v7 =	vmul.f32 v13, v12;
	v13 =	vld [tilespmem:s11+$0x196A0]  }
0x196: {  	[tilespmem:s11+$0x19640] =	vst v8;
	v8 =	vmul.f32 v9, v12;
	v9 =	vbroadcast v1, $0x7;
	v15 =	vld [tilespmem:s11+$0x196B0]  }
0x197: {  	[tilespmem:s11+$0x19650] =	vst v7;
	v7 =	vmul.f32 v11, v12;
	v11 =	vld [tilespmem:s11+$0x196C0]  }
0x198: {  	[tilespmem:s11+$0x19660] =	vst v8;
	v8 =	vmul.f32 v14, v9;
	v12 =	vld [tilespmem:s11+$0x196D0]  }
0x199: {  	[tilespmem:s11+$0x19670] =	vst v7;
	v7 =	vmul.f32 v10, v9;
	v10 =	vld [tilespmem:s11+$0x196E0]  }
0x19a: {  	[tilespmem:s11+$0x19680] =	vst v8;
	v8 =	vmul.f32 v13, v9;
	v13 =	vld [tilespmem:s11+$0x196F0]  }
0x19b: {  	[tilespmem:s11+$0x19690] =	vst v7;
	v7 =	vmul.f32 v15, v9;
	v14 =	vld [tilespmem:s11+$0x19700]  }
0x19c: {  	[tilespmem:s11+$0x196A0] =	vst v8;
	v8 =	vmul.f32 v11, v9;
	v11 =	vld [tilespmem:s11+$0x19710]  }
0x19d: {  	[tilespmem:s11+$0x196B0] =	vst v7;
	v7 =	vmul.f32 v12, v9;
	v12 =	vld [tilespmem:s11+$0x19720]  }
0x19e: {  	[tilespmem:s11+$0x196C0] =	vst v8;
	v8 =	vmul.f32 v10, v9;
	v10 =	vbroadcast v1, $0x8;
	v15 =	vld [tilespmem:s11+$0x19730]  }
0x19f: {  	[tilespmem:s11+$0x196D0] =	vst v7;
	v7 =	vmul.f32 v13, v9;
	v9 =	vld [tilespmem:s11+$0x19740]  }
0x1a0: {  	[tilespmem:s11+$0x196E0] =	vst v8;
	v8 =	vmul.f32 v14, v10;
	v13 =	vld [tilespmem:s11+$0x19750]  }
0x1a1: {  	[tilespmem:s11+$0x196F0] =	vst v7;
	v7 =	vmul.f32 v11, v10;
	v11 =	vld [tilespmem:s11+$0x19760]  }
0x1a2: {  	[tilespmem:s11+$0x19700] =	vst v8;
	v8 =	vmul.f32 v12, v10;
	v12 =	vld [tilespmem:s11+$0x19770]  }
0x1a3: {  	[tilespmem:s11+$0x19710] =	vst v7;
	v7 =	vmul.f32 v15, v10;
	v14 =	vld [tilespmem:s11+$0x19780]  }
0x1a4: {  	[tilespmem:s11+$0x19720] =	vst v8;
	v8 =	vmul.f32 v9, v10;
	v9 =	vld [tilespmem:s11+$0x19790]  }
0x1a5: {  	[tilespmem:s11+$0x19730] =	vst v7;
	v7 =	vmul.f32 v13, v10;
	v13 =	vld [tilespmem:s11+$0x197A0]  }
0x1a6: {  	[tilespmem:s11+$0x19740] =	vst v8;
	v8 =	vmul.f32 v11, v10;
	v11 =	vbroadcast v1, $0x9;
	v15 =	vld [tilespmem:s11+$0x197B0]  }
0x1a7: {  	[tilespmem:s11+$0x19750] =	vst v7;
	v7 =	vmul.f32 v12, v10;
	v10 =	vld [tilespmem:s11+$0x197C0]  }
0x1a8: {  	[tilespmem:s11+$0x19760] =	vst v8;
	v8 =	vmul.f32 v14, v11;
	v12 =	vld [tilespmem:s11+$0x197D0]  }
0x1a9: {  	[tilespmem:s11+$0x19770] =	vst v7;
	v7 =	vmul.f32 v9, v11;
	v9 =	vld [tilespmem:s11+$0x197E0]  }
0x1aa: {  	[tilespmem:s11+$0x19780] =	vst v8;
	v8 =	vmul.f32 v13, v11;
	v13 =	vld [tilespmem:s11+$0x197F0]  }
0x1ab: {  	[tilespmem:s11+$0x19790] =	vst v7;
	v7 =	vmul.f32 v15, v11;
	v14 =	vld [tilespmem:s11+$0x19800]  }
0x1ac: {  	[tilespmem:s11+$0x197A0] =	vst v8;
	v8 =	vmul.f32 v10, v11;
	v10 =	vld [tilespmem:s11+$0x19810]  }
0x1ad: {  	[tilespmem:s11+$0x197B0] =	vst v7;
	v7 =	vmul.f32 v12, v11;
	v12 =	vld [tilespmem:s11+$0x19820]  }
0x1ae: {  	[tilespmem:s11+$0x197C0] =	vst v8;
	v8 =	vmul.f32 v9, v11;
	v9 =	vld [tilespmem:s11+$0x19830]  }
0x1af: {  	[tilespmem:s11+$0x197D0] =	vst v7;
	v7 =	vmul.f32 v13, v11;
	v11 =	vld [tilespmem:s11+$0x19840]  }
0x1b0: {  	[tilespmem:s11+$0x197E0] =	vst v8;
	v8 =	vmul.f32 v14, v4;
	v13 =	vld [tilespmem:s11+$0x19850]  }
0x1b1: {  	[tilespmem:s11+$0x197F0] =	vst v7;
	v7 =	vmul.f32 v10, v4;
	v10 =	vld [tilespmem:s11+$0x19860]  }
0x1b2: {  	v14 =	vld [tilespmem:s11+$0x19300];
	[tilespmem:s11+$0x19800] =	vst v8;
	v8 =	vmul.f32 v12, v4  }
0x1b3: {  	v12 =	vld [tilespmem:s11+$0x19310];
	[tilespmem:s11+$0x19810] =	vst v7;
	v7 =	vmul.f32 v9, v4  }
0x1b4: {  	v9 =	vld [tilespmem:s11+$0x19340];
	[tilespmem:s11+$0x19820] =	vst v8;
	v8 =	vmul.f32 v11, v4  }
0x1b5: {  	v11 =	vld [tilespmem:s11+$0x19350];
	[tilespmem:s11+$0x19830] =	vst v7;
	v7 =	vmul.f32 v13, v4  }
0x1b6: {  	[tilespmem:s11+$0x19840] =	vst v8;
	v8 =	vmul.f32 v10, v4;
	v10 =	vbroadcast v1, $0xB;
	v13 =	vld [tilespmem:s11+$0x198A0]  }
0x1b7: {  	v4 =	vbroadcast v1, $0xF;
	v14 =	vmul.f32 v2, v14;
	[tilespmem:s11+$0x19850] =	vst v7;
	v7 =	vld [tilespmem:s11+$0x198B0]  }
0x1b8: {  	v12 =	vmul.f32 v12, v2;
	[tilespmem:s11+$0x19860] =	vst v8;
	v5 =	vmul.f32 v5, v10;
	v8 =	vld [tilespmem:s11+$0x198C0]  }
0x1b9: {  	v6 =	vmul.f32 v6, v10;
	[tilespmem:s11+$0x19300] =	vst v14;
	v9 =	vmul.f32 v9, v2;
	v14 =	vld [tilespmem:s11+$0x198D0]  }
0x1ba: {  	v3 =	vmul.f32 v3, v4;
	v11 =	vmul.f32 v11, v2;
	[tilespmem:s11+$0x19880] =	vst v5;
	v2 =	vld [tilespmem:s11+$0x198E0]  }
0x1bb: {  	[tilespmem:s11+$0x19890] =	vst v6;
	v5 =	vmul.f32 v13, v10;
	v6 =	vld [tilespmem:s11+$0x198F0]  }
0x1bc: {  	v7 =	vmul.f32 v7, v10;
	v13 =	vld [tilespmem:s11+$0x19900];
	[tilespmem:s11+$0x19AD0] =	vst v3  }
0x1bd: {  	[tilespmem:s11+$0x19310] =	vst v12;
	v3 =	vmul.f32 v8, v10;
	v8 =	vld [tilespmem:s11+$0x19910]  }
0x1be: {  	[tilespmem:s11+$0x19340] =	vst v9;
	v9 =	vmul.f32 v14, v10;
	v12 =	vld [tilespmem:s11+$0x19920]  }
0x1bf: {  	v14 =	vbroadcast v1, $0xC;
	[tilespmem:s11+$0x198A0] =	vst v5;
	v5 =	vmul.f32 v2, v10;
	v15 =	vld [tilespmem:s11+$0x19930]  }
0x1c0: {  	[tilespmem:s11+$0x198D0] =	vst v9;
	v6 =	vmul.f32 v6, v10;
	v9 =	vld [tilespmem:s11+$0x19940]  }
0x1c1: {  	[tilespmem:s11+$0x198B0] =	vst v7;
	v2 =	vmul.f32 v13, v14;
	v7 =	vld [tilespmem:s11+$0x19950]  }
0x1c2: {  	[tilespmem:s11+$0x198C0] =	vst v3;
	v3 =	vmul.f32 v8, v14;
	v8 =	vld [tilespmem:s11+$0x19960]  }
0x1c3: {  	[tilespmem:s11+$0x19900] =	vst v2;
	v2 =	vmul.f32 v12, v14;
	v10 =	vld [tilespmem:s11+$0x19970]  }
0x1c4: {  	[tilespmem:s11+$0x19910] =	vst v3;
	v3 =	vld [tilespmem:s11+$0x19980]  }
0x1c5: {  	[tilespmem:s11+$0x19350] =	vst v11;
	v9 =	vmul.f32 v9, v14;
	v11 =	vld [tilespmem:s11+$0x19990]  }
0x1c6: {  	[tilespmem:s11+$0x198E0] =	vst v5;
	v5 =	vmul.f32 v7, v14;
	v7 =	vld [tilespmem:s11+$0x199A0]  }
0x1c7: {  	[tilespmem:s11+$0x19940] =	vst v9;
	v8 =	vmul.f32 v8, v14;
	v9 =	vbroadcast v1, $0xD;
	v12 =	vld [tilespmem:s11+$0x199B0]  }
0x1c8: {  	[tilespmem:s11+$0x19950] =	vst v5;
	v5 =	vmul.f32 v10, v14;
	v10 =	vld [tilespmem:s11+$0x199C0]  }
0x1c9: {  	[tilespmem:s11+$0x19960] =	vst v8;
	v3 =	vmul.f32 v3, v9;
	v8 =	vld [tilespmem:s11+$0x199D0]  }
0x1ca: {  	[tilespmem:s11+$0x19970] =	vst v5;
	v5 =	vmul.f32 v11, v9;
	v11 =	vld [tilespmem:s11+$0x199E0]  }
0x1cb: {  	[tilespmem:s11+$0x19980] =	vst v3;
	v3 =	vmul.f32 v7, v9;
	v7 =	vld [tilespmem:s11+$0x199F0]  }
0x1cc: {  	[tilespmem:s11+$0x19990] =	vst v5;
	v5 =	vmul.f32 v12, v9;
	v12 =	vld [tilespmem:s11+$0x19A00]  }
0x1cd: {  	[tilespmem:s11+$0x199A0] =	vst v3;
	v3 =	vmul.f32 v10, v9;
	v10 =	vld [tilespmem:s11+$0x19A10]  }
0x1ce: {  	[tilespmem:s11+$0x199B0] =	vst v5;
	v5 =	vmul.f32 v8, v9;
	v8 =	vld [tilespmem:s11+$0x19A20]  }
0x1cf: {  	v1 =	vbroadcast v1, $0xE;
	[tilespmem:s11+$0x198F0] =	vst v6;
	v6 =	vmul.f32 v11, v9;
	v11 =	vld [tilespmem:s11+$0x19A30]  }
0x1d0: {  	[tilespmem:s11+$0x199D0] =	vst v5;
	v5 =	vmul.f32 v7, v9;
	v7 =	vld [tilespmem:s11+$0x19A40]  }
0x1d1: {  	[tilespmem:s11+$0x199E0] =	vst v6;
	v6 =	vmul.f32 v12, v1;
	v9 =	vld [tilespmem:s11+$0x19A50]  }
0x1d2: {  	[tilespmem:s11+$0x199F0] =	vst v5;
	v5 =	vmul.f32 v10, v1;
	v10 =	vld [tilespmem:s11+$0x19A60]  }
0x1d3: {  	[tilespmem:s11+$0x19A00] =	vst v6;
	v6 =	vmul.f32 v8, v1;
	v8 =	vld [tilespmem:s11+$0x19A70]  }
0x1d4: {  	[tilespmem:s11+$0x19A10] =	vst v5;
	v5 =	vmul.f32 v11, v1;
	v11 =	vld [tilespmem:s11+$0x19A80]  }
0x1d5: {  	[tilespmem:s11+$0x19A20] =	vst v6;
	v6 =	vmul.f32 v7, v1;
	v7 =	vld [tilespmem:s11+$0x19A90]  }
0x1d6: {  	[tilespmem:s11+$0x19A30] =	vst v5;
	v5 =	vmul.f32 v9, v1;
	v9 =	vld [tilespmem:s11+$0x19AA0]  }
0x1d7: {  	[tilespmem:s11+$0x19A40] =	vst v6;
	v6 =	vmul.f32 v10, v1;
	v10 =	vld [tilespmem:s11+$0x19AB0]  }
0x1d8: {  	[tilespmem:s11+$0x199C0] =	vst v3;
	v1 =	vmul.f32 v8, v1;
	v3 =	vld [tilespmem:s11+$0x19AC0]  }
0x1d9: {  	[tilespmem:s11+$0x19A60] =	vst v6;
	v6 =	vmul.f32 v11, v4;
	v8 =	vld [tilespmem:s11+$0x19AE0]  }
0x1da: {  	[tilespmem:s11+$0x19A70] =	vst v1;
	v1 =	vmul.f32 v7, v4;
	v7 =	vld [tilespmem:s11+$0x19AF0]  }
0x1db: {  	[tilespmem:s11+$0x19A80] =	vst v6;
	v6 =	vmul.f32 v9, v4  }
0x1dc: {  	[tilespmem:s11+$0x19A90] =	vst v1;
	v1 =	vmul.f32 v10, v4  }
0x1dd: {  	v9 =	vmul.f32 v15, v14;
	[tilespmem:s11+$0x19AA0] =	vst v6  }
0x1de: {  	[tilespmem:s11+$0x19AB0] =	vst v1;
	v1 =	vmul.f32 v3, v4  }
.Ltmp1:
0x1df: {  	[tilespmem:s11+$0x19930] =	vst v9;
	v3 =	vmul.f32 v7, v4;
	(pc) =	sbr.rel @p0 .LBB2_5-.Ltmp1, $4  }
0x1e0: {  	[tilespmem:s11+$0x19AC0] =	vst v1  }
0x1e1: {  	v1 =	vmul.f32 v8, v4;
	[tilespmem:s11+$0x19AF0] =	vst v3  }
0x1e2: {  	[tilespmem:s11+$0x19A50] =	vst v5  }
0x1e3: {  	[tilespmem:s11+$0x19AE0] =	vst v1  }
0x1e4: {  	[tilespmem:s11+$0x19920] =	vst v2  }
0x1e5: {  	[spmem:s3] =	stream.indirect.scatter.add.f32 [tilespmem:s28], [sflag:$0x2], $0x80, s1, s2, $0xb8;
	[tilespmem:$0x1D380] =	vst v63  }
0x1e6: {  	s10 =	sadd.s32 $0x1, s10;
	_ =	swait.ge [sflag:s25], $0x4000  }
0x1e7: {  	p0 =	sne.s32 s10, $0x51;
	[sflag:s25] =	ssyncset.done $0x0  }
.Ltmp2:
0x1e8: {  	[sflag:s25] =	ssyncadd.s32 $0xFFFFC000;
	(pc) =	sbr.rel @p0 .LBB2_4-.Ltmp2, $4  }
0x1e9: {  	[spmem:s4] =	stream.indirect.scatter.add.f32 [tilespmem:s29], [sflag:$0x2], $0x1, s1, s2, $0xb8;
	[tilespmem:$0x1D380] =	vst v63  }
0x1ea: {  	_ =	swait.ge [sflag:s25], $0x80  }
0x1eb: {  	[sflag:s25] =	ssyncset.done $0x0  }
0x1ec: {  	[sflag:s25] =	ssyncadd.s32 $0xFFFFFF80  }
0x1ed: {  	s7 =	stileid.u32  }
0x1ee: {  	s7 =	sshll.u32 s7, $0x6  }
0x1ef: {  	[bflag:$0x0] =	sbarrier.arrive $0xFFFF;
	s10 =	sshrl.u32 s8, $0x3;
	s7 =	sor.u32 $0x1C02, s7  }
0x1f0: {  	[hbm:s22], [sflag:s7] =	dma.local [spmem:s10], $0x2800  }
0x1f1: {  	s13 =	sshrl.u32 s9, $0x3;
	s6 =	sadd.s32 $0x1, s6;
	_ =	swait.ge [sflag:s25], $0x2800  }
0x1f2: {  	s11 =	simm.s32 $0x20;
	p0 =	sne.s32 s6, s21;
	[sflag:s25] =	ssyncset.done $0x0  }
.Ltmp3:
0x1f3: {  	s12 =	simm.s32 $0x10;
	[sflag:s25] =	ssyncadd.s32 $0xFFFFD800;
	(pc) =	sbr.rel @p0 .LBB2_1-.Ltmp3, $4  }
0x1f4: {  	[hbm:s24@s11], [sflag:s7] =	dma.strided [spmem:s13@s12], $0x50, s5, $0x10   }
0x1f5: {  	_ =	swait.ge [sflag:s25], $0x50  }
0x1f6: {  	[sflag:s25] =	ssyncset.done $0x0  }
0x1f7: {  	[sflag:s25] =	ssyncadd.s32 $0xFFFFFFB0  }
0x1f8: {  	_ =	sfence.sel $0x180000  }
0x1f9: {  	[bflag:$0x0] =	sbarrier.arrive $0xFFFF  }
0x1fa: {  	_ =	strace $0x90000047  }
0x1fb: {  	s0 =	stileid.u32;
	[bflag:$0x2] =	sbarrier.arrive $0xFFFF  }
0x1fc: {  	p0 =	sne.s32 s0, $0x0;
	s0 =	rddreg [dreg:$0x4]  }
0x1fd: {  	s0 =	sadd.s32 @!p0 $0x100000, s0  }
0x1fe: {  	[sflag:s0] =	ssyncadd.tile.s32 @!p0 $0x1;
	_ =	shalt  }
.Lfunc_end2:
_tile_overlayer_lowered:
.L_overlay_start_2:
0x1ff: {  	(tag) =	ssettag $0x2  }
0x200: {  	s0 =	rddreg [dreg:$0x0];
	s2 =	stileid.u32  }
0x201: {  	s1 =	rddreg [dreg:$0x1];
	p0 =	sne.s32 s2, $0x0  }
0x202: {  	s3 =	rddreg [dreg:$0x2];
	[bflag:$0x3] =	sbarrier.arrive $0xFFFF;
	s2 =	simm.s32 @!p0 $0x1C02  }
0x203: {  	[timem:s3], [sflag:s2] =	dma.local @!p0 [hbm:s0], s1  }
0x204: {  	s0 =	simm.s32 @!p0 $0x2  }
0x205: {  	_ =	swait.ge @!p0 [sflag:s0], s1  }
0x206: {  	s1 =	ssub.s32 @!p0 $0x0, s1;
	[sflag:s0] =	ssyncset.done @!p0 $0x0  }
0x207: {  	[sflag:s0] =	ssyncadd.s32 @!p0 s1  }
0x208: {  	[bflag:$0x3] =	sbarrier.arrive $0xFFFF  }
0x209: {  	_ =	shalt  }

</sc_bundles>
